<compile_context>
chip_gen: v7x
topology: tpu7x:2x2x1
jax: 0.10.2.dev20260603
libtpu: 0.0.44.dev20260713+nightly
codegen_flags: <defaults>
</compile_context>

<pallas_src>
import functools

import jax
import jax.numpy as jnp
from jax import lax
from jax.experimental import pallas as pl
from jax.experimental.pallas import tpu as pltpu
from jax.experimental.pallas import tpu_sc as plsc

N = 32 * 32768
NW = 32
PER_W = N // NW
L1B = 1024
L2B = 1024
L3B = 2048
KEEP = N // 2
RATE = 0.5
L1S = L1B + 1
L2S = L2B + 1
L3S = L3B + 1
NCH = 8

_mesh = plsc.VectorSubcoreMesh(core_axis_name="c", subcore_axis_name="s")


def _wid():
    return lax.axis_index("s") * 2 + lax.axis_index("c")


@functools.partial(
    pl.kernel,
    mesh=_mesh,
    compiler_params=pltpu.CompilerParams(needs_layout_passes=False),
    out_type=[
        jax.ShapeDtypeStruct((NW, PER_W), jnp.float32),
        jax.ShapeDtypeStruct((NW, L1B), jnp.int32),
        jax.ShapeDtypeStruct((NW, L1B), jnp.float32),
    ],
    scratch_types=[
        pltpu.VMEM((PER_W,), jnp.float32),
        pltpu.VMEM((PER_W,), jnp.float32),
        pltpu.VMEM((16 * L1S,), jnp.int32),
        pltpu.VMEM((16 * L1S,), jnp.float32),
        pltpu.VMEM((L1B,), jnp.int32),
        pltpu.VMEM((L1B,), jnp.float32),
    ] + [pltpu.SemaphoreType.DMA] * 3,
)
def _sc_pass1(p_hbm, g_hbm, loss_hbm, cnt_hbm, sum_hbm, pbuf, gbuf, cnt, sm,
              cred, sred, sem_p, sem_g, sem_o):
    wid = _wid()
    CH = PER_W // NCH
    in_copies = []
    for ch in range(NCH):
        d = pl.ds(ch * CH, CH)
        in_copies.append((
            pltpu.async_copy(p_hbm.at[wid, d], pbuf.at[d], sem_p),
            pltpu.async_copy(g_hbm.at[wid, d], gbuf.at[d], sem_g),
        ))

    zi = jnp.zeros((16,), jnp.int32)
    zf = jnp.zeros((16,), jnp.float32)

    @plsc.parallel_loop(0, 16 * L1S, 16, unroll=4)
    def _(off):
        cnt[pl.ds(off, 16)] = zi
        sm[pl.ds(off, 16)] = zf

    lane = lax.iota(jnp.int32, 16) * L1S
    ones = jnp.ones((16,), jnp.int32)

    def chunk_body(c, carry):
        in_copies[0][0].wait()
        in_copies[0][1].wait()
        base = c * CH

        @plsc.parallel_loop(base, base + CH, 16, unroll=8)
        def _(off):
            p = pbuf[pl.ds(off, 16)]
            g = gbuf[pl.ds(off, 16)]
            loss = jnp.abs(jnp.where(g > 0.0, p, 0.0) - g)
            pbuf[pl.ds(off, 16)] = loss
            bits = plsc.bitcast(loss, jnp.int32)
            idx = lane + (bits >> 21)
            plsc.addupdate_scatter(cnt, [idx], ones)
            plsc.addupdate_scatter(sm, [idx], loss)

        dd = pl.ds(base, CH)
        pltpu.async_copy(pbuf.at[dd], loss_hbm.at[wid, dd], sem_o)
        return carry

    lax.fori_loop(0, NCH, chunk_body, 0)

    out_copies = []
    for ch in range(NCH):
        d = pl.ds(ch * CH, CH)
        out_copies.append(
            pltpu.make_async_copy(pbuf.at[d], loss_hbm.at[wid, d], sem_o))

    @plsc.parallel_loop(0, L1B, 16, unroll=2)
    def _(g):
        acc_i = cnt[pl.ds(g, 16)]
        acc_f = sm[pl.ds(g, 16)]
        for l in range(1, 16):
            acc_i = acc_i + cnt[pl.ds(l * L1S + g, 16)]
            acc_f = acc_f + sm[pl.ds(l * L1S + g, 16)]
        cred[pl.ds(g, 16)] = acc_i
        sred[pl.ds(g, 16)] = acc_f

    for c in out_copies:
        c.wait()
    pltpu.sync_copy(cred, cnt_hbm.at[wid])
    pltpu.sync_copy(sred, sum_hbm.at[wid])


@functools.partial(
    pl.kernel,
    mesh=_mesh,
    compiler_params=pltpu.CompilerParams(needs_layout_passes=False),
    out_type=[
        jax.ShapeDtypeStruct((NW, L2B), jnp.int32),
        jax.ShapeDtypeStruct((NW, L2B), jnp.float32),
    ],
    scratch_types=[
        pltpu.VMEM((PER_W,), jnp.float32),
        pltpu.VMEM((16,), jnp.int32),
        pltpu.VMEM((16 * L2S,), jnp.int32),
        pltpu.VMEM((16 * L2S,), jnp.float32),
        pltpu.VMEM((L2B,), jnp.int32),
        pltpu.VMEM((L2B,), jnp.float32),
    ] + [pltpu.SemaphoreType.DMA],
)
def _sc_pass2(loss_hbm, p1_hbm, cnt_hbm, sum_hbm, lbuf, pv, cnt, sm, cred,
              sred, sem_i):
    wid = _wid()
    CH = PER_W // NCH
    pltpu.sync_copy(p1_hbm.at[0], pv)
    in_copies = []
    for ch in range(NCH):
        d = pl.ds(ch * CH, CH)
        in_copies.append(
            pltpu.async_copy(loss_hbm.at[wid, d], lbuf.at[d], sem_i))
    b1 = pv[...]

    zi = jnp.zeros((16,), jnp.int32)
    zf = jnp.zeros((16,), jnp.float32)

    @plsc.parallel_loop(0, 16 * L2S, 16, unroll=4)
    def _(off):
        cnt[pl.ds(off, 16)] = zi
        sm[pl.ds(off, 16)] = zf

    lane = lax.iota(jnp.int32, 16) * L2S
    ones = jnp.ones((16,), jnp.int32)

    def chunk_body(c, carry):
        in_copies[0].wait()
        base = c * CH

        @plsc.parallel_loop(base, base + CH, 16, unroll=8)
        def _(off):
            loss = lbuf[pl.ds(off, 16)]
            bits = plsc.bitcast(loss, jnp.int32)
            act = (bits >> 21) == b1
            idx = lane + ((bits >> 11) & (L2B - 1))
            plsc.addupdate_scatter(cnt, [idx], ones, mask=act)
            plsc.addupdate_scatter(sm, [idx], loss, mask=act)

        return carry

    lax.fori_loop(0, NCH, chunk_body, 0)

    @plsc.parallel_loop(0, L2B, 16, unroll=2)
    def _(g):
        acc_i = cnt[pl.ds(g, 16)]
        acc_f = sm[pl.ds(g, 16)]
        for l in range(1, 16):
            acc_i = acc_i + cnt[pl.ds(l * L2S + g, 16)]
            acc_f = acc_f + sm[pl.ds(l * L2S + g, 16)]
        cred[pl.ds(g, 16)] = acc_i
        sred[pl.ds(g, 16)] = acc_f

    pltpu.sync_copy(cred, cnt_hbm.at[wid])
    pltpu.sync_copy(sred, sum_hbm.at[wid])


@functools.partial(
    pl.kernel,
    mesh=_mesh,
    compiler_params=pltpu.CompilerParams(needs_layout_passes=False),
    out_type=[
        jax.ShapeDtypeStruct((NW, L3B), jnp.int32),
    ],
    scratch_types=[
        pltpu.VMEM((PER_W,), jnp.float32),
        pltpu.VMEM((16,), jnp.int32),
        pltpu.VMEM((16 * L3S,), jnp.int32),
        pltpu.VMEM((L3B,), jnp.int32),
    ] + [pltpu.SemaphoreType.DMA],
)
def _sc_pass3(loss_hbm, p2_hbm, cnt_hbm, lbuf, pv, cnt, cred, sem_i):
    wid = _wid()
    CH = PER_W // NCH
    pltpu.sync_copy(p2_hbm.at[0], pv)
    in_copies = []
    for ch in range(NCH):
        d = pl.ds(ch * CH, CH)
        in_copies.append(
            pltpu.async_copy(loss_hbm.at[wid, d], lbuf.at[d], sem_i))
    pref = pv[...]

    zi = jnp.zeros((16,), jnp.int32)

    @plsc.parallel_loop(0, 16 * L3S, 16, unroll=4)
    def _(off):
        cnt[pl.ds(off, 16)] = zi

    lane = lax.iota(jnp.int32, 16) * L3S
    ones = jnp.ones((16,), jnp.int32)

    def chunk_body(c, carry):
        in_copies[0].wait()
        base = c * CH

        @plsc.parallel_loop(base, base + CH, 16, unroll=8)
        def _(off):
            loss = lbuf[pl.ds(off, 16)]
            bits = plsc.bitcast(loss, jnp.int32)
            act = (bits >> 11) == pref
            idx = lane + (bits & (L3B - 1))
            plsc.addupdate_scatter(cnt, [idx], ones, mask=act)

        return carry

    lax.fori_loop(0, NCH, chunk_body, 0)

    @plsc.parallel_loop(0, L3B, 16, unroll=2)
    def _(g):
        acc_i = cnt[pl.ds(g, 16)]
        for l in range(1, 16):
            acc_i = acc_i + cnt[pl.ds(l * L3S + g, 16)]
        cred[pl.ds(g, 16)] = acc_i

    pltpu.sync_copy(cred, cnt_hbm.at[wid])


def _suffix_ge(c, nb):
    iota = lax.broadcasted_iota(jnp.int32, (1, nb), 1)
    t = c
    s = 1
    while s < nb:
        r = pltpu.roll(t, nb - s, axis=1)
        t = t + jnp.where(iota < nb - s, r, 0)
        s *= 2
    return t


def _tc_decide1(cnt, sm):
    def body(cnt_ref, sum_ref, p1_ref, kv_ref, sa_ref):
        c = jnp.sum(cnt_ref[...], axis=0, keepdims=True)
        s = jnp.sum(sum_ref[...], axis=0, keepdims=True)
        t = _suffix_ge(c, L1B)
        iota = lax.broadcasted_iota(jnp.int32, (1, L1B), 1)
        mask = t >= KEEP
        b1 = jnp.max(jnp.where(mask, iota, 0))
        above = iota > b1
        cnt_above = jnp.sum(jnp.where(above, c, 0))
        sum_above = jnp.sum(jnp.where(above, s, 0.0))
        k1 = KEEP - cnt_above
        p1_ref[...] = jnp.full((1, 16), b1, jnp.int32)
        kv_ref[...] = jnp.full((1, 128), k1, jnp.int32)
        sa_ref[...] = jnp.full((1, 128), sum_above, jnp.float32)

    return pl.pallas_call(
        body,
        out_shape=[
            jax.ShapeDtypeStruct((1, 16), jnp.int32),
            jax.ShapeDtypeStruct((1, 128), jnp.int32),
            jax.ShapeDtypeStruct((1, 128), jnp.float32),
        ],
    )(cnt, sm)


def _tc_decide2(cnt, sm, p1, kv, sa):
    def body(cnt_ref, sum_ref, p1_ref, kv_ref, sa_ref, p2_ref, kv2_ref, sa2_ref):
        b1 = jnp.max(p1_ref[...])
        k1 = jnp.max(kv_ref[...])
        sacc = jnp.max(sa_ref[...])
        c = jnp.sum(cnt_ref[...], axis=0, keepdims=True)
        s = jnp.sum(sum_ref[...], axis=0, keepdims=True)
        t = _suffix_ge(c, L2B)
        iota = lax.broadcasted_iota(jnp.int32, (1, L2B), 1)
        mask = t >= k1
        b2 = jnp.max(jnp.where(mask, iota, 0))
        above = iota > b2
        cnt_above = jnp.sum(jnp.where(above, c, 0))
        sum_above = jnp.sum(jnp.where(above, s, 0.0))
        k2 = k1 - cnt_above
        prefix = (b1 << 10) | b2
        p2_ref[...] = jnp.full((1, 16), prefix, jnp.int32)
        kv2_ref[...] = jnp.full((1, 128), k2, jnp.int32)
        sa2_ref[...] = jnp.full((1, 128), sacc + sum_above, jnp.float32)

    return pl.pallas_call(
        body,
        out_shape=[
            jax.ShapeDtypeStruct((1, 16), jnp.int32),
            jax.ShapeDtypeStruct((1, 128), jnp.int32),
            jax.ShapeDtypeStruct((1, 128), jnp.float32),
        ],
    )(cnt, sm, p1, kv, sa)


def _tc_decide3(cnt, p2, kv, sa):
    def body(cnt_ref, p2_ref, kv_ref, sa_ref, out_ref):
        prefix = jnp.max(p2_ref[...])
        k2 = jnp.max(kv_ref[...])
        sacc = jnp.max(sa_ref[...])
        c = jnp.sum(cnt_ref[...], axis=0, keepdims=True)
        cf = c.astype(jnp.float32)
        iota = lax.broadcasted_iota(jnp.int32, (1, L3B), 1)
        vals = lax.bitcast_convert_type((prefix << 11) | iota, jnp.float32)
        t = _suffix_ge(c, L3B)
        mask = t >= k2
        b3 = jnp.max(jnp.where(mask, iota, 0))
        above = iota > b3
        cnt_above = jnp.sum(jnp.where(above, c, 0))
        sum_above = jnp.sum(jnp.where(above, cf * vals, 0.0))
        kfin = (k2 - cnt_above).astype(jnp.float32)
        tval = jnp.sum(jnp.where(iota == b3, vals, 0.0))
        out_ref[...] = jnp.full((1, 128), sacc + sum_above + kfin * tval,
                                jnp.float32)

    return pl.pallas_call(
        body,
        out_shape=jax.ShapeDtypeStruct((1, 128), jnp.float32),
    )(cnt, p2, kv, sa)


def kernel(predict, groundth, keep_num):
    loss, c1, s1 = _sc_pass1(predict, groundth)
    p1, k1, sa1 = _tc_decide1(c1, s1)
    c2, s2 = _sc_pass2(loss, p1)
    p2, k2, sa2 = _tc_decide2(c2, s2, p1, k1, sa1)
    (c3,) = _sc_pass3(loss, p2)
    total = _tc_decide3(c3, p2, k2, sa2)
    return total[0, 0] / (RATE * keep_num)

# --- scband reference (transcript-rebuilt; emitter-appended) ---
"""Pipeline reference for scband-ohemseloss-49100066127878 (READ-ONLY COPY).

The authoritative reference and input builder live on the scoring server;
editing this copy changes nothing except your own understanding.
"""

import jax, jax.numpy as jnp
import numpy as np


def setup_inputs(seed: int = 0) -> dict:
    key = jax.random.key(seed)
    k1, k2 = jax.random.split(key)
    predict = jax.random.normal(k1, (32, 32768), dtype=jnp.float32)
    groundth = jax.random.normal(k2, (32, 32768), dtype=jnp.float32)
    return {"predict": predict, "groundth": groundth, "keep_num": 1048576}


def reference(predict, groundth, keep_num):
    rate = 0.5
    # pos_inds = groundth.gt(0).float(); predict = predict * pos_inds
    pos_inds = (groundth > 0).astype(predict.dtype)
    p = predict * pos_inds
    # ohem_reg_loss = abs(predict - groundth).view(-1)
    ohem_reg_loss = jnp.abs(p - groundth).reshape(-1)
    keep = ohem_reg_loss.size // 2
    # torch.sort(descending=True) then take first keep == top_k values
    kept_vals, kept_idx = jax.lax.top_k(ohem_reg_loss, keep)
    return jnp.sum(kept_vals) / (rate * keep_num)

if __name__ == "__main__":
    import jax
    _d = setup_inputs()
    print(jax.jit(kernel)(*tuple(_d.values())))

</pallas_src>

<mosaic_0001>
#map = affine_map<(d0, d1) -> (0, 0)>
module attributes {stable_mosaic.version = 14 : i64} {
  func.func @_sc_pass3(%arg0: i32, %arg1: i32, %arg2: memref<32x32768xf32, #tpu.memory_space<hbm>>, %arg3: memref<1x16xi32, #tpu.memory_space<hbm>>, %arg4: memref<32x2048xi32, #tpu.memory_space<hbm>>, %arg5: memref<32768xf32, #tpu.memory_space<vmem>>, %arg6: memref<16xi32, #tpu.memory_space<vmem>>, %arg7: memref<32784xi32, #tpu.memory_space<vmem>>, %arg8: memref<2048xi32, #tpu.memory_space<vmem>>, %arg9: memref<!tpu.dma_semaphore, #tpu.memory_space<semaphore_mem>>) attributes {dimension_semantics = [#tpu.dimension_semantics<core_parallel>, #tpu.dimension_semantics<subcore_parallel>], iteration_bounds = array<i64: 2, 16>, scalar_prefetch = 0 : i64, scratch_operands = 5 : i64, tpu.core_type = #tpu.core_type<sc_vector_subcore>, window_params = [{transform_indices = #map}, {transform_indices = #map}, {transform_indices = #map}]} {
    %mul3A = arith.constant 2 : i32
    %mul3A_0 = arith.muli %arg1, %mul3A : i32
    %add3A = arith.addi %mul3A_0, %arg0 : i32
    %run_scoped3A = arith.constant 0 : i32
    "tpu.region"() ({
      %run_scoped3A_97 = tpu.sem_alloc : memref<!tpu.dma_semaphore, #tpu.memory_space<semaphore_mem>>
      %dma_start3A_98 = arith.constant 0 : i32
      %dma_start3A_99 = tpu.memref_slice %arg3[%run_scoped3A, %dma_start3A_98] : memref<1x16xi32, #tpu.memory_space<hbm>> -> memref<1x16xi32, #tpu.memory_space<hbm>>
      %dma_start3A_100 = tpu.memref_squeeze %dma_start3A_99 : memref<1x16xi32, #tpu.memory_space<hbm>> -> memref<16xi32, #tpu.memory_space<hbm>>
      %dma_start3A_101 = arith.constant 0 : i32
      %dma_start3A_102 = tpu.memref_slice %arg3[%run_scoped3A, %dma_start3A_101] : memref<1x16xi32, #tpu.memory_space<hbm>> -> memref<1x16xi32, #tpu.memory_space<hbm>>
      %dma_start3A_103 = tpu.memref_squeeze %dma_start3A_102 : memref<1x16xi32, #tpu.memory_space<hbm>> -> memref<16xi32, #tpu.memory_space<hbm>>
      tpu.enqueue_dma source(%dma_start3A_103 : memref<16xi32, #tpu.memory_space<hbm>>) target(%arg6 : memref<16xi32, #tpu.memory_space<vmem>>) target_semaphore(%run_scoped3A_97 : memref<!tpu.dma_semaphore, #tpu.memory_space<semaphore_mem>>)
      %dma_wait3A = arith.constant 0 : i32
      %dma_wait3A_104 = tpu.memref_slice %arg3[%run_scoped3A, %dma_wait3A] : memref<1x16xi32, #tpu.memory_space<hbm>> -> memref<1x16xi32, #tpu.memory_space<hbm>>
      %dma_wait3A_105 = tpu.memref_squeeze %dma_wait3A_104 : memref<1x16xi32, #tpu.memory_space<hbm>> -> memref<16xi32, #tpu.memory_space<hbm>>
      %dma_wait3A_106 = arith.constant 0 : i32
      %dma_wait3A_107 = tpu.memref_slice %arg3[%run_scoped3A, %dma_wait3A_106] : memref<1x16xi32, #tpu.memory_space<hbm>> -> memref<1x16xi32, #tpu.memory_space<hbm>>
      %dma_wait3A_108 = tpu.memref_squeeze %dma_wait3A_107 : memref<1x16xi32, #tpu.memory_space<hbm>> -> memref<16xi32, #tpu.memory_space<hbm>>
      tpu.wait_dma2 semaphore(%run_scoped3A_97 : memref<!tpu.dma_semaphore, #tpu.memory_space<semaphore_mem>>) src(%dma_wait3A_108 : memref<16xi32, #tpu.memory_space<hbm>>) dst(%arg6 : memref<16xi32, #tpu.memory_space<vmem>>)
      tpu.yield
    }) : () -> ()
    %dma_start3A = arith.constant 0 : i32
    %dma_start3A_1 = tpu.memref_slice %arg5[%dma_start3A] : memref<32768xf32, #tpu.memory_space<vmem>> -> memref<4096xf32, #tpu.memory_space<vmem>>
    %dma_start3A_2 = arith.constant 0 : i32
    %dma_start3A_3 = tpu.memref_slice %arg2[%add3A, %dma_start3A_2] : memref<32x32768xf32, #tpu.memory_space<hbm>> -> memref<1x4096xf32, #tpu.memory_space<hbm>>
    %dma_start3A_4 = tpu.memref_squeeze %dma_start3A_3 : memref<1x4096xf32, #tpu.memory_space<hbm>> -> memref<4096xf32, #tpu.memory_space<hbm>>
    %dma_start3A_5 = arith.constant 0 : i32
    %dma_start3A_6 = tpu.memref_slice %arg5[%dma_start3A_5] : memref<32768xf32, #tpu.memory_space<vmem>> -> memref<4096xf32, #tpu.memory_space<vmem>>
    %dma_start3A_7 = arith.constant 0 : i32
    %dma_start3A_8 = tpu.memref_slice %arg2[%add3A, %dma_start3A_7] : memref<32x32768xf32, #tpu.memory_space<hbm>> -> memref<1x4096xf32, #tpu.memory_space<hbm>>
    %dma_start3A_9 = tpu.memref_squeeze %dma_start3A_8 : memref<1x4096xf32, #tpu.memory_space<hbm>> -> memref<4096xf32, #tpu.memory_space<hbm>>
    tpu.enqueue_dma source(%dma_start3A_9 : memref<4096xf32, #tpu.memory_space<hbm>>) target(%dma_start3A_6 : memref<4096xf32, #tpu.memory_space<vmem>>) target_semaphore(%arg9 : memref<!tpu.dma_semaphore, #tpu.memory_space<semaphore_mem>>)
    %dma_start3A_10 = arith.constant 4096 : i32
    %dma_start3A_11 = tpu.memref_slice %arg5[%dma_start3A_10] : memref<32768xf32, #tpu.memory_space<vmem>> -> memref<4096xf32, #tpu.memory_space<vmem>>
    %dma_start3A_12 = arith.constant 4096 : i32
    %dma_start3A_13 = tpu.memref_slice %arg2[%add3A, %dma_start3A_12] : memref<32x32768xf32, #tpu.memory_space<hbm>> -> memref<1x4096xf32, #tpu.memory_space<hbm>>
    %dma_start3A_14 = tpu.memref_squeeze %dma_start3A_13 : memref<1x4096xf32, #tpu.memory_space<hbm>> -> memref<4096xf32, #tpu.memory_space<hbm>>
    %dma_start3A_15 = arith.constant 4096 : i32
    %dma_start3A_16 = tpu.memref_slice %arg5[%dma_start3A_15] : memref<32768xf32, #tpu.memory_space<vmem>> -> memref<4096xf32, #tpu.memory_space<vmem>>
    %dma_start3A_17 = arith.constant 4096 : i32
    %dma_start3A_18 = tpu.memref_slice %arg2[%add3A, %dma_start3A_17] : memref<32x32768xf32, #tpu.memory_space<hbm>> -> memref<1x4096xf32, #tpu.memory_space<hbm>>
    %dma_start3A_19 = tpu.memref_squeeze %dma_start3A_18 : memref<1x4096xf32, #tpu.memory_space<hbm>> -> memref<4096xf32, #tpu.memory_space<hbm>>
    tpu.enqueue_dma source(%dma_start3A_19 : memref<4096xf32, #tpu.memory_space<hbm>>) target(%dma_start3A_16 : memref<4096xf32, #tpu.memory_space<vmem>>) target_semaphore(%arg9 : memref<!tpu.dma_semaphore, #tpu.memory_space<semaphore_mem>>)
    %dma_start3A_20 = arith.constant 8192 : i32
    %dma_start3A_21 = tpu.memref_slice %arg5[%dma_start3A_20] : memref<32768xf32, #tpu.memory_space<vmem>> -> memref<4096xf32, #tpu.memory_space<vmem>>
    %dma_start3A_22 = arith.constant 8192 : i32
    %dma_start3A_23 = tpu.memref_slice %arg2[%add3A, %dma_start3A_22] : memref<32x32768xf32, #tpu.memory_space<hbm>> -> memref<1x4096xf32, #tpu.memory_space<hbm>>
    %dma_start3A_24 = tpu.memref_squeeze %dma_start3A_23 : memref<1x4096xf32, #tpu.memory_space<hbm>> -> memref<4096xf32, #tpu.memory_space<hbm>>
    %dma_start3A_25 = arith.constant 8192 : i32
    %dma_start3A_26 = tpu.memref_slice %arg5[%dma_start3A_25] : memref<32768xf32, #tpu.memory_space<vmem>> -> memref<4096xf32, #tpu.memory_space<vmem>>
    %dma_start3A_27 = arith.constant 8192 : i32
    %dma_start3A_28 = tpu.memref_slice %arg2[%add3A, %dma_start3A_27] : memref<32x32768xf32, #tpu.memory_space<hbm>> -> memref<1x4096xf32, #tpu.memory_space<hbm>>
    %dma_start3A_29 = tpu.memref_squeeze %dma_start3A_28 : memref<1x4096xf32, #tpu.memory_space<hbm>> -> memref<4096xf32, #tpu.memory_space<hbm>>
    tpu.enqueue_dma source(%dma_start3A_29 : memref<4096xf32, #tpu.memory_space<hbm>>) target(%dma_start3A_26 : memref<4096xf32, #tpu.memory_space<vmem>>) target_semaphore(%arg9 : memref<!tpu.dma_semaphore, #tpu.memory_space<semaphore_mem>>)
    %dma_start3A_30 = arith.constant 12288 : i32
    %dma_start3A_31 = tpu.memref_slice %arg5[%dma_start3A_30] : memref<32768xf32, #tpu.memory_space<vmem>> -> memref<4096xf32, #tpu.memory_space<vmem>>
    %dma_start3A_32 = arith.constant 12288 : i32
    %dma_start3A_33 = tpu.memref_slice %arg2[%add3A, %dma_start3A_32] : memref<32x32768xf32, #tpu.memory_space<hbm>> -> memref<1x4096xf32, #tpu.memory_space<hbm>>
    %dma_start3A_34 = tpu.memref_squeeze %dma_start3A_33 : memref<1x4096xf32, #tpu.memory_space<hbm>> -> memref<4096xf32, #tpu.memory_space<hbm>>
    %dma_start3A_35 = arith.constant 12288 : i32
    %dma_start3A_36 = tpu.memref_slice %arg5[%dma_start3A_35] : memref<32768xf32, #tpu.memory_space<vmem>> -> memref<4096xf32, #tpu.memory_space<vmem>>
    %dma_start3A_37 = arith.constant 12288 : i32
    %dma_start3A_38 = tpu.memref_slice %arg2[%add3A, %dma_start3A_37] : memref<32x32768xf32, #tpu.memory_space<hbm>> -> memref<1x4096xf32, #tpu.memory_space<hbm>>
    %dma_start3A_39 = tpu.memref_squeeze %dma_start3A_38 : memref<1x4096xf32, #tpu.memory_space<hbm>> -> memref<4096xf32, #tpu.memory_space<hbm>>
    tpu.enqueue_dma source(%dma_start3A_39 : memref<4096xf32, #tpu.memory_space<hbm>>) target(%dma_start3A_36 : memref<4096xf32, #tpu.memory_space<vmem>>) target_semaphore(%arg9 : memref<!tpu.dma_semaphore, #tpu.memory_space<semaphore_mem>>)
    %dma_start3A_40 = arith.constant 16384 : i32
    %dma_start3A_41 = tpu.memref_slice %arg5[%dma_start3A_40] : memref<32768xf32, #tpu.memory_space<vmem>> -> memref<4096xf32, #tpu.memory_space<vmem>>
    %dma_start3A_42 = arith.constant 16384 : i32
    %dma_start3A_43 = tpu.memref_slice %arg2[%add3A, %dma_start3A_42] : memref<32x32768xf32, #tpu.memory_space<hbm>> -> memref<1x4096xf32, #tpu.memory_space<hbm>>
    %dma_start3A_44 = tpu.memref_squeeze %dma_start3A_43 : memref<1x4096xf32, #tpu.memory_space<hbm>> -> memref<4096xf32, #tpu.memory_space<hbm>>
    %dma_start3A_45 = arith.constant 16384 : i32
    %dma_start3A_46 = tpu.memref_slice %arg5[%dma_start3A_45] : memref<32768xf32, #tpu.memory_space<vmem>> -> memref<4096xf32, #tpu.memory_space<vmem>>
    %dma_start3A_47 = arith.constant 16384 : i32
    %dma_start3A_48 = tpu.memref_slice %arg2[%add3A, %dma_start3A_47] : memref<32x32768xf32, #tpu.memory_space<hbm>> -> memref<1x4096xf32, #tpu.memory_space<hbm>>
    %dma_start3A_49 = tpu.memref_squeeze %dma_start3A_48 : memref<1x4096xf32, #tpu.memory_space<hbm>> -> memref<4096xf32, #tpu.memory_space<hbm>>
    tpu.enqueue_dma source(%dma_start3A_49 : memref<4096xf32, #tpu.memory_space<hbm>>) target(%dma_start3A_46 : memref<4096xf32, #tpu.memory_space<vmem>>) target_semaphore(%arg9 : memref<!tpu.dma_semaphore, #tpu.memory_space<semaphore_mem>>)
    %dma_start3A_50 = arith.constant 20480 : i32
    %dma_start3A_51 = tpu.memref_slice %arg5[%dma_start3A_50] : memref<32768xf32, #tpu.memory_space<vmem>> -> memref<4096xf32, #tpu.memory_space<vmem>>
    %dma_start3A_52 = arith.constant 20480 : i32
    %dma_start3A_53 = tpu.memref_slice %arg2[%add3A, %dma_start3A_52] : memref<32x32768xf32, #tpu.memory_space<hbm>> -> memref<1x4096xf32, #tpu.memory_space<hbm>>
    %dma_start3A_54 = tpu.memref_squeeze %dma_start3A_53 : memref<1x4096xf32, #tpu.memory_space<hbm>> -> memref<4096xf32, #tpu.memory_space<hbm>>
    %dma_start3A_55 = arith.constant 20480 : i32
    %dma_start3A_56 = tpu.memref_slice %arg5[%dma_start3A_55] : memref<32768xf32, #tpu.memory_space<vmem>> -> memref<4096xf32, #tpu.memory_space<vmem>>
    %dma_start3A_57 = arith.constant 20480 : i32
    %dma_start3A_58 = tpu.memref_slice %arg2[%add3A, %dma_start3A_57] : memref<32x32768xf32, #tpu.memory_space<hbm>> -> memref<1x4096xf32, #tpu.memory_space<hbm>>
    %dma_start3A_59 = tpu.memref_squeeze %dma_start3A_58 : memref<1x4096xf32, #tpu.memory_space<hbm>> -> memref<4096xf32, #tpu.memory_space<hbm>>
    tpu.enqueue_dma source(%dma_start3A_59 : memref<4096xf32, #tpu.memory_space<hbm>>) target(%dma_start3A_56 : memref<4096xf32, #tpu.memory_space<vmem>>) target_semaphore(%arg9 : memref<!tpu.dma_semaphore, #tpu.memory_space<semaphore_mem>>)
    %dma_start3A_60 = arith.constant 24576 : i32
    %dma_start3A_61 = tpu.memref_slice %arg5[%dma_start3A_60] : memref<32768xf32, #tpu.memory_space<vmem>> -> memref<4096xf32, #tpu.memory_space<vmem>>
    %dma_start3A_62 = arith.constant 24576 : i32
    %dma_start3A_63 = tpu.memref_slice %arg2[%add3A, %dma_start3A_62] : memref<32x32768xf32, #tpu.memory_space<hbm>> -> memref<1x4096xf32, #tpu.memory_space<hbm>>
    %dma_start3A_64 = tpu.memref_squeeze %dma_start3A_63 : memref<1x4096xf32, #tpu.memory_space<hbm>> -> memref<4096xf32, #tpu.memory_space<hbm>>
    %dma_start3A_65 = arith.constant 24576 : i32
    %dma_start3A_66 = tpu.memref_slice %arg5[%dma_start3A_65] : memref<32768xf32, #tpu.memory_space<vmem>> -> memref<4096xf32, #tpu.memory_space<vmem>>
    %dma_start3A_67 = arith.constant 24576 : i32
    %dma_start3A_68 = tpu.memref_slice %arg2[%add3A, %dma_start3A_67] : memref<32x32768xf32, #tpu.memory_space<hbm>> -> memref<1x4096xf32, #tpu.memory_space<hbm>>
    %dma_start3A_69 = tpu.memref_squeeze %dma_start3A_68 : memref<1x4096xf32, #tpu.memory_space<hbm>> -> memref<4096xf32, #tpu.memory_space<hbm>>
    tpu.enqueue_dma source(%dma_start3A_69 : memref<4096xf32, #tpu.memory_space<hbm>>) target(%dma_start3A_66 : memref<4096xf32, #tpu.memory_space<vmem>>) target_semaphore(%arg9 : memref<!tpu.dma_semaphore, #tpu.memory_space<semaphore_mem>>)
    %dma_start3A_70 = arith.constant 28672 : i32
    %dma_start3A_71 = tpu.memref_slice %arg5[%dma_start3A_70] : memref<32768xf32, #tpu.memory_space<vmem>> -> memref<4096xf32, #tpu.memory_space<vmem>>
    %dma_start3A_72 = arith.constant 28672 : i32
    %dma_start3A_73 = tpu.memref_slice %arg2[%add3A, %dma_start3A_72] : memref<32x32768xf32, #tpu.memory_space<hbm>> -> memref<1x4096xf32, #tpu.memory_space<hbm>>
    %dma_start3A_74 = tpu.memref_squeeze %dma_start3A_73 : memref<1x4096xf32, #tpu.memory_space<hbm>> -> memref<4096xf32, #tpu.memory_space<hbm>>
    %dma_start3A_75 = arith.constant 28672 : i32
    %dma_start3A_76 = tpu.memref_slice %arg5[%dma_start3A_75] : memref<32768xf32, #tpu.memory_space<vmem>> -> memref<4096xf32, #tpu.memory_space<vmem>>
    %dma_start3A_77 = arith.constant 28672 : i32
    %dma_start3A_78 = tpu.memref_slice %arg2[%add3A, %dma_start3A_77] : memref<32x32768xf32, #tpu.memory_space<hbm>> -> memref<1x4096xf32, #tpu.memory_space<hbm>>
    %dma_start3A_79 = tpu.memref_squeeze %dma_start3A_78 : memref<1x4096xf32, #tpu.memory_space<hbm>> -> memref<4096xf32, #tpu.memory_space<hbm>>
    tpu.enqueue_dma source(%dma_start3A_79 : memref<4096xf32, #tpu.memory_space<hbm>>) target(%dma_start3A_76 : memref<4096xf32, #tpu.memory_space<vmem>>) target_semaphore(%arg9 : memref<!tpu.dma_semaphore, #tpu.memory_space<semaphore_mem>>)
    %get3A = arith.constant 0 : index
    %get3A_80 = tpu.vector_load %arg6[%get3A] {strides = array<i32>} : memref<16xi32, #tpu.memory_space<vmem>>, vector<16xi32>,
    %broadcast_in_dim3A = arith.constant 0 : i32
    %broadcast_in_dim3A_81 = vector.broadcast %broadcast_in_dim3A : i32 to vector<16xi32>
    %parallel_loop3A = arith.constant 0 : i32
    %parallel_loop3A_82 = arith.constant 32784 : i32
    %parallel_loop3A_83 = arith.constant 16 : i32
    scf.for %parallel_loop3A_97 = %parallel_loop3A to %parallel_loop3A_82 step %parallel_loop3A_83  : i32 {
      %parallel_loop3A_98 = arith.index_cast %parallel_loop3A_97 : i32 to index
      %parallel_loop3A_99 = tpu.vector_load %arg7[%parallel_loop3A_98] {strides = array<i32>} : memref<32784xi32, #tpu.memory_space<vmem>>, vector<16xi32>,
      tpu.vector_store %arg7[%parallel_loop3A_98], %broadcast_in_dim3A_81 {strides = array<i32>} : memref<32784xi32, #tpu.memory_space<vmem>>, vector<16xi32>,
    } {sc.loop_unroll_factor = 4 : i64, sc.parallel_access}
    %iota3A = tpu.iota {dimensions = array<i32: 0>} : vector<16xi32>
    %mul3A_84 = arith.constant 2049 : i32
    %mul3A_85 = vector.broadcast %mul3A_84 : i32 to vector<16xi32>
    %mul3A_86 = arith.muli %iota3A, %mul3A_85 : vector<16xi32>
    %broadcast_in_dim3A_87 = arith.constant 1 : i32
    %broadcast_in_dim3A_88 = vector.broadcast %broadcast_in_dim3A_87 : i32 to vector<16xi32>
    %scan3A = arith.constant 0 : i32
    %scan3A_89 = arith.constant 0 : i32
    %scan3A_90 = arith.constant 8 : i32
    %scan3A_91 = arith.addi %scan3A_89, %scan3A_90 : i32
    %scan3A_92 = arith.constant 1 : i32
    scf.for %scan3A_97 = %scan3A_89 to %scan3A_91 step %scan3A_92  : i32 {
      %dma_wait3A = arith.constant 0 : i32
      %dma_wait3A_98 = tpu.memref_slice %arg5[%dma_wait3A] : memref<32768xf32, #tpu.memory_space<vmem>> -> memref<4096xf32, #tpu.memory_space<vmem>>
      %dma_wait3A_99 = arith.constant 0 : i32
      %dma_wait3A_100 = tpu.memref_slice %arg2[%add3A, %dma_wait3A_99] : memref<32x32768xf32, #tpu.memory_space<hbm>> -> memref<1x4096xf32, #tpu.memory_space<hbm>>
      %dma_wait3A_101 = tpu.memref_squeeze %dma_wait3A_100 : memref<1x4096xf32, #tpu.memory_space<hbm>> -> memref<4096xf32, #tpu.memory_space<hbm>>
      %dma_wait3A_102 = arith.constant 0 : i32
      %dma_wait3A_103 = tpu.memref_slice %arg5[%dma_wait3A_102] : memref<32768xf32, #tpu.memory_space<vmem>> -> memref<4096xf32, #tpu.memory_space<vmem>>
      %dma_wait3A_104 = arith.constant 0 : i32
      %dma_wait3A_105 = tpu.memref_slice %arg2[%add3A, %dma_wait3A_104] : memref<32x32768xf32, #tpu.memory_space<hbm>> -> memref<1x4096xf32, #tpu.memory_space<hbm>>
      %dma_wait3A_106 = tpu.memref_squeeze %dma_wait3A_105 : memref<1x4096xf32, #tpu.memory_space<hbm>> -> memref<4096xf32, #tpu.memory_space<hbm>>
      tpu.wait_dma2 semaphore(%arg9 : memref<!tpu.dma_semaphore, #tpu.memory_space<semaphore_mem>>) src(%dma_wait3A_106 : memref<4096xf32, #tpu.memory_space<hbm>>) dst(%dma_wait3A_103 : memref<4096xf32, #tpu.memory_space<vmem>>)
      %mul3A_107 = arith.constant 4096 : i32
      %mul3A_108 = arith.muli %scan3A_97, %mul3A_107 : i32
      %add3A_109 = arith.constant 4096 : i32
      %add3A_110 = arith.addi %mul3A_108, %add3A_109 : i32
      %parallel_loop3A_111 = arith.constant 16 : i32
      scf.for %parallel_loop3A_112 = %mul3A_108 to %add3A_110 step %parallel_loop3A_111  : i32 {
        %parallel_loop3A_113 = arith.index_cast %parallel_loop3A_112 : i32 to index
        %parallel_loop3A_114 = tpu.vector_load %arg5[%parallel_loop3A_113] {strides = array<i32>} : memref<32768xf32, #tpu.memory_space<vmem>>, vector<16xf32>,
        %parallel_loop3A_115 = vector.bitcast %parallel_loop3A_114 : vector<16xf32> to vector<16xi32>
        %parallel_loop3A_116 = arith.constant 11 : i32
        %parallel_loop3A_117 = vector.broadcast %parallel_loop3A_116 : i32 to vector<16xi32>
        %parallel_loop3A_118 = arith.shrsi %parallel_loop3A_115, %parallel_loop3A_117 : vector<16xi32>
        %parallel_loop3A_119 = arith.cmpi eq, %parallel_loop3A_118, %get3A_80 : vector<16xi32>
        %parallel_loop3A_120 = arith.constant 2047 : i32
        %parallel_loop3A_121 = vector.broadcast %parallel_loop3A_120 : i32 to vector<16xi32>
        %parallel_loop3A_122 = arith.andi %parallel_loop3A_115, %parallel_loop3A_121 : vector<16xi32>
        %parallel_loop3A_123 = arith.addi %mul3A_86, %parallel_loop3A_122 : vector<16xi32>
        tpu.vector_store_idx %arg7[%parallel_loop3A_123], %broadcast_in_dim3A_88 masked %parallel_loop3A_119 {add = true} : memref<32784xi32, #tpu.memory_space<vmem>>[vector<16xi32>], vector<16xi32>, vector<16xi1>
      } {sc.loop_unroll_factor = 8 : i64, sc.parallel_access}
    }
    %scan3A_93 = arith.constant 8 : i32
    %parallel_loop3A_94 = arith.constant 0 : i32
    %parallel_loop3A_95 = arith.constant 2048 : i32
    %parallel_loop3A_96 = arith.constant 16 : i32
    scf.for %parallel_loop3A_97 = %parallel_loop3A_94 to %parallel_loop3A_95 step %parallel_loop3A_96  : i32 {
      %parallel_loop3A_98 = arith.index_cast %parallel_loop3A_97 : i32 to index
      %parallel_loop3A_99 = tpu.vector_load %arg7[%parallel_loop3A_98] {strides = array<i32>} : memref<32784xi32, #tpu.memory_space<vmem>>, vector<16xi32>,
      %parallel_loop3A_100 = arith.constant 2049 : i32
      %parallel_loop3A_101 = arith.addi %parallel_loop3A_100, %parallel_loop3A_97 : i32
      %parallel_loop3A_102 = arith.index_cast %parallel_loop3A_101 : i32 to index
      %parallel_loop3A_103 = tpu.vector_load %arg7[%parallel_loop3A_102] {strides = array<i32>} : memref<32784xi32, #tpu.memory_space<vmem>>, vector<16xi32>,
      %parallel_loop3A_104 = arith.addi %parallel_loop3A_99, %parallel_loop3A_103 : vector<16xi32>
      %parallel_loop3A_105 = arith.constant 4098 : i32
      %parallel_loop3A_106 = arith.addi %parallel_loop3A_105, %parallel_loop3A_97 : i32
      %parallel_loop3A_107 = arith.index_cast %parallel_loop3A_106 : i32 to index
      %parallel_loop3A_108 = tpu.vector_load %arg7[%parallel_loop3A_107] {strides = array<i32>} : memref<32784xi32, #tpu.memory_space<vmem>>, vector<16xi32>,
      %parallel_loop3A_109 = arith.addi %parallel_loop3A_104, %parallel_loop3A_108 : vector<16xi32>
      %parallel_loop3A_110 = arith.constant 6147 : i32
      %parallel_loop3A_111 = arith.addi %parallel_loop3A_110, %parallel_loop3A_97 : i32
      %parallel_loop3A_112 = arith.index_cast %parallel_loop3A_111 : i32 to index
      %parallel_loop3A_113 = tpu.vector_load %arg7[%parallel_loop3A_112] {strides = array<i32>} : memref<32784xi32, #tpu.memory_space<vmem>>, vector<16xi32>,
      %parallel_loop3A_114 = arith.addi %parallel_loop3A_109, %parallel_loop3A_113 : vector<16xi32>
      %parallel_loop3A_115 = arith.constant 8196 : i32
      %parallel_loop3A_116 = arith.addi %parallel_loop3A_115, %parallel_loop3A_97 : i32
      %parallel_loop3A_117 = arith.index_cast %parallel_loop3A_116 : i32 to index
      %parallel_loop3A_118 = tpu.vector_load %arg7[%parallel_loop3A_117] {strides = array<i32>} : memref<32784xi32, #tpu.memory_space<vmem>>, vector<16xi32>,
      %parallel_loop3A_119 = arith.addi %parallel_loop3A_114, %parallel_loop3A_118 : vector<16xi32>
      %parallel_loop3A_120 = arith.constant 10245 : i32
      %parallel_loop3A_121 = arith.addi %parallel_loop3A_120, %parallel_loop3A_97 : i32
      %parallel_loop3A_122 = arith.index_cast %parallel_loop3A_121 : i32 to index
      %parallel_loop3A_123 = tpu.vector_load %arg7[%parallel_loop3A_122] {strides = array<i32>} : memref<32784xi32, #tpu.memory_space<vmem>>, vector<16xi32>,
      %parallel_loop3A_124 = arith.addi %parallel_loop3A_119, %parallel_loop3A_123 : vector<16xi32>
      %parallel_loop3A_125 = arith.constant 12294 : i32
      %parallel_loop3A_126 = arith.addi %parallel_loop3A_125, %parallel_loop3A_97 : i32
      %parallel_loop3A_127 = arith.index_cast %parallel_loop3A_126 : i32 to index
      %parallel_loop3A_128 = tpu.vector_load %arg7[%parallel_loop3A_127] {strides = array<i32>} : memref<32784xi32, #tpu.memory_space<vmem>>, vector<16xi32>,
      %parallel_loop3A_129 = arith.addi %parallel_loop3A_124, %parallel_loop3A_128 : vector<16xi32>
      %parallel_loop3A_130 = arith.constant 14343 : i32
      %parallel_loop3A_131 = arith.addi %parallel_loop3A_130, %parallel_loop3A_97 : i32
      %parallel_loop3A_132 = arith.index_cast %parallel_loop3A_131 : i32 to index
      %parallel_loop3A_133 = tpu.vector_load %arg7[%parallel_loop3A_132] {strides = array<i32>} : memref<32784xi32, #tpu.memory_space<vmem>>, vector<16xi32>,
      %parallel_loop3A_134 = arith.addi %parallel_loop3A_129, %parallel_loop3A_133 : vector<16xi32>
      %parallel_loop3A_135 = arith.constant 16392 : i32
      %parallel_loop3A_136 = arith.addi %parallel_loop3A_135, %parallel_loop3A_97 : i32
      %parallel_loop3A_137 = arith.index_cast %parallel_loop3A_136 : i32 to index
      %parallel_loop3A_138 = tpu.vector_load %arg7[%parallel_loop3A_137] {strides = array<i32>} : memref<32784xi32, #tpu.memory_space<vmem>>, vector<16xi32>,
      %parallel_loop3A_139 = arith.addi %parallel_loop3A_134, %parallel_loop3A_138 : vector<16xi32>
      %parallel_loop3A_140 = arith.constant 18441 : i32
      %parallel_loop3A_141 = arith.addi %parallel_loop3A_140, %parallel_loop3A_97 : i32
      %parallel_loop3A_142 = arith.index_cast %parallel_loop3A_141 : i32 to index
      %parallel_loop3A_143 = tpu.vector_load %arg7[%parallel_loop3A_142] {strides = array<i32>} : memref<32784xi32, #tpu.memory_space<vmem>>, vector<16xi32>,
      %parallel_loop3A_144 = arith.addi %parallel_loop3A_139, %parallel_loop3A_143 : vector<16xi32>
      %parallel_loop3A_145 = arith.constant 20490 : i32
      %parallel_loop3A_146 = arith.addi %parallel_loop3A_145, %parallel_loop3A_97 : i32
      %parallel_loop3A_147 = arith.index_cast %parallel_loop3A_146 : i32 to index
      %parallel_loop3A_148 = tpu.vector_load %arg7[%parallel_loop3A_147] {strides = array<i32>} : memref<32784xi32, #tpu.memory_space<vmem>>, vector<16xi32>,
      %parallel_loop3A_149 = arith.addi %parallel_loop3A_144, %parallel_loop3A_148 : vector<16xi32>
      %parallel_loop3A_150 = arith.constant 22539 : i32
      %parallel_loop3A_151 = arith.addi %parallel_loop3A_150, %parallel_loop3A_97 : i32
      %parallel_loop3A_152 = arith.index_cast %parallel_loop3A_151 : i32 to index
      %parallel_loop3A_153 = tpu.vector_load %arg7[%parallel_loop3A_152] {strides = array<i32>} : memref<32784xi32, #tpu.memory_space<vmem>>, vector<16xi32>,
      %parallel_loop3A_154 = arith.addi %parallel_loop3A_149, %parallel_loop3A_153 : vector<16xi32>
      %parallel_loop3A_155 = arith.constant 24588 : i32
      %parallel_loop3A_156 = arith.addi %parallel_loop3A_155, %parallel_loop3A_97 : i32
      %parallel_loop3A_157 = arith.index_cast %parallel_loop3A_156 : i32 to index
      %parallel_loop3A_158 = tpu.vector_load %arg7[%parallel_loop3A_157] {strides = array<i32>} : memref<32784xi32, #tpu.memory_space<vmem>>, vector<16xi32>,
      %parallel_loop3A_159 = arith.addi %parallel_loop3A_154, %parallel_loop3A_158 : vector<16xi32>
      %parallel_loop3A_160 = arith.constant 26637 : i32
      %parallel_loop3A_161 = arith.addi %parallel_loop3A_160, %parallel_loop3A_97 : i32
      %parallel_loop3A_162 = arith.index_cast %parallel_loop3A_161 : i32 to index
      %parallel_loop3A_163 = tpu.vector_load %arg7[%parallel_loop3A_162] {strides = array<i32>} : memref<32784xi32, #tpu.memory_space<vmem>>, vector<16xi32>,
      %parallel_loop3A_164 = arith.addi %parallel_loop3A_159, %parallel_loop3A_163 : vector<16xi32>
      %parallel_loop3A_165 = arith.constant 28686 : i32
      %parallel_loop3A_166 = arith.addi %parallel_loop3A_165, %parallel_loop3A_97 : i32
      %parallel_loop3A_167 = arith.index_cast %parallel_loop3A_166 : i32 to index
      %parallel_loop3A_168 = tpu.vector_load %arg7[%parallel_loop3A_167] {strides = array<i32>} : memref<32784xi32, #tpu.memory_space<vmem>>, vector<16xi32>,
      %parallel_loop3A_169 = arith.addi %parallel_loop3A_164, %parallel_loop3A_168 : vector<16xi32>
      %parallel_loop3A_170 = arith.constant 30735 : i32
      %parallel_loop3A_171 = arith.addi %parallel_loop3A_170, %parallel_loop3A_97 : i32
      %parallel_loop3A_172 = arith.index_cast %parallel_loop3A_171 : i32 to index
      %parallel_loop3A_173 = tpu.vector_load %arg7[%parallel_loop3A_172] {strides = array<i32>} : memref<32784xi32, #tpu.memory_space<vmem>>, vector<16xi32>,
      %parallel_loop3A_174 = arith.addi %parallel_loop3A_169, %parallel_loop3A_173 : vector<16xi32>
      %parallel_loop3A_175 = arith.index_cast %parallel_loop3A_97 : i32 to index
      %parallel_loop3A_176 = tpu.vector_load %arg8[%parallel_loop3A_175] {strides = array<i32>} : memref<2048xi32, #tpu.memory_space<vmem>>, vector<16xi32>,
      tpu.vector_store %arg8[%parallel_loop3A_175], %parallel_loop3A_174 {strides = array<i32>} : memref<2048xi32, #tpu.memory_space<vmem>>, vector<16xi32>,
    } {sc.loop_unroll_factor = 2 : i64, sc.parallel_access}
    "tpu.region"() ({
      %run_scoped3A_97 = tpu.sem_alloc : memref<!tpu.dma_semaphore, #tpu.memory_space<semaphore_mem>>
      %dma_start3A_98 = arith.constant 0 : i32
      %dma_start3A_99 = tpu.memref_slice %arg4[%add3A, %dma_start3A_98] : memref<32x2048xi32, #tpu.memory_space<hbm>> -> memref<1x2048xi32, #tpu.memory_space<hbm>>
      %dma_start3A_100 = tpu.memref_squeeze %dma_start3A_99 : memref<1x2048xi32, #tpu.memory_space<hbm>> -> memref<2048xi32, #tpu.memory_space<hbm>>
      %dma_start3A_101 = arith.constant 0 : i32
      %dma_start3A_102 = tpu.memref_slice %arg4[%add3A, %dma_start3A_101] : memref<32x2048xi32, #tpu.memory_space<hbm>> -> memref<1x2048xi32, #tpu.memory_space<hbm>>
      %dma_start3A_103 = tpu.memref_squeeze %dma_start3A_102 : memref<1x2048xi32, #tpu.memory_space<hbm>> -> memref<2048xi32, #tpu.memory_space<hbm>>
      tpu.enqueue_dma source(%arg8 : memref<2048xi32, #tpu.memory_space<vmem>>) target(%dma_start3A_103 : memref<2048xi32, #tpu.memory_space<hbm>>) target_semaphore(%run_scoped3A_97 : memref<!tpu.dma_semaphore, #tpu.memory_space<semaphore_mem>>)
      %dma_wait3A = arith.constant 0 : i32
      %dma_wait3A_104 = tpu.memref_slice %arg4[%add3A, %dma_wait3A] : memref<32x2048xi32, #tpu.memory_space<hbm>> -> memref<1x2048xi32, #tpu.memory_space<hbm>>
      %dma_wait3A_105 = tpu.memref_squeeze %dma_wait3A_104 : memref<1x2048xi32, #tpu.memory_space<hbm>> -> memref<2048xi32, #tpu.memory_space<hbm>>
      %dma_wait3A_106 = arith.constant 0 : i32
      %dma_wait3A_107 = tpu.memref_slice %arg4[%add3A, %dma_wait3A_106] : memref<32x2048xi32, #tpu.memory_space<hbm>> -> memref<1x2048xi32, #tpu.memory_space<hbm>>
      %dma_wait3A_108 = tpu.memref_squeeze %dma_wait3A_107 : memref<1x2048xi32, #tpu.memory_space<hbm>> -> memref<2048xi32, #tpu.memory_space<hbm>>
      tpu.wait_dma2 semaphore(%run_scoped3A_97 : memref<!tpu.dma_semaphore, #tpu.memory_space<semaphore_mem>>) src(%arg8 : memref<2048xi32, #tpu.memory_space<vmem>>) dst(%dma_wait3A_108 : memref<2048xi32, #tpu.memory_space<hbm>>)
      tpu.yield
    }) : () -> ()
    return
  }
}

#map = affine_map<(d0, d1) -> (0, 0)>
module attributes {stable_mosaic.version = 14 : i64} {
  func.func @_sc_pass2(%arg0: i32, %arg1: i32, %arg2: memref<32x32768xf32, #tpu.memory_space<hbm>>, %arg3: memref<1x16xi32, #tpu.memory_space<hbm>>, %arg4: memref<32x1024xi32, #tpu.memory_space<hbm>>, %arg5: memref<32x1024xf32, #tpu.memory_space<hbm>>, %arg6: memref<32768xf32, #tpu.memory_space<vmem>>, %arg7: memref<16xi32, #tpu.memory_space<vmem>>, %arg8: memref<16400xi32, #tpu.memory_space<vmem>>, %arg9: memref<16400xf32, #tpu.memory_space<vmem>>, %arg10: memref<1024xi32, #tpu.memory_space<vmem>>, %arg11: memref<1024xf32, #tpu.memory_space<vmem>>, %arg12: memref<!tpu.dma_semaphore, #tpu.memory_space<semaphore_mem>>) attributes {dimension_semantics = [#tpu.dimension_semantics<core_parallel>, #tpu.dimension_semantics<subcore_parallel>], iteration_bounds = array<i64: 2, 16>, scalar_prefetch = 0 : i64, scratch_operands = 7 : i64, tpu.core_type = #tpu.core_type<sc_vector_subcore>, window_params = [{transform_indices = #map}, {transform_indices = #map}, {transform_indices = #map}, {transform_indices = #map}]} {
    %mul3A = arith.constant 2 : i32
    %mul3A_0 = arith.muli %arg1, %mul3A : i32
    %add3A = arith.addi %mul3A_0, %arg0 : i32
    %run_scoped3A = arith.constant 0 : i32
    "tpu.region"() ({
      %run_scoped3A_99 = tpu.sem_alloc : memref<!tpu.dma_semaphore, #tpu.memory_space<semaphore_mem>>
      %dma_start3A_100 = arith.constant 0 : i32
      %dma_start3A_101 = tpu.memref_slice %arg3[%run_scoped3A, %dma_start3A_100] : memref<1x16xi32, #tpu.memory_space<hbm>> -> memref<1x16xi32, #tpu.memory_space<hbm>>
      %dma_start3A_102 = tpu.memref_squeeze %dma_start3A_101 : memref<1x16xi32, #tpu.memory_space<hbm>> -> memref<16xi32, #tpu.memory_space<hbm>>
      %dma_start3A_103 = arith.constant 0 : i32
      %dma_start3A_104 = tpu.memref_slice %arg3[%run_scoped3A, %dma_start3A_103] : memref<1x16xi32, #tpu.memory_space<hbm>> -> memref<1x16xi32, #tpu.memory_space<hbm>>
      %dma_start3A_105 = tpu.memref_squeeze %dma_start3A_104 : memref<1x16xi32, #tpu.memory_space<hbm>> -> memref<16xi32, #tpu.memory_space<hbm>>
      tpu.enqueue_dma source(%dma_start3A_105 : memref<16xi32, #tpu.memory_space<hbm>>) target(%arg7 : memref<16xi32, #tpu.memory_space<vmem>>) target_semaphore(%run_scoped3A_99 : memref<!tpu.dma_semaphore, #tpu.memory_space<semaphore_mem>>)
      %dma_wait3A = arith.constant 0 : i32
      %dma_wait3A_106 = tpu.memref_slice %arg3[%run_scoped3A, %dma_wait3A] : memref<1x16xi32, #tpu.memory_space<hbm>> -> memref<1x16xi32, #tpu.memory_space<hbm>>
      %dma_wait3A_107 = tpu.memref_squeeze %dma_wait3A_106 : memref<1x16xi32, #tpu.memory_space<hbm>> -> memref<16xi32, #tpu.memory_space<hbm>>
      %dma_wait3A_108 = arith.constant 0 : i32
      %dma_wait3A_109 = tpu.memref_slice %arg3[%run_scoped3A, %dma_wait3A_108] : memref<1x16xi32, #tpu.memory_space<hbm>> -> memref<1x16xi32, #tpu.memory_space<hbm>>
      %dma_wait3A_110 = tpu.memref_squeeze %dma_wait3A_109 : memref<1x16xi32, #tpu.memory_space<hbm>> -> memref<16xi32, #tpu.memory_space<hbm>>
      tpu.wait_dma2 semaphore(%run_scoped3A_99 : memref<!tpu.dma_semaphore, #tpu.memory_space<semaphore_mem>>) src(%dma_wait3A_110 : memref<16xi32, #tpu.memory_space<hbm>>) dst(%arg7 : memref<16xi32, #tpu.memory_space<vmem>>)
      tpu.yield
    }) : () -> ()
    %dma_start3A = arith.constant 0 : i32
    %dma_start3A_1 = tpu.memref_slice %arg6[%dma_start3A] : memref<32768xf32, #tpu.memory_space<vmem>> -> memref<4096xf32, #tpu.memory_space<vmem>>
    %dma_start3A_2 = arith.constant 0 : i32
    %dma_start3A_3 = tpu.memref_slice %arg2[%add3A, %dma_start3A_2] : memref<32x32768xf32, #tpu.memory_space<hbm>> -> memref<1x4096xf32, #tpu.memory_space<hbm>>
    %dma_start3A_4 = tpu.memref_squeeze %dma_start3A_3 : memref<1x4096xf32, #tpu.memory_space<hbm>> -> memref<4096xf32, #tpu.memory_space<hbm>>
    %dma_start3A_5 = arith.constant 0 : i32
    %dma_start3A_6 = tpu.memref_slice %arg6[%dma_start3A_5] : memref<32768xf32, #tpu.memory_space<vmem>> -> memref<4096xf32, #tpu.memory_space<vmem>>
    %dma_start3A_7 = arith.constant 0 : i32
    %dma_start3A_8 = tpu.memref_slice %arg2[%add3A, %dma_start3A_7] : memref<32x32768xf32, #tpu.memory_space<hbm>> -> memref<1x4096xf32, #tpu.memory_space<hbm>>
    %dma_start3A_9 = tpu.memref_squeeze %dma_start3A_8 : memref<1x4096xf32, #tpu.memory_space<hbm>> -> memref<4096xf32, #tpu.memory_space<hbm>>
    tpu.enqueue_dma source(%dma_start3A_9 : memref<4096xf32, #tpu.memory_space<hbm>>) target(%dma_start3A_6 : memref<4096xf32, #tpu.memory_space<vmem>>) target_semaphore(%arg12 : memref<!tpu.dma_semaphore, #tpu.memory_space<semaphore_mem>>)
    %dma_start3A_10 = arith.constant 4096 : i32
    %dma_start3A_11 = tpu.memref_slice %arg6[%dma_start3A_10] : memref<32768xf32, #tpu.memory_space<vmem>> -> memref<4096xf32, #tpu.memory_space<vmem>>
    %dma_start3A_12 = arith.constant 4096 : i32
    %dma_start3A_13 = tpu.memref_slice %arg2[%add3A, %dma_start3A_12] : memref<32x32768xf32, #tpu.memory_space<hbm>> -> memref<1x4096xf32, #tpu.memory_space<hbm>>
    %dma_start3A_14 = tpu.memref_squeeze %dma_start3A_13 : memref<1x4096xf32, #tpu.memory_space<hbm>> -> memref<4096xf32, #tpu.memory_space<hbm>>
    %dma_start3A_15 = arith.constant 4096 : i32
    %dma_start3A_16 = tpu.memref_slice %arg6[%dma_start3A_15] : memref<32768xf32, #tpu.memory_space<vmem>> -> memref<4096xf32, #tpu.memory_space<vmem>>
    %dma_start3A_17 = arith.constant 4096 : i32
    %dma_start3A_18 = tpu.memref_slice %arg2[%add3A, %dma_start3A_17] : memref<32x32768xf32, #tpu.memory_space<hbm>> -> memref<1x4096xf32, #tpu.memory_space<hbm>>
    %dma_start3A_19 = tpu.memref_squeeze %dma_start3A_18 : memref<1x4096xf32, #tpu.memory_space<hbm>> -> memref<4096xf32, #tpu.memory_space<hbm>>
    tpu.enqueue_dma source(%dma_start3A_19 : memref<4096xf32, #tpu.memory_space<hbm>>) target(%dma_start3A_16 : memref<4096xf32, #tpu.memory_space<vmem>>) target_semaphore(%arg12 : memref<!tpu.dma_semaphore, #tpu.memory_space<semaphore_mem>>)
    %dma_start3A_20 = arith.constant 8192 : i32
    %dma_start3A_21 = tpu.memref_slice %arg6[%dma_start3A_20] : memref<32768xf32, #tpu.memory_space<vmem>> -> memref<4096xf32, #tpu.memory_space<vmem>>
    %dma_start3A_22 = arith.constant 8192 : i32
    %dma_start3A_23 = tpu.memref_slice %arg2[%add3A, %dma_start3A_22] : memref<32x32768xf32, #tpu.memory_space<hbm>> -> memref<1x4096xf32, #tpu.memory_space<hbm>>
    %dma_start3A_24 = tpu.memref_squeeze %dma_start3A_23 : memref<1x4096xf32, #tpu.memory_space<hbm>> -> memref<4096xf32, #tpu.memory_space<hbm>>
    %dma_start3A_25 = arith.constant 8192 : i32
    %dma_start3A_26 = tpu.memref_slice %arg6[%dma_start3A_25] : memref<32768xf32, #tpu.memory_space<vmem>> -> memref<4096xf32, #tpu.memory_space<vmem>>
    %dma_start3A_27 = arith.constant 8192 : i32
    %dma_start3A_28 = tpu.memref_slice %arg2[%add3A, %dma_start3A_27] : memref<32x32768xf32, #tpu.memory_space<hbm>> -> memref<1x4096xf32, #tpu.memory_space<hbm>>
    %dma_start3A_29 = tpu.memref_squeeze %dma_start3A_28 : memref<1x4096xf32, #tpu.memory_space<hbm>> -> memref<4096xf32, #tpu.memory_space<hbm>>
    tpu.enqueue_dma source(%dma_start3A_29 : memref<4096xf32, #tpu.memory_space<hbm>>) target(%dma_start3A_26 : memref<4096xf32, #tpu.memory_space<vmem>>) target_semaphore(%arg12 : memref<!tpu.dma_semaphore, #tpu.memory_space<semaphore_mem>>)
    %dma_start3A_30 = arith.constant 12288 : i32
    %dma_start3A_31 = tpu.memref_slice %arg6[%dma_start3A_30] : memref<32768xf32, #tpu.memory_space<vmem>> -> memref<4096xf32, #tpu.memory_space<vmem>>
    %dma_start3A_32 = arith.constant 12288 : i32
    %dma_start3A_33 = tpu.memref_slice %arg2[%add3A, %dma_start3A_32] : memref<32x32768xf32, #tpu.memory_space<hbm>> -> memref<1x4096xf32, #tpu.memory_space<hbm>>
    %dma_start3A_34 = tpu.memref_squeeze %dma_start3A_33 : memref<1x4096xf32, #tpu.memory_space<hbm>> -> memref<4096xf32, #tpu.memory_space<hbm>>
    %dma_start3A_35 = arith.constant 12288 : i32
    %dma_start3A_36 = tpu.memref_slice %arg6[%dma_start3A_35] : memref<32768xf32, #tpu.memory_space<vmem>> -> memref<4096xf32, #tpu.memory_space<vmem>>
    %dma_start3A_37 = arith.constant 12288 : i32
    %dma_start3A_38 = tpu.memref_slice %arg2[%add3A, %dma_start3A_37] : memref<32x32768xf32, #tpu.memory_space<hbm>> -> memref<1x4096xf32, #tpu.memory_space<hbm>>
    %dma_start3A_39 = tpu.memref_squeeze %dma_start3A_38 : memref<1x4096xf32, #tpu.memory_space<hbm>> -> memref<4096xf32, #tpu.memory_space<hbm>>
    tpu.enqueue_dma source(%dma_start3A_39 : memref<4096xf32, #tpu.memory_space<hbm>>) target(%dma_start3A_36 : memref<4096xf32, #tpu.memory_space<vmem>>) target_semaphore(%arg12 : memref<!tpu.dma_semaphore, #tpu.memory_space<semaphore_mem>>)
    %dma_start3A_40 = arith.constant 16384 : i32
    %dma_start3A_41 = tpu.memref_slice %arg6[%dma_start3A_40] : memref<32768xf32, #tpu.memory_space<vmem>> -> memref<4096xf32, #tpu.memory_space<vmem>>
    %dma_start3A_42 = arith.constant 16384 : i32
    %dma_start3A_43 = tpu.memref_slice %arg2[%add3A, %dma_start3A_42] : memref<32x32768xf32, #tpu.memory_space<hbm>> -> memref<1x4096xf32, #tpu.memory_space<hbm>>
    %dma_start3A_44 = tpu.memref_squeeze %dma_start3A_43 : memref<1x4096xf32, #tpu.memory_space<hbm>> -> memref<4096xf32, #tpu.memory_space<hbm>>
    %dma_start3A_45 = arith.constant 16384 : i32
    %dma_start3A_46 = tpu.memref_slice %arg6[%dma_start3A_45] : memref<32768xf32, #tpu.memory_space<vmem>> -> memref<4096xf32, #tpu.memory_space<vmem>>
    %dma_start3A_47 = arith.constant 16384 : i32
    %dma_start3A_48 = tpu.memref_slice %arg2[%add3A, %dma_start3A_47] : memref<32x32768xf32, #tpu.memory_space<hbm>> -> memref<1x4096xf32, #tpu.memory_space<hbm>>
    %dma_start3A_49 = tpu.memref_squeeze %dma_start3A_48 : memref<1x4096xf32, #tpu.memory_space<hbm>> -> memref<4096xf32, #tpu.memory_space<hbm>>
    tpu.enqueue_dma source(%dma_start3A_49 : memref<4096xf32, #tpu.memory_space<hbm>>) target(%dma_start3A_46 : memref<4096xf32, #tpu.memory_space<vmem>>) target_semaphore(%arg12 : memref<!tpu.dma_semaphore, #tpu.memory_space<semaphore_mem>>)
    %dma_start3A_50 = arith.constant 20480 : i32
    %dma_start3A_51 = tpu.memref_slice %arg6[%dma_start3A_50] : memref<32768xf32, #tpu.memory_space<vmem>> -> memref<4096xf32, #tpu.memory_space<vmem>>
    %dma_start3A_52 = arith.constant 20480 : i32
    %dma_start3A_53 = tpu.memref_slice %arg2[%add3A, %dma_start3A_52] : memref<32x32768xf32, #tpu.memory_space<hbm>> -> memref<1x4096xf32, #tpu.memory_space<hbm>>
    %dma_start3A_54 = tpu.memref_squeeze %dma_start3A_53 : memref<1x4096xf32, #tpu.memory_space<hbm>> -> memref<4096xf32, #tpu.memory_space<hbm>>
    %dma_start3A_55 = arith.constant 20480 : i32
    %dma_start3A_56 = tpu.memref_slice %arg6[%dma_start3A_55] : memref<32768xf32, #tpu.memory_space<vmem>> -> memref<4096xf32, #tpu.memory_space<vmem>>
    %dma_start3A_57 = arith.constant 20480 : i32
    %dma_start3A_58 = tpu.memref_slice %arg2[%add3A, %dma_start3A_57] : memref<32x32768xf32, #tpu.memory_space<hbm>> -> memref<1x4096xf32, #tpu.memory_space<hbm>>
    %dma_start3A_59 = tpu.memref_squeeze %dma_start3A_58 : memref<1x4096xf32, #tpu.memory_space<hbm>> -> memref<4096xf32, #tpu.memory_space<hbm>>
    tpu.enqueue_dma source(%dma_start3A_59 : memref<4096xf32, #tpu.memory_space<hbm>>) target(%dma_start3A_56 : memref<4096xf32, #tpu.memory_space<vmem>>) target_semaphore(%arg12 : memref<!tpu.dma_semaphore, #tpu.memory_space<semaphore_mem>>)
    %dma_start3A_60 = arith.constant 24576 : i32
    %dma_start3A_61 = tpu.memref_slice %arg6[%dma_start3A_60] : memref<32768xf32, #tpu.memory_space<vmem>> -> memref<4096xf32, #tpu.memory_space<vmem>>
    %dma_start3A_62 = arith.constant 24576 : i32
    %dma_start3A_63 = tpu.memref_slice %arg2[%add3A, %dma_start3A_62] : memref<32x32768xf32, #tpu.memory_space<hbm>> -> memref<1x4096xf32, #tpu.memory_space<hbm>>
    %dma_start3A_64 = tpu.memref_squeeze %dma_start3A_63 : memref<1x4096xf32, #tpu.memory_space<hbm>> -> memref<4096xf32, #tpu.memory_space<hbm>>
    %dma_start3A_65 = arith.constant 24576 : i32
    %dma_start3A_66 = tpu.memref_slice %arg6[%dma_start3A_65] : memref<32768xf32, #tpu.memory_space<vmem>> -> memref<4096xf32, #tpu.memory_space<vmem>>
    %dma_start3A_67 = arith.constant 24576 : i32
    %dma_start3A_68 = tpu.memref_slice %arg2[%add3A, %dma_start3A_67] : memref<32x32768xf32, #tpu.memory_space<hbm>> -> memref<1x4096xf32, #tpu.memory_space<hbm>>
    %dma_start3A_69 = tpu.memref_squeeze %dma_start3A_68 : memref<1x4096xf32, #tpu.memory_space<hbm>> -> memref<4096xf32, #tpu.memory_space<hbm>>
    tpu.enqueue_dma source(%dma_start3A_69 : memref<4096xf32, #tpu.memory_space<hbm>>) target(%dma_start3A_66 : memref<4096xf32, #tpu.memory_space<vmem>>) target_semaphore(%arg12 : memref<!tpu.dma_semaphore, #tpu.memory_space<semaphore_mem>>)
    %dma_start3A_70 = arith.constant 28672 : i32
    %dma_start3A_71 = tpu.memref_slice %arg6[%dma_start3A_70] : memref<32768xf32, #tpu.memory_space<vmem>> -> memref<4096xf32, #tpu.memory_space<vmem>>
    %dma_start3A_72 = arith.constant 28672 : i32
    %dma_start3A_73 = tpu.memref_slice %arg2[%add3A, %dma_start3A_72] : memref<32x32768xf32, #tpu.memory_space<hbm>> -> memref<1x4096xf32, #tpu.memory_space<hbm>>
    %dma_start3A_74 = tpu.memref_squeeze %dma_start3A_73 : memref<1x4096xf32, #tpu.memory_space<hbm>> -> memref<4096xf32, #tpu.memory_space<hbm>>
    %dma_start3A_75 = arith.constant 28672 : i32
    %dma_start3A_76 = tpu.memref_slice %arg6[%dma_start3A_75] : memref<32768xf32, #tpu.memory_space<vmem>> -> memref<4096xf32, #tpu.memory_space<vmem>>
    %dma_start3A_77 = arith.constant 28672 : i32
    %dma_start3A_78 = tpu.memref_slice %arg2[%add3A, %dma_start3A_77] : memref<32x32768xf32, #tpu.memory_space<hbm>> -> memref<1x4096xf32, #tpu.memory_space<hbm>>
    %dma_start3A_79 = tpu.memref_squeeze %dma_start3A_78 : memref<1x4096xf32, #tpu.memory_space<hbm>> -> memref<4096xf32, #tpu.memory_space<hbm>>
    tpu.enqueue_dma source(%dma_start3A_79 : memref<4096xf32, #tpu.memory_space<hbm>>) target(%dma_start3A_76 : memref<4096xf32, #tpu.memory_space<vmem>>) target_semaphore(%arg12 : memref<!tpu.dma_semaphore, #tpu.memory_space<semaphore_mem>>)
    %get3A = arith.constant 0 : index
    %get3A_80 = tpu.vector_load %arg7[%get3A] {strides = array<i32>} : memref<16xi32, #tpu.memory_space<vmem>>, vector<16xi32>,
    %broadcast_in_dim3A = arith.constant 0 : i32
    %broadcast_in_dim3A_81 = vector.broadcast %broadcast_in_dim3A : i32 to vector<16xi32>
    %broadcast_in_dim3A_82 = arith.constant 0.000000e+00 : f32
    %broadcast_in_dim3A_83 = vector.broadcast %broadcast_in_dim3A_82 : f32 to vector<16xf32>
    %parallel_loop3A = arith.constant 0 : i32
    %parallel_loop3A_84 = arith.constant 16400 : i32
    %parallel_loop3A_85 = arith.constant 16 : i32
    scf.for %parallel_loop3A_99 = %parallel_loop3A to %parallel_loop3A_84 step %parallel_loop3A_85  : i32 {
      %parallel_loop3A_100 = arith.index_cast %parallel_loop3A_99 : i32 to index
      %parallel_loop3A_101 = tpu.vector_load %arg8[%parallel_loop3A_100] {strides = array<i32>} : memref<16400xi32, #tpu.memory_space<vmem>>, vector<16xi32>,
      tpu.vector_store %arg8[%parallel_loop3A_100], %broadcast_in_dim3A_81 {strides = array<i32>} : memref<16400xi32, #tpu.memory_space<vmem>>, vector<16xi32>,
      %parallel_loop3A_102 = arith.index_cast %parallel_loop3A_99 : i32 to index
      %parallel_loop3A_103 = tpu.vector_load %arg9[%parallel_loop3A_102] {strides = array<i32>} : memref<16400xf32, #tpu.memory_space<vmem>>, vector<16xf32>,
      tpu.vector_store %arg9[%parallel_loop3A_102], %broadcast_in_dim3A_83 {strides = array<i32>} : memref<16400xf32, #tpu.memory_space<vmem>>, vector<16xf32>,
    } {sc.loop_unroll_factor = 4 : i64, sc.parallel_access}
    %iota3A = tpu.iota {dimensions = array<i32: 0>} : vector<16xi32>
    %mul3A_86 = arith.constant 1025 : i32
    %mul3A_87 = vector.broadcast %mul3A_86 : i32 to vector<16xi32>
    %mul3A_88 = arith.muli %iota3A, %mul3A_87 : vector<16xi32>
    %broadcast_in_dim3A_89 = arith.constant 1 : i32
    %broadcast_in_dim3A_90 = vector.broadcast %broadcast_in_dim3A_89 : i32 to vector<16xi32>
    %scan3A = arith.constant 0 : i32
    %scan3A_91 = arith.constant 0 : i32
    %scan3A_92 = arith.constant 8 : i32
    %scan3A_93 = arith.addi %scan3A_91, %scan3A_92 : i32
    %scan3A_94 = arith.constant 1 : i32
    scf.for %scan3A_99 = %scan3A_91 to %scan3A_93 step %scan3A_94  : i32 {
      %dma_wait3A = arith.constant 0 : i32
      %dma_wait3A_100 = tpu.memref_slice %arg6[%dma_wait3A] : memref<32768xf32, #tpu.memory_space<vmem>> -> memref<4096xf32, #tpu.memory_space<vmem>>
      %dma_wait3A_101 = arith.constant 0 : i32
      %dma_wait3A_102 = tpu.memref_slice %arg2[%add3A, %dma_wait3A_101] : memref<32x32768xf32, #tpu.memory_space<hbm>> -> memref<1x4096xf32, #tpu.memory_space<hbm>>
      %dma_wait3A_103 = tpu.memref_squeeze %dma_wait3A_102 : memref<1x4096xf32, #tpu.memory_space<hbm>> -> memref<4096xf32, #tpu.memory_space<hbm>>
      %dma_wait3A_104 = arith.constant 0 : i32
      %dma_wait3A_105 = tpu.memref_slice %arg6[%dma_wait3A_104] : memref<32768xf32, #tpu.memory_space<vmem>> -> memref<4096xf32, #tpu.memory_space<vmem>>
      %dma_wait3A_106 = arith.constant 0 : i32
      %dma_wait3A_107 = tpu.memref_slice %arg2[%add3A, %dma_wait3A_106] : memref<32x32768xf32, #tpu.memory_space<hbm>> -> memref<1x4096xf32, #tpu.memory_space<hbm>>
      %dma_wait3A_108 = tpu.memref_squeeze %dma_wait3A_107 : memref<1x4096xf32, #tpu.memory_space<hbm>> -> memref<4096xf32, #tpu.memory_space<hbm>>
      tpu.wait_dma2 semaphore(%arg12 : memref<!tpu.dma_semaphore, #tpu.memory_space<semaphore_mem>>) src(%dma_wait3A_108 : memref<4096xf32, #tpu.memory_space<hbm>>) dst(%dma_wait3A_105 : memref<4096xf32, #tpu.memory_space<vmem>>)
      %mul3A_109 = arith.constant 4096 : i32
      %mul3A_110 = arith.muli %scan3A_99, %mul3A_109 : i32
      %add3A_111 = arith.constant 4096 : i32
      %add3A_112 = arith.addi %mul3A_110, %add3A_111 : i32
      %parallel_loop3A_113 = arith.constant 16 : i32
      scf.for %parallel_loop3A_114 = %mul3A_110 to %add3A_112 step %parallel_loop3A_113  : i32 {
        %parallel_loop3A_115 = arith.index_cast %parallel_loop3A_114 : i32 to index
        %parallel_loop3A_116 = tpu.vector_load %arg6[%parallel_loop3A_115] {strides = array<i32>} : memref<32768xf32, #tpu.memory_space<vmem>>, vector<16xf32>,
        %parallel_loop3A_117 = vector.bitcast %parallel_loop3A_116 : vector<16xf32> to vector<16xi32>
        %parallel_loop3A_118 = arith.constant 21 : i32
        %parallel_loop3A_119 = vector.broadcast %parallel_loop3A_118 : i32 to vector<16xi32>
        %parallel_loop3A_120 = arith.shrsi %parallel_loop3A_117, %parallel_loop3A_119 : vector<16xi32>
        %parallel_loop3A_121 = arith.cmpi eq, %parallel_loop3A_120, %get3A_80 : vector<16xi32>
        %parallel_loop3A_122 = arith.constant 11 : i32
        %parallel_loop3A_123 = vector.broadcast %parallel_loop3A_122 : i32 to vector<16xi32>
        %parallel_loop3A_124 = arith.shrsi %parallel_loop3A_117, %parallel_loop3A_123 : vector<16xi32>
        %parallel_loop3A_125 = arith.constant 1023 : i32
        %parallel_loop3A_126 = vector.broadcast %parallel_loop3A_125 : i32 to vector<16xi32>
        %parallel_loop3A_127 = arith.andi %parallel_loop3A_124, %parallel_loop3A_126 : vector<16xi32>
        %parallel_loop3A_128 = arith.addi %mul3A_88, %parallel_loop3A_127 : vector<16xi32>
        tpu.vector_store_idx %arg8[%parallel_loop3A_128], %broadcast_in_dim3A_90 masked %parallel_loop3A_121 {add = true} : memref<16400xi32, #tpu.memory_space<vmem>>[vector<16xi32>], vector<16xi32>, vector<16xi1>
        tpu.vector_store_idx %arg9[%parallel_loop3A_128], %parallel_loop3A_116 masked %parallel_loop3A_121 {add = true} : memref<16400xf32, #tpu.memory_space<vmem>>[vector<16xi32>], vector<16xf32>, vector<16xi1>
      } {sc.loop_unroll_factor = 8 : i64, sc.parallel_access}
    }
    %scan3A_95 = arith.constant 8 : i32
    %parallel_loop3A_96 = arith.constant 0 : i32
    %parallel_loop3A_97 = arith.constant 1024 : i32
    %parallel_loop3A_98 = arith.constant 16 : i32
    scf.for %parallel_loop3A_99 = %parallel_loop3A_96 to %parallel_loop3A_97 step %parallel_loop3A_98  : i32 {
      %parallel_loop3A_100 = arith.index_cast %parallel_loop3A_99 : i32 to index
      %parallel_loop3A_101 = tpu.vector_load %arg8[%parallel_loop3A_100] {strides = array<i32>} : memref<16400xi32, #tpu.memory_space<vmem>>, vector<16xi32>,
      %parallel_loop3A_102 = arith.index_cast %parallel_loop3A_99 : i32 to index
      %parallel_loop3A_103 = tpu.vector_load %arg9[%parallel_loop3A_102] {strides = array<i32>} : memref<16400xf32, #tpu.memory_space<vmem>>, vector<16xf32>,
      %parallel_loop3A_104 = arith.constant 1025 : i32
      %parallel_loop3A_105 = arith.addi %parallel_loop3A_104, %parallel_loop3A_99 : i32
      %parallel_loop3A_106 = arith.index_cast %parallel_loop3A_105 : i32 to index
      %parallel_loop3A_107 = tpu.vector_load %arg8[%parallel_loop3A_106] {strides = array<i32>} : memref<16400xi32, #tpu.memory_space<vmem>>, vector<16xi32>,
      %parallel_loop3A_108 = arith.addi %parallel_loop3A_101, %parallel_loop3A_107 : vector<16xi32>
      %parallel_loop3A_109 = arith.constant 1025 : i32
      %parallel_loop3A_110 = arith.addi %parallel_loop3A_109, %parallel_loop3A_99 : i32
      %parallel_loop3A_111 = arith.index_cast %parallel_loop3A_110 : i32 to index
      %parallel_loop3A_112 = tpu.vector_load %arg9[%parallel_loop3A_111] {strides = array<i32>} : memref<16400xf32, #tpu.memory_space<vmem>>, vector<16xf32>,
      %parallel_loop3A_113 = arith.addf %parallel_loop3A_103, %parallel_loop3A_112 : vector<16xf32>
      %parallel_loop3A_114 = arith.constant 2050 : i32
      %parallel_loop3A_115 = arith.addi %parallel_loop3A_114, %parallel_loop3A_99 : i32
      %parallel_loop3A_116 = arith.index_cast %parallel_loop3A_115 : i32 to index
      %parallel_loop3A_117 = tpu.vector_load %arg8[%parallel_loop3A_116] {strides = array<i32>} : memref<16400xi32, #tpu.memory_space<vmem>>, vector<16xi32>,
      %parallel_loop3A_118 = arith.addi %parallel_loop3A_108, %parallel_loop3A_117 : vector<16xi32>
      %parallel_loop3A_119 = arith.constant 2050 : i32
      %parallel_loop3A_120 = arith.addi %parallel_loop3A_119, %parallel_loop3A_99 : i32
      %parallel_loop3A_121 = arith.index_cast %parallel_loop3A_120 : i32 to index
      %parallel_loop3A_122 = tpu.vector_load %arg9[%parallel_loop3A_121] {strides = array<i32>} : memref<16400xf32, #tpu.memory_space<vmem>>, vector<16xf32>,
      %parallel_loop3A_123 = arith.addf %parallel_loop3A_113, %parallel_loop3A_122 : vector<16xf32>
      %parallel_loop3A_124 = arith.constant 3075 : i32
      %parallel_loop3A_125 = arith.addi %parallel_loop3A_124, %parallel_loop3A_99 : i32
      %parallel_loop3A_126 = arith.index_cast %parallel_loop3A_125 : i32 to index
      %parallel_loop3A_127 = tpu.vector_load %arg8[%parallel_loop3A_126] {strides = array<i32>} : memref<16400xi32, #tpu.memory_space<vmem>>, vector<16xi32>,
      %parallel_loop3A_128 = arith.addi %parallel_loop3A_118, %parallel_loop3A_127 : vector<16xi32>
      %parallel_loop3A_129 = arith.constant 3075 : i32
      %parallel_loop3A_130 = arith.addi %parallel_loop3A_129, %parallel_loop3A_99 : i32
      %parallel_loop3A_131 = arith.index_cast %parallel_loop3A_130 : i32 to index
      %parallel_loop3A_132 = tpu.vector_load %arg9[%parallel_loop3A_131] {strides = array<i32>} : memref<16400xf32, #tpu.memory_space<vmem>>, vector<16xf32>,
      %parallel_loop3A_133 = arith.addf %parallel_loop3A_123, %parallel_loop3A_132 : vector<16xf32>
      %parallel_loop3A_134 = arith.constant 4100 : i32
      %parallel_loop3A_135 = arith.addi %parallel_loop3A_134, %parallel_loop3A_99 : i32
      %parallel_loop3A_136 = arith.index_cast %parallel_loop3A_135 : i32 to index
      %parallel_loop3A_137 = tpu.vector_load %arg8[%parallel_loop3A_136] {strides = array<i32>} : memref<16400xi32, #tpu.memory_space<vmem>>, vector<16xi32>,
      %parallel_loop3A_138 = arith.addi %parallel_loop3A_128, %parallel_loop3A_137 : vector<16xi32>
      %parallel_loop3A_139 = arith.constant 4100 : i32
      %parallel_loop3A_140 = arith.addi %parallel_loop3A_139, %parallel_loop3A_99 : i32
      %parallel_loop3A_141 = arith.index_cast %parallel_loop3A_140 : i32 to index
      %parallel_loop3A_142 = tpu.vector_load %arg9[%parallel_loop3A_141] {strides = array<i32>} : memref<16400xf32, #tpu.memory_space<vmem>>, vector<16xf32>,
      %parallel_loop3A_143 = arith.addf %parallel_loop3A_133, %parallel_loop3A_142 : vector<16xf32>
      %parallel_loop3A_144 = arith.constant 5125 : i32
      %parallel_loop3A_145 = arith.addi %parallel_loop3A_144, %parallel_loop3A_99 : i32
      %parallel_loop3A_146 = arith.index_cast %parallel_loop3A_145 : i32 to index
      %parallel_loop3A_147 = tpu.vector_load %arg8[%parallel_loop3A_146] {strides = array<i32>} : memref<16400xi32, #tpu.memory_space<vmem>>, vector<16xi32>,
      %parallel_loop3A_148 = arith.addi %parallel_loop3A_138, %parallel_loop3A_147 : vector<16xi32>
      %parallel_loop3A_149 = arith.constant 5125 : i32
      %parallel_loop3A_150 = arith.addi %parallel_loop3A_149, %parallel_loop3A_99 : i32
      %parallel_loop3A_151 = arith.index_cast %parallel_loop3A_150 : i32 to index
      %parallel_loop3A_152 = tpu.vector_load %arg9[%parallel_loop3A_151] {strides = array<i32>} : memref<16400xf32, #tpu.memory_space<vmem>>, vector<16xf32>,
      %parallel_loop3A_153 = arith.addf %parallel_loop3A_143, %parallel_loop3A_152 : vector<16xf32>
      %parallel_loop3A_154 = arith.constant 6150 : i32
      %parallel_loop3A_155 = arith.addi %parallel_loop3A_154, %parallel_loop3A_99 : i32
      %parallel_loop3A_156 = arith.index_cast %parallel_loop3A_155 : i32 to index
      %parallel_loop3A_157 = tpu.vector_load %arg8[%parallel_loop3A_156] {strides = array<i32>} : memref<16400xi32, #tpu.memory_space<vmem>>, vector<16xi32>,
      %parallel_loop3A_158 = arith.addi %parallel_loop3A_148, %parallel_loop3A_157 : vector<16xi32>
      %parallel_loop3A_159 = arith.constant 6150 : i32
      %parallel_loop3A_160 = arith.addi %parallel_loop3A_159, %parallel_loop3A_99 : i32
      %parallel_loop3A_161 = arith.index_cast %parallel_loop3A_160 : i32 to index
      %parallel_loop3A_162 = tpu.vector_load %arg9[%parallel_loop3A_161] {strides = array<i32>} : memref<16400xf32, #tpu.memory_space<vmem>>, vector<16xf32>,
      %parallel_loop3A_163 = arith.addf %parallel_loop3A_153, %parallel_loop3A_162 : vector<16xf32>
      %parallel_loop3A_164 = arith.constant 7175 : i32
      %parallel_loop3A_165 = arith.addi %parallel_loop3A_164, %parallel_loop3A_99 : i32
      %parallel_loop3A_166 = arith.index_cast %parallel_loop3A_165 : i32 to index
      %parallel_loop3A_167 = tpu.vector_load %arg8[%parallel_loop3A_166] {strides = array<i32>} : memref<16400xi32, #tpu.memory_space<vmem>>, vector<16xi32>,
      %parallel_loop3A_168 = arith.addi %parallel_loop3A_158, %parallel_loop3A_167 : vector<16xi32>
      %parallel_loop3A_169 = arith.constant 7175 : i32
      %parallel_loop3A_170 = arith.addi %parallel_loop3A_169, %parallel_loop3A_99 : i32
      %parallel_loop3A_171 = arith.index_cast %parallel_loop3A_170 : i32 to index
      %parallel_loop3A_172 = tpu.vector_load %arg9[%parallel_loop3A_171] {strides = array<i32>} : memref<16400xf32, #tpu.memory_space<vmem>>, vector<16xf32>,
      %parallel_loop3A_173 = arith.addf %parallel_loop3A_163, %parallel_loop3A_172 : vector<16xf32>
      %parallel_loop3A_174 = arith.constant 8200 : i32
      %parallel_loop3A_175 = arith.addi %parallel_loop3A_174, %parallel_loop3A_99 : i32
      %parallel_loop3A_176 = arith.index_cast %parallel_loop3A_175 : i32 to index
      %parallel_loop3A_177 = tpu.vector_load %arg8[%parallel_loop3A_176] {strides = array<i32>} : memref<16400xi32, #tpu.memory_space<vmem>>, vector<16xi32>,
      %parallel_loop3A_178 = arith.addi %parallel_loop3A_168, %parallel_loop3A_177 : vector<16xi32>
      %parallel_loop3A_179 = arith.constant 8200 : i32
      %parallel_loop3A_180 = arith.addi %parallel_loop3A_179, %parallel_loop3A_99 : i32
      %parallel_loop3A_181 = arith.index_cast %parallel_loop3A_180 : i32 to index
      %parallel_loop3A_182 = tpu.vector_load %arg9[%parallel_loop3A_181] {strides = array<i32>} : memref<16400xf32, #tpu.memory_space<vmem>>, vector<16xf32>,
      %parallel_loop3A_183 = arith.addf %parallel_loop3A_173, %parallel_loop3A_182 : vector<16xf32>
      %parallel_loop3A_184 = arith.constant 9225 : i32
      %parallel_loop3A_185 = arith.addi %parallel_loop3A_184, %parallel_loop3A_99 : i32
      %parallel_loop3A_186 = arith.index_cast %parallel_loop3A_185 : i32 to index
      %parallel_loop3A_187 = tpu.vector_load %arg8[%parallel_loop3A_186] {strides = array<i32>} : memref<16400xi32, #tpu.memory_space<vmem>>, vector<16xi32>,
      %parallel_loop3A_188 = arith.addi %parallel_loop3A_178, %parallel_loop3A_187 : vector<16xi32>
      %parallel_loop3A_189 = arith.constant 9225 : i32
      %parallel_loop3A_190 = arith.addi %parallel_loop3A_189, %parallel_loop3A_99 : i32
      %parallel_loop3A_191 = arith.index_cast %parallel_loop3A_190 : i32 to index
      %parallel_loop3A_192 = tpu.vector_load %arg9[%parallel_loop3A_191] {strides = array<i32>} : memref<16400xf32, #tpu.memory_space<vmem>>, vector<16xf32>,
      %parallel_loop3A_193 = arith.addf %parallel_loop3A_183, %parallel_loop3A_192 : vector<16xf32>
      %parallel_loop3A_194 = arith.constant 10250 : i32
      %parallel_loop3A_195 = arith.addi %parallel_loop3A_194, %parallel_loop3A_99 : i32
      %parallel_loop3A_196 = arith.index_cast %parallel_loop3A_195 : i32 to index
      %parallel_loop3A_197 = tpu.vector_load %arg8[%parallel_loop3A_196] {strides = array<i32>} : memref<16400xi32, #tpu.memory_space<vmem>>, vector<16xi32>,
      %parallel_loop3A_198 = arith.addi %parallel_loop3A_188, %parallel_loop3A_197 : vector<16xi32>
      %parallel_loop3A_199 = arith.constant 10250 : i32
      %parallel_loop3A_200 = arith.addi %parallel_loop3A_199, %parallel_loop3A_99 : i32
      %parallel_loop3A_201 = arith.index_cast %parallel_loop3A_200 : i32 to index
      %parallel_loop3A_202 = tpu.vector_load %arg9[%parallel_loop3A_201] {strides = array<i32>} : memref<16400xf32, #tpu.memory_space<vmem>>, vector<16xf32>,
      %parallel_loop3A_203 = arith.addf %parallel_loop3A_193, %parallel_loop3A_202 : vector<16xf32>
      %parallel_loop3A_204 = arith.constant 11275 : i32
      %parallel_loop3A_205 = arith.addi %parallel_loop3A_204, %parallel_loop3A_99 : i32
      %parallel_loop3A_206 = arith.index_cast %parallel_loop3A_205 : i32 to index
      %parallel_loop3A_207 = tpu.vector_load %arg8[%parallel_loop3A_206] {strides = array<i32>} : memref<16400xi32, #tpu.memory_space<vmem>>, vector<16xi32>,
      %parallel_loop3A_208 = arith.addi %parallel_loop3A_198, %parallel_loop3A_207 : vector<16xi32>
      %parallel_loop3A_209 = arith.constant 11275 : i32
      %parallel_loop3A_210 = arith.addi %parallel_loop3A_209, %parallel_loop3A_99 : i32
      %parallel_loop3A_211 = arith.index_cast %parallel_loop3A_210 : i32 to index
      %parallel_loop3A_212 = tpu.vector_load %arg9[%parallel_loop3A_211] {strides = array<i32>} : memref<16400xf32, #tpu.memory_space<vmem>>, vector<16xf32>,
      %parallel_loop3A_213 = arith.addf %parallel_loop3A_203, %parallel_loop3A_212 : vector<16xf32>
      %parallel_loop3A_214 = arith.constant 12300 : i32
      %parallel_loop3A_215 = arith.addi %parallel_loop3A_214, %parallel_loop3A_99 : i32
      %parallel_loop3A_216 = arith.index_cast %parallel_loop3A_215 : i32 to index
      %parallel_loop3A_217 = tpu.vector_load %arg8[%parallel_loop3A_216] {strides = array<i32>} : memref<16400xi32, #tpu.memory_space<vmem>>, vector<16xi32>,
      %parallel_loop3A_218 = arith.addi %parallel_loop3A_208, %parallel_loop3A_217 : vector<16xi32>
      %parallel_loop3A_219 = arith.constant 12300 : i32
      %parallel_loop3A_220 = arith.addi %parallel_loop3A_219, %parallel_loop3A_99 : i32
      %parallel_loop3A_221 = arith.index_cast %parallel_loop3A_220 : i32 to index
      %parallel_loop3A_222 = tpu.vector_load %arg9[%parallel_loop3A_221] {strides = array<i32>} : memref<16400xf32, #tpu.memory_space<vmem>>, vector<16xf32>,
      %parallel_loop3A_223 = arith.addf %parallel_loop3A_213, %parallel_loop3A_222 : vector<16xf32>
      %parallel_loop3A_224 = arith.constant 13325 : i32
      %parallel_loop3A_225 = arith.addi %parallel_loop3A_224, %parallel_loop3A_99 : i32
      %parallel_loop3A_226 = arith.index_cast %parallel_loop3A_225 : i32 to index
      %parallel_loop3A_227 = tpu.vector_load %arg8[%parallel_loop3A_226] {strides = array<i32>} : memref<16400xi32, #tpu.memory_space<vmem>>, vector<16xi32>,
      %parallel_loop3A_228 = arith.addi %parallel_loop3A_218, %parallel_loop3A_227 : vector<16xi32>
      %parallel_loop3A_229 = arith.constant 13325 : i32
      %parallel_loop3A_230 = arith.addi %parallel_loop3A_229, %parallel_loop3A_99 : i32
      %parallel_loop3A_231 = arith.index_cast %parallel_loop3A_230 : i32 to index
      %parallel_loop3A_232 = tpu.vector_load %arg9[%parallel_loop3A_231] {strides = array<i32>} : memref<16400xf32, #tpu.memory_space<vmem>>, vector<16xf32>,
      %parallel_loop3A_233 = arith.addf %parallel_loop3A_223, %parallel_loop3A_232 : vector<16xf32>
      %parallel_loop3A_234 = arith.constant 14350 : i32
      %parallel_loop3A_235 = arith.addi %parallel_loop3A_234, %parallel_loop3A_99 : i32
      %parallel_loop3A_236 = arith.index_cast %parallel_loop3A_235 : i32 to index
      %parallel_loop3A_237 = tpu.vector_load %arg8[%parallel_loop3A_236] {strides = array<i32>} : memref<16400xi32, #tpu.memory_space<vmem>>, vector<16xi32>,
      %parallel_loop3A_238 = arith.addi %parallel_loop3A_228, %parallel_loop3A_237 : vector<16xi32>
      %parallel_loop3A_239 = arith.constant 14350 : i32
      %parallel_loop3A_240 = arith.addi %parallel_loop3A_239, %parallel_loop3A_99 : i32
      %parallel_loop3A_241 = arith.index_cast %parallel_loop3A_240 : i32 to index
      %parallel_loop3A_242 = tpu.vector_load %arg9[%parallel_loop3A_241] {strides = array<i32>} : memref<16400xf32, #tpu.memory_space<vmem>>, vector<16xf32>,
      %parallel_loop3A_243 = arith.addf %parallel_loop3A_233, %parallel_loop3A_242 : vector<16xf32>
      %parallel_loop3A_244 = arith.constant 15375 : i32
      %parallel_loop3A_245 = arith.addi %parallel_loop3A_244, %parallel_loop3A_99 : i32
      %parallel_loop3A_246 = arith.index_cast %parallel_loop3A_245 : i32 to index
      %parallel_loop3A_247 = tpu.vector_load %arg8[%parallel_loop3A_246] {strides = array<i32>} : memref<16400xi32, #tpu.memory_space<vmem>>, vector<16xi32>,
      %parallel_loop3A_248 = arith.addi %parallel_loop3A_238, %parallel_loop3A_247 : vector<16xi32>
      %parallel_loop3A_249 = arith.constant 15375 : i32
      %parallel_loop3A_250 = arith.addi %parallel_loop3A_249, %parallel_loop3A_99 : i32
      %parallel_loop3A_251 = arith.index_cast %parallel_loop3A_250 : i32 to index
      %parallel_loop3A_252 = tpu.vector_load %arg9[%parallel_loop3A_251] {strides = array<i32>} : memref<16400xf32, #tpu.memory_space<vmem>>, vector<16xf32>,
      %parallel_loop3A_253 = arith.addf %parallel_loop3A_243, %parallel_loop3A_252 : vector<16xf32>
      %parallel_loop3A_254 = arith.index_cast %parallel_loop3A_99 : i32 to index
      %parallel_loop3A_255 = tpu.vector_load %arg10[%parallel_loop3A_254] {strides = array<i32>} : memref<1024xi32, #tpu.memory_space<vmem>>, vector<16xi32>,
      tpu.vector_store %arg10[%parallel_loop3A_254], %parallel_loop3A_248 {strides = array<i32>} : memref<1024xi32, #tpu.memory_space<vmem>>, vector<16xi32>,
      %parallel_loop3A_256 = arith.index_cast %parallel_loop3A_99 : i32 to index
      %parallel_loop3A_257 = tpu.vector_load %arg11[%parallel_loop3A_256] {strides = array<i32>} : memref<1024xf32, #tpu.memory_space<vmem>>, vector<16xf32>,
      tpu.vector_store %arg11[%parallel_loop3A_256], %parallel_loop3A_253 {strides = array<i32>} : memref<1024xf32, #tpu.memory_space<vmem>>, vector<16xf32>,
    } {sc.loop_unroll_factor = 2 : i64, sc.parallel_access}
    "tpu.region"() ({
      %run_scoped3A_99 = tpu.sem_alloc : memref<!tpu.dma_semaphore, #tpu.memory_space<semaphore_mem>>
      %dma_start3A_100 = arith.constant 0 : i32
      %dma_start3A_101 = tpu.memref_slice %arg4[%add3A, %dma_start3A_100] : memref<32x1024xi32, #tpu.memory_space<hbm>> -> memref<1x1024xi32, #tpu.memory_space<hbm>>
      %dma_start3A_102 = tpu.memref_squeeze %dma_start3A_101 : memref<1x1024xi32, #tpu.memory_space<hbm>> -> memref<1024xi32, #tpu.memory_space<hbm>>
      %dma_start3A_103 = arith.constant 0 : i32
      %dma_start3A_104 = tpu.memref_slice %arg4[%add3A, %dma_start3A_103] : memref<32x1024xi32, #tpu.memory_space<hbm>> -> memref<1x1024xi32, #tpu.memory_space<hbm>>
      %dma_start3A_105 = tpu.memref_squeeze %dma_start3A_104 : memref<1x1024xi32, #tpu.memory_space<hbm>> -> memref<1024xi32, #tpu.memory_space<hbm>>
      tpu.enqueue_dma source(%arg10 : memref<1024xi32, #tpu.memory_space<vmem>>) target(%dma_start3A_105 : memref<1024xi32, #tpu.memory_space<hbm>>) target_semaphore(%run_scoped3A_99 : memref<!tpu.dma_semaphore, #tpu.memory_space<semaphore_mem>>)
      %dma_wait3A = arith.constant 0 : i32
      %dma_wait3A_106 = tpu.memref_slice %arg4[%add3A, %dma_wait3A] : memref<32x1024xi32, #tpu.memory_space<hbm>> -> memref<1x1024xi32, #tpu.memory_space<hbm>>
      %dma_wait3A_107 = tpu.memref_squeeze %dma_wait3A_106 : memref<1x1024xi32, #tpu.memory_space<hbm>> -> memref<1024xi32, #tpu.memory_space<hbm>>
      %dma_wait3A_108 = arith.constant 0 : i32
      %dma_wait3A_109 = tpu.memref_slice %arg4[%add3A, %dma_wait3A_108] : memref<32x1024xi32, #tpu.memory_space<hbm>> -> memref<1x1024xi32, #tpu.memory_space<hbm>>
      %dma_wait3A_110 = tpu.memref_squeeze %dma_wait3A_109 : memref<1x1024xi32, #tpu.memory_space<hbm>> -> memref<1024xi32, #tpu.memory_space<hbm>>
      tpu.wait_dma2 semaphore(%run_scoped3A_99 : memref<!tpu.dma_semaphore, #tpu.memory_space<semaphore_mem>>) src(%arg10 : memref<1024xi32, #tpu.memory_space<vmem>>) dst(%dma_wait3A_110 : memref<1024xi32, #tpu.memory_space<hbm>>)
      tpu.yield
    }) : () -> ()
    "tpu.region"() ({
      %run_scoped3A_99 = tpu.sem_alloc : memref<!tpu.dma_semaphore, #tpu.memory_space<semaphore_mem>>
      %dma_start3A_100 = arith.constant 0 : i32
      %dma_start3A_101 = tpu.memref_slice %arg5[%add3A, %dma_start3A_100] : memref<32x1024xf32, #tpu.memory_space<hbm>> -> memref<1x1024xf32, #tpu.memory_space<hbm>>
      %dma_start3A_102 = tpu.memref_squeeze %dma_start3A_101 : memref<1x1024xf32, #tpu.memory_space<hbm>> -> memref<1024xf32, #tpu.memory_space<hbm>>
      %dma_start3A_103 = arith.constant 0 : i32
      %dma_start3A_104 = tpu.memref_slice %arg5[%add3A, %dma_start3A_103] : memref<32x1024xf32, #tpu.memory_space<hbm>> -> memref<1x1024xf32, #tpu.memory_space<hbm>>
      %dma_start3A_105 = tpu.memref_squeeze %dma_start3A_104 : memref<1x1024xf32, #tpu.memory_space<hbm>> -> memref<1024xf32, #tpu.memory_space<hbm>>
      tpu.enqueue_dma source(%arg11 : memref<1024xf32, #tpu.memory_space<vmem>>) target(%dma_start3A_105 : memref<1024xf32, #tpu.memory_space<hbm>>) target_semaphore(%run_scoped3A_99 : memref<!tpu.dma_semaphore, #tpu.memory_space<semaphore_mem>>)
      %dma_wait3A = arith.constant 0 : i32
      %dma_wait3A_106 = tpu.memref_slice %arg5[%add3A, %dma_wait3A] : memref<32x1024xf32, #tpu.memory_space<hbm>> -> memref<1x1024xf32, #tpu.memory_space<hbm>>
      %dma_wait3A_107 = tpu.memref_squeeze %dma_wait3A_106 : memref<1x1024xf32, #tpu.memory_space<hbm>> -> memref<1024xf32, #tpu.memory_space<hbm>>
      %dma_wait3A_108 = arith.constant 0 : i32
      %dma_wait3A_109 = tpu.memref_slice %arg5[%add3A, %dma_wait3A_108] : memref<32x1024xf32, #tpu.memory_space<hbm>> -> memref<1x1024xf32, #tpu.memory_space<hbm>>
      %dma_wait3A_110 = tpu.memref_squeeze %dma_wait3A_109 : memref<1x1024xf32, #tpu.memory_space<hbm>> -> memref<1024xf32, #tpu.memory_space<hbm>>
      tpu.wait_dma2 semaphore(%run_scoped3A_99 : memref<!tpu.dma_semaphore, #tpu.memory_space<semaphore_mem>>) src(%arg11 : memref<1024xf32, #tpu.memory_space<vmem>>) dst(%dma_wait3A_110 : memref<1024xf32, #tpu.memory_space<hbm>>)
      tpu.yield
    }) : () -> ()
    return
  }
}

#map = affine_map<(d0, d1) -> (0, 0)>
module attributes {stable_mosaic.version = 14 : i64} {
  func.func @_sc_pass1(%arg0: i32, %arg1: i32, %arg2: memref<32x32768xf32, #tpu.memory_space<hbm>>, %arg3: memref<32x32768xf32, #tpu.memory_space<hbm>>, %arg4: memref<32x32768xf32, #tpu.memory_space<hbm>>, %arg5: memref<32x1024xi32, #tpu.memory_space<hbm>>, %arg6: memref<32x1024xf32, #tpu.memory_space<hbm>>, %arg7: memref<32768xf32, #tpu.memory_space<vmem>>, %arg8: memref<32768xf32, #tpu.memory_space<vmem>>, %arg9: memref<16400xi32, #tpu.memory_space<vmem>>, %arg10: memref<16400xf32, #tpu.memory_space<vmem>>, %arg11: memref<1024xi32, #tpu.memory_space<vmem>>, %arg12: memref<1024xf32, #tpu.memory_space<vmem>>, %arg13: memref<!tpu.dma_semaphore, #tpu.memory_space<semaphore_mem>>, %arg14: memref<!tpu.dma_semaphore, #tpu.memory_space<semaphore_mem>>, %arg15: memref<!tpu.dma_semaphore, #tpu.memory_space<semaphore_mem>>) attributes {dimension_semantics = [#tpu.dimension_semantics<core_parallel>, #tpu.dimension_semantics<subcore_parallel>], iteration_bounds = array<i64: 2, 16>, scalar_prefetch = 0 : i64, scratch_operands = 9 : i64, tpu.core_type = #tpu.core_type<sc_vector_subcore>, window_params = [{transform_indices = #map}, {transform_indices = #map}, {transform_indices = #map}, {transform_indices = #map}, {transform_indices = #map}]} {
    %mul3A = arith.constant 2 : i32
    %mul3A_0 = arith.muli %arg1, %mul3A : i32
    %add3A = arith.addi %mul3A_0, %arg0 : i32
    %dma_start3A = arith.constant 0 : i32
    %dma_start3A_1 = tpu.memref_slice %arg7[%dma_start3A] : memref<32768xf32, #tpu.memory_space<vmem>> -> memref<4096xf32, #tpu.memory_space<vmem>>
    %dma_start3A_2 = arith.constant 0 : i32
    %dma_start3A_3 = tpu.memref_slice %arg2[%add3A, %dma_start3A_2] : memref<32x32768xf32, #tpu.memory_space<hbm>> -> memref<1x4096xf32, #tpu.memory_space<hbm>>
    %dma_start3A_4 = tpu.memref_squeeze %dma_start3A_3 : memref<1x4096xf32, #tpu.memory_space<hbm>> -> memref<4096xf32, #tpu.memory_space<hbm>>
    %dma_start3A_5 = arith.constant 0 : i32
    %dma_start3A_6 = tpu.memref_slice %arg7[%dma_start3A_5] : memref<32768xf32, #tpu.memory_space<vmem>> -> memref<4096xf32, #tpu.memory_space<vmem>>
    %dma_start3A_7 = arith.constant 0 : i32
    %dma_start3A_8 = tpu.memref_slice %arg2[%add3A, %dma_start3A_7] : memref<32x32768xf32, #tpu.memory_space<hbm>> -> memref<1x4096xf32, #tpu.memory_space<hbm>>
    %dma_start3A_9 = tpu.memref_squeeze %dma_start3A_8 : memref<1x4096xf32, #tpu.memory_space<hbm>> -> memref<4096xf32, #tpu.memory_space<hbm>>
    tpu.enqueue_dma source(%dma_start3A_9 : memref<4096xf32, #tpu.memory_space<hbm>>) target(%dma_start3A_6 : memref<4096xf32, #tpu.memory_space<vmem>>) target_semaphore(%arg13 : memref<!tpu.dma_semaphore, #tpu.memory_space<semaphore_mem>>)
    %dma_start3A_10 = arith.constant 0 : i32
    %dma_start3A_11 = tpu.memref_slice %arg8[%dma_start3A_10] : memref<32768xf32, #tpu.memory_space<vmem>> -> memref<4096xf32, #tpu.memory_space<vmem>>
    %dma_start3A_12 = arith.constant 0 : i32
    %dma_start3A_13 = tpu.memref_slice %arg3[%add3A, %dma_start3A_12] : memref<32x32768xf32, #tpu.memory_space<hbm>> -> memref<1x4096xf32, #tpu.memory_space<hbm>>
    %dma_start3A_14 = tpu.memref_squeeze %dma_start3A_13 : memref<1x4096xf32, #tpu.memory_space<hbm>> -> memref<4096xf32, #tpu.memory_space<hbm>>
    %dma_start3A_15 = arith.constant 0 : i32
    %dma_start3A_16 = tpu.memref_slice %arg8[%dma_start3A_15] : memref<32768xf32, #tpu.memory_space<vmem>> -> memref<4096xf32, #tpu.memory_space<vmem>>
    %dma_start3A_17 = arith.constant 0 : i32
    %dma_start3A_18 = tpu.memref_slice %arg3[%add3A, %dma_start3A_17] : memref<32x32768xf32, #tpu.memory_space<hbm>> -> memref<1x4096xf32, #tpu.memory_space<hbm>>
    %dma_start3A_19 = tpu.memref_squeeze %dma_start3A_18 : memref<1x4096xf32, #tpu.memory_space<hbm>> -> memref<4096xf32, #tpu.memory_space<hbm>>
    tpu.enqueue_dma source(%dma_start3A_19 : memref<4096xf32, #tpu.memory_space<hbm>>) target(%dma_start3A_16 : memref<4096xf32, #tpu.memory_space<vmem>>) target_semaphore(%arg14 : memref<!tpu.dma_semaphore, #tpu.memory_space<semaphore_mem>>)
    %dma_start3A_20 = arith.constant 4096 : i32
    %dma_start3A_21 = tpu.memref_slice %arg7[%dma_start3A_20] : memref<32768xf32, #tpu.memory_space<vmem>> -> memref<4096xf32, #tpu.memory_space<vmem>>
    %dma_start3A_22 = arith.constant 4096 : i32
    %dma_start3A_23 = tpu.memref_slice %arg2[%add3A, %dma_start3A_22] : memref<32x32768xf32, #tpu.memory_space<hbm>> -> memref<1x4096xf32, #tpu.memory_space<hbm>>
    %dma_start3A_24 = tpu.memref_squeeze %dma_start3A_23 : memref<1x4096xf32, #tpu.memory_space<hbm>> -> memref<4096xf32, #tpu.memory_space<hbm>>
    %dma_start3A_25 = arith.constant 4096 : i32
    %dma_start3A_26 = tpu.memref_slice %arg7[%dma_start3A_25] : memref<32768xf32, #tpu.memory_space<vmem>> -> memref<4096xf32, #tpu.memory_space<vmem>>
    %dma_start3A_27 = arith.constant 4096 : i32
    %dma_start3A_28 = tpu.memref_slice %arg2[%add3A, %dma_start3A_27] : memref<32x32768xf32, #tpu.memory_space<hbm>> -> memref<1x4096xf32, #tpu.memory_space<hbm>>
    %dma_start3A_29 = tpu.memref_squeeze %dma_start3A_28 : memref<1x4096xf32, #tpu.memory_space<hbm>> -> memref<4096xf32, #tpu.memory_space<hbm>>
    tpu.enqueue_dma source(%dma_start3A_29 : memref<4096xf32, #tpu.memory_space<hbm>>) target(%dma_start3A_26 : memref<4096xf32, #tpu.memory_space<vmem>>) target_semaphore(%arg13 : memref<!tpu.dma_semaphore, #tpu.memory_space<semaphore_mem>>)
    %dma_start3A_30 = arith.constant 4096 : i32
    %dma_start3A_31 = tpu.memref_slice %arg8[%dma_start3A_30] : memref<32768xf32, #tpu.memory_space<vmem>> -> memref<4096xf32, #tpu.memory_space<vmem>>
    %dma_start3A_32 = arith.constant 4096 : i32
    %dma_start3A_33 = tpu.memref_slice %arg3[%add3A, %dma_start3A_32] : memref<32x32768xf32, #tpu.memory_space<hbm>> -> memref<1x4096xf32, #tpu.memory_space<hbm>>
    %dma_start3A_34 = tpu.memref_squeeze %dma_start3A_33 : memref<1x4096xf32, #tpu.memory_space<hbm>> -> memref<4096xf32, #tpu.memory_space<hbm>>
    %dma_start3A_35 = arith.constant 4096 : i32
    %dma_start3A_36 = tpu.memref_slice %arg8[%dma_start3A_35] : memref<32768xf32, #tpu.memory_space<vmem>> -> memref<4096xf32, #tpu.memory_space<vmem>>
    %dma_start3A_37 = arith.constant 4096 : i32
    %dma_start3A_38 = tpu.memref_slice %arg3[%add3A, %dma_start3A_37] : memref<32x32768xf32, #tpu.memory_space<hbm>> -> memref<1x4096xf32, #tpu.memory_space<hbm>>
    %dma_start3A_39 = tpu.memref_squeeze %dma_start3A_38 : memref<1x4096xf32, #tpu.memory_space<hbm>> -> memref<4096xf32, #tpu.memory_space<hbm>>
    tpu.enqueue_dma source(%dma_start3A_39 : memref<4096xf32, #tpu.memory_space<hbm>>) target(%dma_start3A_36 : memref<4096xf32, #tpu.memory_space<vmem>>) target_semaphore(%arg14 : memref<!tpu.dma_semaphore, #tpu.memory_space<semaphore_mem>>)
    %dma_start3A_40 = arith.constant 8192 : i32
    %dma_start3A_41 = tpu.memref_slice %arg7[%dma_start3A_40] : memref<32768xf32, #tpu.memory_space<vmem>> -> memref<4096xf32, #tpu.memory_space<vmem>>
    %dma_start3A_42 = arith.constant 8192 : i32
    %dma_start3A_43 = tpu.memref_slice %arg2[%add3A, %dma_start3A_42] : memref<32x32768xf32, #tpu.memory_space<hbm>> -> memref<1x4096xf32, #tpu.memory_space<hbm>>
    %dma_start3A_44 = tpu.memref_squeeze %dma_start3A_43 : memref<1x4096xf32, #tpu.memory_space<hbm>> -> memref<4096xf32, #tpu.memory_space<hbm>>
    %dma_start3A_45 = arith.constant 8192 : i32
    %dma_start3A_46 = tpu.memref_slice %arg7[%dma_start3A_45] : memref<32768xf32, #tpu.memory_space<vmem>> -> memref<4096xf32, #tpu.memory_space<vmem>>
    %dma_start3A_47 = arith.constant 8192 : i32
    %dma_start3A_48 = tpu.memref_slice %arg2[%add3A, %dma_start3A_47] : memref<32x32768xf32, #tpu.memory_space<hbm>> -> memref<1x4096xf32, #tpu.memory_space<hbm>>
    %dma_start3A_49 = tpu.memref_squeeze %dma_start3A_48 : memref<1x4096xf32, #tpu.memory_space<hbm>> -> memref<4096xf32, #tpu.memory_space<hbm>>
    tpu.enqueue_dma source(%dma_start3A_49 : memref<4096xf32, #tpu.memory_space<hbm>>) target(%dma_start3A_46 : memref<4096xf32, #tpu.memory_space<vmem>>) target_semaphore(%arg13 : memref<!tpu.dma_semaphore, #tpu.memory_space<semaphore_mem>>)
    %dma_start3A_50 = arith.constant 8192 : i32
    %dma_start3A_51 = tpu.memref_slice %arg8[%dma_start3A_50] : memref<32768xf32, #tpu.memory_space<vmem>> -> memref<4096xf32, #tpu.memory_space<vmem>>
    %dma_start3A_52 = arith.constant 8192 : i32
    %dma_start3A_53 = tpu.memref_slice %arg3[%add3A, %dma_start3A_52] : memref<32x32768xf32, #tpu.memory_space<hbm>> -> memref<1x4096xf32, #tpu.memory_space<hbm>>
    %dma_start3A_54 = tpu.memref_squeeze %dma_start3A_53 : memref<1x4096xf32, #tpu.memory_space<hbm>> -> memref<4096xf32, #tpu.memory_space<hbm>>
    %dma_start3A_55 = arith.constant 8192 : i32
    %dma_start3A_56 = tpu.memref_slice %arg8[%dma_start3A_55] : memref<32768xf32, #tpu.memory_space<vmem>> -> memref<4096xf32, #tpu.memory_space<vmem>>
    %dma_start3A_57 = arith.constant 8192 : i32
    %dma_start3A_58 = tpu.memref_slice %arg3[%add3A, %dma_start3A_57] : memref<32x32768xf32, #tpu.memory_space<hbm>> -> memref<1x4096xf32, #tpu.memory_space<hbm>>
    %dma_start3A_59 = tpu.memref_squeeze %dma_start3A_58 : memref<1x4096xf32, #tpu.memory_space<hbm>> -> memref<4096xf32, #tpu.memory_space<hbm>>
    tpu.enqueue_dma source(%dma_start3A_59 : memref<4096xf32, #tpu.memory_space<hbm>>) target(%dma_start3A_56 : memref<4096xf32, #tpu.memory_space<vmem>>) target_semaphore(%arg14 : memref<!tpu.dma_semaphore, #tpu.memory_space<semaphore_mem>>)
    %dma_start3A_60 = arith.constant 12288 : i32
    %dma_start3A_61 = tpu.memref_slice %arg7[%dma_start3A_60] : memref<32768xf32, #tpu.memory_space<vmem>> -> memref<4096xf32, #tpu.memory_space<vmem>>
    %dma_start3A_62 = arith.constant 12288 : i32
    %dma_start3A_63 = tpu.memref_slice %arg2[%add3A, %dma_start3A_62] : memref<32x32768xf32, #tpu.memory_space<hbm>> -> memref<1x4096xf32, #tpu.memory_space<hbm>>
    %dma_start3A_64 = tpu.memref_squeeze %dma_start3A_63 : memref<1x4096xf32, #tpu.memory_space<hbm>> -> memref<4096xf32, #tpu.memory_space<hbm>>
    %dma_start3A_65 = arith.constant 12288 : i32
    %dma_start3A_66 = tpu.memref_slice %arg7[%dma_start3A_65] : memref<32768xf32, #tpu.memory_space<vmem>> -> memref<4096xf32, #tpu.memory_space<vmem>>
    %dma_start3A_67 = arith.constant 12288 : i32
    %dma_start3A_68 = tpu.memref_slice %arg2[%add3A, %dma_start3A_67] : memref<32x32768xf32, #tpu.memory_space<hbm>> -> memref<1x4096xf32, #tpu.memory_space<hbm>>
    %dma_start3A_69 = tpu.memref_squeeze %dma_start3A_68 : memref<1x4096xf32, #tpu.memory_space<hbm>> -> memref<4096xf32, #tpu.memory_space<hbm>>
    tpu.enqueue_dma source(%dma_start3A_69 : memref<4096xf32, #tpu.memory_space<hbm>>) target(%dma_start3A_66 : memref<4096xf32, #tpu.memory_space<vmem>>) target_semaphore(%arg13 : memref<!tpu.dma_semaphore, #tpu.memory_space<semaphore_mem>>)
    %dma_start3A_70 = arith.constant 12288 : i32
    %dma_start3A_71 = tpu.memref_slice %arg8[%dma_start3A_70] : memref<32768xf32, #tpu.memory_space<vmem>> -> memref<4096xf32, #tpu.memory_space<vmem>>
    %dma_start3A_72 = arith.constant 12288 : i32
    %dma_start3A_73 = tpu.memref_slice %arg3[%add3A, %dma_start3A_72] : memref<32x32768xf32, #tpu.memory_space<hbm>> -> memref<1x4096xf32, #tpu.memory_space<hbm>>
    %dma_start3A_74 = tpu.memref_squeeze %dma_start3A_73 : memref<1x4096xf32, #tpu.memory_space<hbm>> -> memref<4096xf32, #tpu.memory_space<hbm>>
    %dma_start3A_75 = arith.constant 12288 : i32
    %dma_start3A_76 = tpu.memref_slice %arg8[%dma_start3A_75] : memref<32768xf32, #tpu.memory_space<vmem>> -> memref<4096xf32, #tpu.memory_space<vmem>>
    %dma_start3A_77 = arith.constant 12288 : i32
    %dma_start3A_78 = tpu.memref_slice %arg3[%add3A, %dma_start3A_77] : memref<32x32768xf32, #tpu.memory_space<hbm>> -> memref<1x4096xf32, #tpu.memory_space<hbm>>
    %dma_start3A_79 = tpu.memref_squeeze %dma_start3A_78 : memref<1x4096xf32, #tpu.memory_space<hbm>> -> memref<4096xf32, #tpu.memory_space<hbm>>
    tpu.enqueue_dma source(%dma_start3A_79 : memref<4096xf32, #tpu.memory_space<hbm>>) target(%dma_start3A_76 : memref<4096xf32, #tpu.memory_space<vmem>>) target_semaphore(%arg14 : memref<!tpu.dma_semaphore, #tpu.memory_space<semaphore_mem>>)
    %dma_start3A_80 = arith.constant 16384 : i32
    %dma_start3A_81 = tpu.memref_slice %arg7[%dma_start3A_80] : memref<32768xf32, #tpu.memory_space<vmem>> -> memref<4096xf32, #tpu.memory_space<vmem>>
    %dma_start3A_82 = arith.constant 16384 : i32
    %dma_start3A_83 = tpu.memref_slice %arg2[%add3A, %dma_start3A_82] : memref<32x32768xf32, #tpu.memory_space<hbm>> -> memref<1x4096xf32, #tpu.memory_space<hbm>>
    %dma_start3A_84 = tpu.memref_squeeze %dma_start3A_83 : memref<1x4096xf32, #tpu.memory_space<hbm>> -> memref<4096xf32, #tpu.memory_space<hbm>>
    %dma_start3A_85 = arith.constant 16384 : i32
    %dma_start3A_86 = tpu.memref_slice %arg7[%dma_start3A_85] : memref<32768xf32, #tpu.memory_space<vmem>> -> memref<4096xf32, #tpu.memory_space<vmem>>
    %dma_start3A_87 = arith.constant 16384 : i32
    %dma_start3A_88 = tpu.memref_slice %arg2[%add3A, %dma_start3A_87] : memref<32x32768xf32, #tpu.memory_space<hbm>> -> memref<1x4096xf32, #tpu.memory_space<hbm>>
    %dma_start3A_89 = tpu.memref_squeeze %dma_start3A_88 : memref<1x4096xf32, #tpu.memory_space<hbm>> -> memref<4096xf32, #tpu.memory_space<hbm>>
    tpu.enqueue_dma source(%dma_start3A_89 : memref<4096xf32, #tpu.memory_space<hbm>>) target(%dma_start3A_86 : memref<4096xf32, #tpu.memory_space<vmem>>) target_semaphore(%arg13 : memref<!tpu.dma_semaphore, #tpu.memory_space<semaphore_mem>>)
    %dma_start3A_90 = arith.constant 16384 : i32
    %dma_start3A_91 = tpu.memref_slice %arg8[%dma_start3A_90] : memref<32768xf32, #tpu.memory_space<vmem>> -> memref<4096xf32, #tpu.memory_space<vmem>>
    %dma_start3A_92 = arith.constant 16384 : i32
    %dma_start3A_93 = tpu.memref_slice %arg3[%add3A, %dma_start3A_92] : memref<32x32768xf32, #tpu.memory_space<hbm>> -> memref<1x4096xf32, #tpu.memory_space<hbm>>
    %dma_start3A_94 = tpu.memref_squeeze %dma_start3A_93 : memref<1x4096xf32, #tpu.memory_space<hbm>> -> memref<4096xf32, #tpu.memory_space<hbm>>
    %dma_start3A_95 = arith.constant 16384 : i32
    %dma_start3A_96 = tpu.memref_slice %arg8[%dma_start3A_95] : memref<32768xf32, #tpu.memory_space<vmem>> -> memref<4096xf32, #tpu.memory_space<vmem>>
    %dma_start3A_97 = arith.constant 16384 : i32
    %dma_start3A_98 = tpu.memref_slice %arg3[%add3A, %dma_start3A_97] : memref<32x32768xf32, #tpu.memory_space<hbm>> -> memref<1x4096xf32, #tpu.memory_space<hbm>>
    %dma_start3A_99 = tpu.memref_squeeze %dma_start3A_98 : memref<1x4096xf32, #tpu.memory_space<hbm>> -> memref<4096xf32, #tpu.memory_space<hbm>>
    tpu.enqueue_dma source(%dma_start3A_99 : memref<4096xf32, #tpu.memory_space<hbm>>) target(%dma_start3A_96 : memref<4096xf32, #tpu.memory_space<vmem>>) target_semaphore(%arg14 : memref<!tpu.dma_semaphore, #tpu.memory_space<semaphore_mem>>)
    %dma_start3A_100 = arith.constant 20480 : i32
    %dma_start3A_101 = tpu.memref_slice %arg7[%dma_start3A_100] : memref<32768xf32, #tpu.memory_space<vmem>> -> memref<4096xf32, #tpu.memory_space<vmem>>
    %dma_start3A_102 = arith.constant 20480 : i32
    %dma_start3A_103 = tpu.memref_slice %arg2[%add3A, %dma_start3A_102] : memref<32x32768xf32, #tpu.memory_space<hbm>> -> memref<1x4096xf32, #tpu.memory_space<hbm>>
    %dma_start3A_104 = tpu.memref_squeeze %dma_start3A_103 : memref<1x4096xf32, #tpu.memory_space<hbm>> -> memref<4096xf32, #tpu.memory_space<hbm>>
    %dma_start3A_105 = arith.constant 20480 : i32
    %dma_start3A_106 = tpu.memref_slice %arg7[%dma_start3A_105] : memref<32768xf32, #tpu.memory_space<vmem>> -> memref<4096xf32, #tpu.memory_space<vmem>>
    %dma_start3A_107 = arith.constant 20480 : i32
    %dma_start3A_108 = tpu.memref_slice %arg2[%add3A, %dma_start3A_107] : memref<32x32768xf32, #tpu.memory_space<hbm>> -> memref<1x4096xf32, #tpu.memory_space<hbm>>
    %dma_start3A_109 = tpu.memref_squeeze %dma_start3A_108 : memref<1x4096xf32, #tpu.memory_space<hbm>> -> memref<4096xf32, #tpu.memory_space<hbm>>
    tpu.enqueue_dma source(%dma_start3A_109 : memref<4096xf32, #tpu.memory_space<hbm>>) target(%dma_start3A_106 : memref<4096xf32, #tpu.memory_space<vmem>>) target_semaphore(%arg13 : memref<!tpu.dma_semaphore, #tpu.memory_space<semaphore_mem>>)
    %dma_start3A_110 = arith.constant 20480 : i32
    %dma_start3A_111 = tpu.memref_slice %arg8[%dma_start3A_110] : memref<32768xf32, #tpu.memory_space<vmem>> -> memref<4096xf32, #tpu.memory_space<vmem>>
    %dma_start3A_112 = arith.constant 20480 : i32
    %dma_start3A_113 = tpu.memref_slice %arg3[%add3A, %dma_start3A_112] : memref<32x32768xf32, #tpu.memory_space<hbm>> -> memref<1x4096xf32, #tpu.memory_space<hbm>>
    %dma_start3A_114 = tpu.memref_squeeze %dma_start3A_113 : memref<1x4096xf32, #tpu.memory_space<hbm>> -> memref<4096xf32, #tpu.memory_space<hbm>>
    %dma_start3A_115 = arith.constant 20480 : i32
    %dma_start3A_116 = tpu.memref_slice %arg8[%dma_start3A_115] : memref<32768xf32, #tpu.memory_space<vmem>> -> memref<4096xf32, #tpu.memory_space<vmem>>
    %dma_start3A_117 = arith.constant 20480 : i32
    %dma_start3A_118 = tpu.memref_slice %arg3[%add3A, %dma_start3A_117] : memref<32x32768xf32, #tpu.memory_space<hbm>> -> memref<1x4096xf32, #tpu.memory_space<hbm>>
    %dma_start3A_119 = tpu.memref_squeeze %dma_start3A_118 : memref<1x4096xf32, #tpu.memory_space<hbm>> -> memref<4096xf32, #tpu.memory_space<hbm>>
    tpu.enqueue_dma source(%dma_start3A_119 : memref<4096xf32, #tpu.memory_space<hbm>>) target(%dma_start3A_116 : memref<4096xf32, #tpu.memory_space<vmem>>) target_semaphore(%arg14 : memref<!tpu.dma_semaphore, #tpu.memory_space<semaphore_mem>>)
    %dma_start3A_120 = arith.constant 24576 : i32
    %dma_start3A_121 = tpu.memref_slice %arg7[%dma_start3A_120] : memref<32768xf32, #tpu.memory_space<vmem>> -> memref<4096xf32, #tpu.memory_space<vmem>>
    %dma_start3A_122 = arith.constant 24576 : i32
    %dma_start3A_123 = tpu.memref_slice %arg2[%add3A, %dma_start3A_122] : memref<32x32768xf32, #tpu.memory_space<hbm>> -> memref<1x4096xf32, #tpu.memory_space<hbm>>
    %dma_start3A_124 = tpu.memref_squeeze %dma_start3A_123 : memref<1x4096xf32, #tpu.memory_space<hbm>> -> memref<4096xf32, #tpu.memory_space<hbm>>
    %dma_start3A_125 = arith.constant 24576 : i32
    %dma_start3A_126 = tpu.memref_slice %arg7[%dma_start3A_125] : memref<32768xf32, #tpu.memory_space<vmem>> -> memref<4096xf32, #tpu.memory_space<vmem>>
    %dma_start3A_127 = arith.constant 24576 : i32
    %dma_start3A_128 = tpu.memref_slice %arg2[%add3A, %dma_start3A_127] : memref<32x32768xf32, #tpu.memory_space<hbm>> -> memref<1x4096xf32, #tpu.memory_space<hbm>>
    %dma_start3A_129 = tpu.memref_squeeze %dma_start3A_128 : memref<1x4096xf32, #tpu.memory_space<hbm>> -> memref<4096xf32, #tpu.memory_space<hbm>>
    tpu.enqueue_dma source(%dma_start3A_129 : memref<4096xf32, #tpu.memory_space<hbm>>) target(%dma_start3A_126 : memref<4096xf32, #tpu.memory_space<vmem>>) target_semaphore(%arg13 : memref<!tpu.dma_semaphore, #tpu.memory_space<semaphore_mem>>)
    %dma_start3A_130 = arith.constant 24576 : i32
    %dma_start3A_131 = tpu.memref_slice %arg8[%dma_start3A_130] : memref<32768xf32, #tpu.memory_space<vmem>> -> memref<4096xf32, #tpu.memory_space<vmem>>
    %dma_start3A_132 = arith.constant 24576 : i32
    %dma_start3A_133 = tpu.memref_slice %arg3[%add3A, %dma_start3A_132] : memref<32x32768xf32, #tpu.memory_space<hbm>> -> memref<1x4096xf32, #tpu.memory_space<hbm>>
    %dma_start3A_134 = tpu.memref_squeeze %dma_start3A_133 : memref<1x4096xf32, #tpu.memory_space<hbm>> -> memref<4096xf32, #tpu.memory_space<hbm>>
    %dma_start3A_135 = arith.constant 24576 : i32
    %dma_start3A_136 = tpu.memref_slice %arg8[%dma_start3A_135] : memref<32768xf32, #tpu.memory_space<vmem>> -> memref<4096xf32, #tpu.memory_space<vmem>>
    %dma_start3A_137 = arith.constant 24576 : i32
    %dma_start3A_138 = tpu.memref_slice %arg3[%add3A, %dma_start3A_137] : memref<32x32768xf32, #tpu.memory_space<hbm>> -> memref<1x4096xf32, #tpu.memory_space<hbm>>
    %dma_start3A_139 = tpu.memref_squeeze %dma_start3A_138 : memref<1x4096xf32, #tpu.memory_space<hbm>> -> memref<4096xf32, #tpu.memory_space<hbm>>
    tpu.enqueue_dma source(%dma_start3A_139 : memref<4096xf32, #tpu.memory_space<hbm>>) target(%dma_start3A_136 : memref<4096xf32, #tpu.memory_space<vmem>>) target_semaphore(%arg14 : memref<!tpu.dma_semaphore, #tpu.memory_space<semaphore_mem>>)
    %dma_start3A_140 = arith.constant 28672 : i32
    %dma_start3A_141 = tpu.memref_slice %arg7[%dma_start3A_140] : memref<32768xf32, #tpu.memory_space<vmem>> -> memref<4096xf32, #tpu.memory_space<vmem>>
    %dma_start3A_142 = arith.constant 28672 : i32
    %dma_start3A_143 = tpu.memref_slice %arg2[%add3A, %dma_start3A_142] : memref<32x32768xf32, #tpu.memory_space<hbm>> -> memref<1x4096xf32, #tpu.memory_space<hbm>>
    %dma_start3A_144 = tpu.memref_squeeze %dma_start3A_143 : memref<1x4096xf32, #tpu.memory_space<hbm>> -> memref<4096xf32, #tpu.memory_space<hbm>>
    %dma_start3A_145 = arith.constant 28672 : i32
    %dma_start3A_146 = tpu.memref_slice %arg7[%dma_start3A_145] : memref<32768xf32, #tpu.memory_space<vmem>> -> memref<4096xf32, #tpu.memory_space<vmem>>
    %dma_start3A_147 = arith.constant 28672 : i32
    %dma_start3A_148 = tpu.memref_slice %arg2[%add3A, %dma_start3A_147] : memref<32x32768xf32, #tpu.memory_space<hbm>> -> memref<1x4096xf32, #tpu.memory_space<hbm>>
    %dma_start3A_149 = tpu.memref_squeeze %dma_start3A_148 : memref<1x4096xf32, #tpu.memory_space<hbm>> -> memref<4096xf32, #tpu.memory_space<hbm>>
    tpu.enqueue_dma source(%dma_start3A_149 : memref<4096xf32, #tpu.memory_space<hbm>>) target(%dma_start3A_146 : memref<4096xf32, #tpu.memory_space<vmem>>) target_semaphore(%arg13 : memref<!tpu.dma_semaphore, #tpu.memory_space<semaphore_mem>>)
    %dma_start3A_150 = arith.constant 28672 : i32
    %dma_start3A_151 = tpu.memref_slice %arg8[%dma_start3A_150] : memref<32768xf32, #tpu.memory_space<vmem>> -> memref<4096xf32, #tpu.memory_space<vmem>>
    %dma_start3A_152 = arith.constant 28672 : i32
    %dma_start3A_153 = tpu.memref_slice %arg3[%add3A, %dma_start3A_152] : memref<32x32768xf32, #tpu.memory_space<hbm>> -> memref<1x4096xf32, #tpu.memory_space<hbm>>
    %dma_start3A_154 = tpu.memref_squeeze %dma_start3A_153 : memref<1x4096xf32, #tpu.memory_space<hbm>> -> memref<4096xf32, #tpu.memory_space<hbm>>
    %dma_start3A_155 = arith.constant 28672 : i32
    %dma_start3A_156 = tpu.memref_slice %arg8[%dma_start3A_155] : memref<32768xf32, #tpu.memory_space<vmem>> -> memref<4096xf32, #tpu.memory_space<vmem>>
    %dma_start3A_157 = arith.constant 28672 : i32
    %dma_start3A_158 = tpu.memref_slice %arg3[%add3A, %dma_start3A_157] : memref<32x32768xf32, #tpu.memory_space<hbm>> -> memref<1x4096xf32, #tpu.memory_space<hbm>>
    %dma_start3A_159 = tpu.memref_squeeze %dma_start3A_158 : memref<1x4096xf32, #tpu.memory_space<hbm>> -> memref<4096xf32, #tpu.memory_space<hbm>>
    tpu.enqueue_dma source(%dma_start3A_159 : memref<4096xf32, #tpu.memory_space<hbm>>) target(%dma_start3A_156 : memref<4096xf32, #tpu.memory_space<vmem>>) target_semaphore(%arg14 : memref<!tpu.dma_semaphore, #tpu.memory_space<semaphore_mem>>)
    %broadcast_in_dim3A = arith.constant 0 : i32
    %broadcast_in_dim3A_160 = vector.broadcast %broadcast_in_dim3A : i32 to vector<16xi32>
    %broadcast_in_dim3A_161 = arith.constant 0.000000e+00 : f32
    %broadcast_in_dim3A_162 = vector.broadcast %broadcast_in_dim3A_161 : f32 to vector<16xf32>
    %parallel_loop3A = arith.constant 0 : i32
    %parallel_loop3A_163 = arith.constant 16400 : i32
    %parallel_loop3A_164 = arith.constant 16 : i32
    scf.for %parallel_loop3A_257 = %parallel_loop3A to %parallel_loop3A_163 step %parallel_loop3A_164  : i32 {
      %parallel_loop3A_258 = arith.index_cast %parallel_loop3A_257 : i32 to index
      %parallel_loop3A_259 = tpu.vector_load %arg9[%parallel_loop3A_258] {strides = array<i32>} : memref<16400xi32, #tpu.memory_space<vmem>>, vector<16xi32>,
      tpu.vector_store %arg9[%parallel_loop3A_258], %broadcast_in_dim3A_160 {strides = array<i32>} : memref<16400xi32, #tpu.memory_space<vmem>>, vector<16xi32>,
      %parallel_loop3A_260 = arith.index_cast %parallel_loop3A_257 : i32 to index
      %parallel_loop3A_261 = tpu.vector_load %arg10[%parallel_loop3A_260] {strides = array<i32>} : memref<16400xf32, #tpu.memory_space<vmem>>, vector<16xf32>,
      tpu.vector_store %arg10[%parallel_loop3A_260], %broadcast_in_dim3A_162 {strides = array<i32>} : memref<16400xf32, #tpu.memory_space<vmem>>, vector<16xf32>,
    } {sc.loop_unroll_factor = 4 : i64, sc.parallel_access}
    %iota3A = tpu.iota {dimensions = array<i32: 0>} : vector<16xi32>
    %mul3A_165 = arith.constant 1025 : i32
    %mul3A_166 = vector.broadcast %mul3A_165 : i32 to vector<16xi32>
    %mul3A_167 = arith.muli %iota3A, %mul3A_166 : vector<16xi32>
    %broadcast_in_dim3A_168 = arith.constant 1 : i32
    %broadcast_in_dim3A_169 = vector.broadcast %broadcast_in_dim3A_168 : i32 to vector<16xi32>
    %scan3A = arith.constant 0 : i32
    %scan3A_170 = arith.constant 0 : i32
    %scan3A_171 = arith.constant 8 : i32
    %scan3A_172 = arith.addi %scan3A_170, %scan3A_171 : i32
    %scan3A_173 = arith.constant 1 : i32
    scf.for %scan3A_257 = %scan3A_170 to %scan3A_172 step %scan3A_173  : i32 {
      %dma_wait3A_258 = arith.constant 0 : i32
      %dma_wait3A_259 = tpu.memref_slice %arg7[%dma_wait3A_258] : memref<32768xf32, #tpu.memory_space<vmem>> -> memref<4096xf32, #tpu.memory_space<vmem>>
      %dma_wait3A_260 = arith.constant 0 : i32
      %dma_wait3A_261 = tpu.memref_slice %arg2[%add3A, %dma_wait3A_260] : memref<32x32768xf32, #tpu.memory_space<hbm>> -> memref<1x4096xf32, #tpu.memory_space<hbm>>
      %dma_wait3A_262 = tpu.memref_squeeze %dma_wait3A_261 : memref<1x4096xf32, #tpu.memory_space<hbm>> -> memref<4096xf32, #tpu.memory_space<hbm>>
      %dma_wait3A_263 = arith.constant 0 : i32
      %dma_wait3A_264 = tpu.memref_slice %arg7[%dma_wait3A_263] : memref<32768xf32, #tpu.memory_space<vmem>> -> memref<4096xf32, #tpu.memory_space<vmem>>
      %dma_wait3A_265 = arith.constant 0 : i32
      %dma_wait3A_266 = tpu.memref_slice %arg2[%add3A, %dma_wait3A_265] : memref<32x32768xf32, #tpu.memory_space<hbm>> -> memref<1x4096xf32, #tpu.memory_space<hbm>>
      %dma_wait3A_267 = tpu.memref_squeeze %dma_wait3A_266 : memref<1x4096xf32, #tpu.memory_space<hbm>> -> memref<4096xf32, #tpu.memory_space<hbm>>
      tpu.wait_dma2 semaphore(%arg13 : memref<!tpu.dma_semaphore, #tpu.memory_space<semaphore_mem>>) src(%dma_wait3A_267 : memref<4096xf32, #tpu.memory_space<hbm>>) dst(%dma_wait3A_264 : memref<4096xf32, #tpu.memory_space<vmem>>)
      %dma_wait3A_268 = arith.constant 0 : i32
      %dma_wait3A_269 = tpu.memref_slice %arg8[%dma_wait3A_268] : memref<32768xf32, #tpu.memory_space<vmem>> -> memref<4096xf32, #tpu.memory_space<vmem>>
      %dma_wait3A_270 = arith.constant 0 : i32
      %dma_wait3A_271 = tpu.memref_slice %arg3[%add3A, %dma_wait3A_270] : memref<32x32768xf32, #tpu.memory_space<hbm>> -> memref<1x4096xf32, #tpu.memory_space<hbm>>
      %dma_wait3A_272 = tpu.memref_squeeze %dma_wait3A_271 : memref<1x4096xf32, #tpu.memory_space<hbm>> -> memref<4096xf32, #tpu.memory_space<hbm>>
      %dma_wait3A_273 = arith.constant 0 : i32
      %dma_wait3A_274 = tpu.memref_slice %arg8[%dma_wait3A_273] : memref<32768xf32, #tpu.memory_space<vmem>> -> memref<4096xf32, #tpu.memory_space<vmem>>
      %dma_wait3A_275 = arith.constant 0 : i32
      %dma_wait3A_276 = tpu.memref_slice %arg3[%add3A, %dma_wait3A_275] : memref<32x32768xf32, #tpu.memory_space<hbm>> -> memref<1x4096xf32, #tpu.memory_space<hbm>>
      %dma_wait3A_277 = tpu.memref_squeeze %dma_wait3A_276 : memref<1x4096xf32, #tpu.memory_space<hbm>> -> memref<4096xf32, #tpu.memory_space<hbm>>
      tpu.wait_dma2 semaphore(%arg14 : memref<!tpu.dma_semaphore, #tpu.memory_space<semaphore_mem>>) src(%dma_wait3A_277 : memref<4096xf32, #tpu.memory_space<hbm>>) dst(%dma_wait3A_274 : memref<4096xf32, #tpu.memory_space<vmem>>)
      %mul3A_278 = arith.constant 4096 : i32
      %mul3A_279 = arith.muli %scan3A_257, %mul3A_278 : i32
      %add3A_280 = arith.constant 4096 : i32
      %add3A_281 = arith.addi %mul3A_279, %add3A_280 : i32
      %parallel_loop3A_282 = arith.constant 16 : i32
      scf.for %parallel_loop3A_289 = %mul3A_279 to %add3A_281 step %parallel_loop3A_282  : i32 {
        %parallel_loop3A_290 = arith.index_cast %parallel_loop3A_289 : i32 to index
        %parallel_loop3A_291 = tpu.vector_load %arg7[%parallel_loop3A_290] {strides = array<i32>} : memref<32768xf32, #tpu.memory_space<vmem>>, vector<16xf32>,
        %parallel_loop3A_292 = arith.index_cast %parallel_loop3A_289 : i32 to index
        %parallel_loop3A_293 = tpu.vector_load %arg8[%parallel_loop3A_292] {strides = array<i32>} : memref<32768xf32, #tpu.memory_space<vmem>>, vector<16xf32>,
        %parallel_loop3A_294 = arith.constant 0.000000e+00 : f32
        %parallel_loop3A_295 = vector.broadcast %parallel_loop3A_294 : f32 to vector<16xf32>
        %parallel_loop3A_296 = arith.cmpf ogt, %parallel_loop3A_293, %parallel_loop3A_295 : vector<16xf32>
        %parallel_loop3A_297 = arith.constant 0.000000e+00 : f32
        %parallel_loop3A_298 = vector.broadcast %parallel_loop3A_297 : f32 to vector<16xf32>
        %parallel_loop3A_299 = arith.select %parallel_loop3A_296, %parallel_loop3A_291, %parallel_loop3A_298 : vector<16xi1>, vector<16xf32>
        %parallel_loop3A_300 = arith.subf %parallel_loop3A_299, %parallel_loop3A_293 : vector<16xf32>
        %parallel_loop3A_301 = math.absf %parallel_loop3A_300 : vector<16xf32>
        %parallel_loop3A_302 = arith.index_cast %parallel_loop3A_289 : i32 to index
        %parallel_loop3A_303 = tpu.vector_load %arg7[%parallel_loop3A_302] {strides = array<i32>} : memref<32768xf32, #tpu.memory_space<vmem>>, vector<16xf32>,
        tpu.vector_store %arg7[%parallel_loop3A_302], %parallel_loop3A_301 {strides = array<i32>} : memref<32768xf32, #tpu.memory_space<vmem>>, vector<16xf32>,
        %parallel_loop3A_304 = vector.bitcast %parallel_loop3A_301 : vector<16xf32> to vector<16xi32>
        %parallel_loop3A_305 = arith.constant 21 : i32
        %parallel_loop3A_306 = vector.broadcast %parallel_loop3A_305 : i32 to vector<16xi32>
        %parallel_loop3A_307 = arith.shrsi %parallel_loop3A_304, %parallel_loop3A_306 : vector<16xi32>
        %parallel_loop3A_308 = arith.addi %mul3A_167, %parallel_loop3A_307 : vector<16xi32>
        tpu.vector_store_idx %arg9[%parallel_loop3A_308], %broadcast_in_dim3A_169 {add = true} : memref<16400xi32, #tpu.memory_space<vmem>>[vector<16xi32>], vector<16xi32>,
        tpu.vector_store_idx %arg10[%parallel_loop3A_308], %parallel_loop3A_301 {add = true} : memref<16400xf32, #tpu.memory_space<vmem>>[vector<16xi32>], vector<16xf32>,
      } {sc.loop_unroll_factor = 8 : i64, sc.parallel_access}
      %dma_start3A_283 = tpu.memref_slice %arg7[%mul3A_279] : memref<32768xf32, #tpu.memory_space<vmem>> -> memref<4096xf32, #tpu.memory_space<vmem>>
      %dma_start3A_284 = tpu.memref_slice %arg4[%add3A, %mul3A_279] : memref<32x32768xf32, #tpu.memory_space<hbm>> -> memref<1x4096xf32, #tpu.memory_space<hbm>>
      %dma_start3A_285 = tpu.memref_squeeze %dma_start3A_284 : memref<1x4096xf32, #tpu.memory_space<hbm>> -> memref<4096xf32, #tpu.memory_space<hbm>>
      %dma_start3A_286 = tpu.memref_slice %arg4[%add3A, %mul3A_279] : memref<32x32768xf32, #tpu.memory_space<hbm>> -> memref<1x4096xf32, #tpu.memory_space<hbm>>
      %dma_start3A_287 = tpu.memref_squeeze %dma_start3A_286 : memref<1x4096xf32, #tpu.memory_space<hbm>> -> memref<4096xf32, #tpu.memory_space<hbm>>
      %dma_start3A_288 = tpu.memref_slice %arg7[%mul3A_279] : memref<32768xf32, #tpu.memory_space<vmem>> -> memref<4096xf32, #tpu.memory_space<vmem>>
      tpu.enqueue_dma source(%dma_start3A_288 : memref<4096xf32, #tpu.memory_space<vmem>>) target(%dma_start3A_287 : memref<4096xf32, #tpu.memory_space<hbm>>) target_semaphore(%arg15 : memref<!tpu.dma_semaphore, #tpu.memory_space<semaphore_mem>>)
    }
    %scan3A_174 = arith.constant 8 : i32
    %parallel_loop3A_175 = arith.constant 0 : i32
    %parallel_loop3A_176 = arith.constant 1024 : i32
    %parallel_loop3A_177 = arith.constant 16 : i32
    scf.for %parallel_loop3A_257 = %parallel_loop3A_175 to %parallel_loop3A_176 step %parallel_loop3A_177  : i32 {
      %parallel_loop3A_258 = arith.index_cast %parallel_loop3A_257 : i32 to index
      %parallel_loop3A_259 = tpu.vector_load %arg9[%parallel_loop3A_258] {strides = array<i32>} : memref<16400xi32, #tpu.memory_space<vmem>>, vector<16xi32>,
      %parallel_loop3A_260 = arith.index_cast %parallel_loop3A_257 : i32 to index
      %parallel_loop3A_261 = tpu.vector_load %arg10[%parallel_loop3A_260] {strides = array<i32>} : memref<16400xf32, #tpu.memory_space<vmem>>, vector<16xf32>,
      %parallel_loop3A_262 = arith.constant 1025 : i32
      %parallel_loop3A_263 = arith.addi %parallel_loop3A_262, %parallel_loop3A_257 : i32
      %parallel_loop3A_264 = arith.index_cast %parallel_loop3A_263 : i32 to index
      %parallel_loop3A_265 = tpu.vector_load %arg9[%parallel_loop3A_264] {strides = array<i32>} : memref<16400xi32, #tpu.memory_space<vmem>>, vector<16xi32>,
      %parallel_loop3A_266 = arith.addi %parallel_loop3A_259, %parallel_loop3A_265 : vector<16xi32>
      %parallel_loop3A_267 = arith.constant 1025 : i32
      %parallel_loop3A_268 = arith.addi %parallel_loop3A_267, %parallel_loop3A_257 : i32
      %parallel_loop3A_269 = arith.index_cast %parallel_loop3A_268 : i32 to index
      %parallel_loop3A_270 = tpu.vector_load %arg10[%parallel_loop3A_269] {strides = array<i32>} : memref<16400xf32, #tpu.memory_space<vmem>>, vector<16xf32>,
      %parallel_loop3A_271 = arith.addf %parallel_loop3A_261, %parallel_loop3A_270 : vector<16xf32>
      %parallel_loop3A_272 = arith.constant 2050 : i32
      %parallel_loop3A_273 = arith.addi %parallel_loop3A_272, %parallel_loop3A_257 : i32
      %parallel_loop3A_274 = arith.index_cast %parallel_loop3A_273 : i32 to index
      %parallel_loop3A_275 = tpu.vector_load %arg9[%parallel_loop3A_274] {strides = array<i32>} : memref<16400xi32, #tpu.memory_space<vmem>>, vector<16xi32>,
      %parallel_loop3A_276 = arith.addi %parallel_loop3A_266, %parallel_loop3A_275 : vector<16xi32>
      %parallel_loop3A_277 = arith.constant 2050 : i32
      %parallel_loop3A_278 = arith.addi %parallel_loop3A_277, %parallel_loop3A_257 : i32
      %parallel_loop3A_279 = arith.index_cast %parallel_loop3A_278 : i32 to index
      %parallel_loop3A_280 = tpu.vector_load %arg10[%parallel_loop3A_279] {strides = array<i32>} : memref<16400xf32, #tpu.memory_space<vmem>>, vector<16xf32>,
      %parallel_loop3A_281 = arith.addf %parallel_loop3A_271, %parallel_loop3A_280 : vector<16xf32>
      %parallel_loop3A_282 = arith.constant 3075 : i32
      %parallel_loop3A_283 = arith.addi %parallel_loop3A_282, %parallel_loop3A_257 : i32
      %parallel_loop3A_284 = arith.index_cast %parallel_loop3A_283 : i32 to index
      %parallel_loop3A_285 = tpu.vector_load %arg9[%parallel_loop3A_284] {strides = array<i32>} : memref<16400xi32, #tpu.memory_space<vmem>>, vector<16xi32>,
      %parallel_loop3A_286 = arith.addi %parallel_loop3A_276, %parallel_loop3A_285 : vector<16xi32>
      %parallel_loop3A_287 = arith.constant 3075 : i32
      %parallel_loop3A_288 = arith.addi %parallel_loop3A_287, %parallel_loop3A_257 : i32
      %parallel_loop3A_289 = arith.index_cast %parallel_loop3A_288 : i32 to index
      %parallel_loop3A_290 = tpu.vector_load %arg10[%parallel_loop3A_289] {strides = array<i32>} : memref<16400xf32, #tpu.memory_space<vmem>>, vector<16xf32>,
      %parallel_loop3A_291 = arith.addf %parallel_loop3A_281, %parallel_loop3A_290 : vector<16xf32>
      %parallel_loop3A_292 = arith.constant 4100 : i32
      %parallel_loop3A_293 = arith.addi %parallel_loop3A_292, %parallel_loop3A_257 : i32
      %parallel_loop3A_294 = arith.index_cast %parallel_loop3A_293 : i32 to index
      %parallel_loop3A_295 = tpu.vector_load %arg9[%parallel_loop3A_294] {strides = array<i32>} : memref<16400xi32, #tpu.memory_space<vmem>>, vector<16xi32>,
      %parallel_loop3A_296 = arith.addi %parallel_loop3A_286, %parallel_loop3A_295 : vector<16xi32>
      %parallel_loop3A_297 = arith.constant 4100 : i32
      %parallel_loop3A_298 = arith.addi %parallel_loop3A_297, %parallel_loop3A_257 : i32
      %parallel_loop3A_299 = arith.index_cast %parallel_loop3A_298 : i32 to index
      %parallel_loop3A_300 = tpu.vector_load %arg10[%parallel_loop3A_299] {strides = array<i32>} : memref<16400xf32, #tpu.memory_space<vmem>>, vector<16xf32>,
      %parallel_loop3A_301 = arith.addf %parallel_loop3A_291, %parallel_loop3A_300 : vector<16xf32>
      %parallel_loop3A_302 = arith.constant 5125 : i32
      %parallel_loop3A_303 = arith.addi %parallel_loop3A_302, %parallel_loop3A_257 : i32
      %parallel_loop3A_304 = arith.index_cast %parallel_loop3A_303 : i32 to index
      %parallel_loop3A_305 = tpu.vector_load %arg9[%parallel_loop3A_304] {strides = array<i32>} : memref<16400xi32, #tpu.memory_space<vmem>>, vector<16xi32>,
      %parallel_loop3A_306 = arith.addi %parallel_loop3A_296, %parallel_loop3A_305 : vector<16xi32>
      %parallel_loop3A_307 = arith.constant 5125 : i32
      %parallel_loop3A_308 = arith.addi %parallel_loop3A_307, %parallel_loop3A_257 : i32
      %parallel_loop3A_309 = arith.index_cast %parallel_loop3A_308 : i32 to index
      %parallel_loop3A_310 = tpu.vector_load %arg10[%parallel_loop3A_309] {strides = array<i32>} : memref<16400xf32, #tpu.memory_space<vmem>>, vector<16xf32>,
      %parallel_loop3A_311 = arith.addf %parallel_loop3A_301, %parallel_loop3A_310 : vector<16xf32>
      %parallel_loop3A_312 = arith.constant 6150 : i32
      %parallel_loop3A_313 = arith.addi %parallel_loop3A_312, %parallel_loop3A_257 : i32
      %parallel_loop3A_314 = arith.index_cast %parallel_loop3A_313 : i32 to index
      %parallel_loop3A_315 = tpu.vector_load %arg9[%parallel_loop3A_314] {strides = array<i32>} : memref<16400xi32, #tpu.memory_space<vmem>>, vector<16xi32>,
      %parallel_loop3A_316 = arith.addi %parallel_loop3A_306, %parallel_loop3A_315 : vector<16xi32>
      %parallel_loop3A_317 = arith.constant 6150 : i32
      %parallel_loop3A_318 = arith.addi %parallel_loop3A_317, %parallel_loop3A_257 : i32
      %parallel_loop3A_319 = arith.index_cast %parallel_loop3A_318 : i32 to index
      %parallel_loop3A_320 = tpu.vector_load %arg10[%parallel_loop3A_319] {strides = array<i32>} : memref<16400xf32, #tpu.memory_space<vmem>>, vector<16xf32>,
      %parallel_loop3A_321 = arith.addf %parallel_loop3A_311, %parallel_loop3A_320 : vector<16xf32>
      %parallel_loop3A_322 = arith.constant 7175 : i32
      %parallel_loop3A_323 = arith.addi %parallel_loop3A_322, %parallel_loop3A_257 : i32
      %parallel_loop3A_324 = arith.index_cast %parallel_loop3A_323 : i32 to index
      %parallel_loop3A_325 = tpu.vector_load %arg9[%parallel_loop3A_324] {strides = array<i32>} : memref<16400xi32, #tpu.memory_space<vmem>>, vector<16xi32>,
      %parallel_loop3A_326 = arith.addi %parallel_loop3A_316, %parallel_loop3A_325 : vector<16xi32>
      %parallel_loop3A_327 = arith.constant 7175 : i32
      %parallel_loop3A_328 = arith.addi %parallel_loop3A_327, %parallel_loop3A_257 : i32
      %parallel_loop3A_329 = arith.index_cast %parallel_loop3A_328 : i32 to index
      %parallel_loop3A_330 = tpu.vector_load %arg10[%parallel_loop3A_329] {strides = array<i32>} : memref<16400xf32, #tpu.memory_space<vmem>>, vector<16xf32>,
      %parallel_loop3A_331 = arith.addf %parallel_loop3A_321, %parallel_loop3A_330 : vector<16xf32>
      %parallel_loop3A_332 = arith.constant 8200 : i32
      %parallel_loop3A_333 = arith.addi %parallel_loop3A_332, %parallel_loop3A_257 : i32
      %parallel_loop3A_334 = arith.index_cast %parallel_loop3A_333 : i32 to index
      %parallel_loop3A_335 = tpu.vector_load %arg9[%parallel_loop3A_334] {strides = array<i32>} : memref<16400xi32, #tpu.memory_space<vmem>>, vector<16xi32>,
      %parallel_loop3A_336 = arith.addi %parallel_loop3A_326, %parallel_loop3A_335 : vector<16xi32>
      %parallel_loop3A_337 = arith.constant 8200 : i32
      %parallel_loop3A_338 = arith.addi %parallel_loop3A_337, %parallel_loop3A_257 : i32
      %parallel_loop3A_339 = arith.index_cast %parallel_loop3A_338 : i32 to index
      %parallel_loop3A_340 = tpu.vector_load %arg10[%parallel_loop3A_339] {strides = array<i32>} : memref<16400xf32, #tpu.memory_space<vmem>>, vector<16xf32>,
      %parallel_loop3A_341 = arith.addf %parallel_loop3A_331, %parallel_loop3A_340 : vector<16xf32>
      %parallel_loop3A_342 = arith.constant 9225 : i32
      %parallel_loop3A_343 = arith.addi %parallel_loop3A_342, %parallel_loop3A_257 : i32
      %parallel_loop3A_344 = arith.index_cast %parallel_loop3A_343 : i32 to index
      %parallel_loop3A_345 = tpu.vector_load %arg9[%parallel_loop3A_344] {strides = array<i32>} : memref<16400xi32, #tpu.memory_space<vmem>>, vector<16xi32>,
      %parallel_loop3A_346 = arith.addi %parallel_loop3A_336, %parallel_loop3A_345 : vector<16xi32>
      %parallel_loop3A_347 = arith.constant 9225 : i32
      %parallel_loop3A_348 = arith.addi %parallel_loop3A_347, %parallel_loop3A_257 : i32
      %parallel_loop3A_349 = arith.index_cast %parallel_loop3A_348 : i32 to index
      %parallel_loop3A_350 = tpu.vector_load %arg10[%parallel_loop3A_349] {strides = array<i32>} : memref<16400xf32, #tpu.memory_space<vmem>>, vector<16xf32>,
      %parallel_loop3A_351 = arith.addf %parallel_loop3A_341, %parallel_loop3A_350 : vector<16xf32>
      %parallel_loop3A_352 = arith.constant 10250 : i32
      %parallel_loop3A_353 = arith.addi %parallel_loop3A_352, %parallel_loop3A_257 : i32
      %parallel_loop3A_354 = arith.index_cast %parallel_loop3A_353 : i32 to index
      %parallel_loop3A_355 = tpu.vector_load %arg9[%parallel_loop3A_354] {strides = array<i32>} : memref<16400xi32, #tpu.memory_space<vmem>>, vector<16xi32>,
      %parallel_loop3A_356 = arith.addi %parallel_loop3A_346, %parallel_loop3A_355 : vector<16xi32>
      %parallel_loop3A_357 = arith.constant 10250 : i32
      %parallel_loop3A_358 = arith.addi %parallel_loop3A_357, %parallel_loop3A_257 : i32
      %parallel_loop3A_359 = arith.index_cast %parallel_loop3A_358 : i32 to index
      %parallel_loop3A_360 = tpu.vector_load %arg10[%parallel_loop3A_359] {strides = array<i32>} : memref<16400xf32, #tpu.memory_space<vmem>>, vector<16xf32>,
      %parallel_loop3A_361 = arith.addf %parallel_loop3A_351, %parallel_loop3A_360 : vector<16xf32>
      %parallel_loop3A_362 = arith.constant 11275 : i32
      %parallel_loop3A_363 = arith.addi %parallel_loop3A_362, %parallel_loop3A_257 : i32
      %parallel_loop3A_364 = arith.index_cast %parallel_loop3A_363 : i32 to index
      %parallel_loop3A_365 = tpu.vector_load %arg9[%parallel_loop3A_364] {strides = array<i32>} : memref<16400xi32, #tpu.memory_space<vmem>>, vector<16xi32>,
      %parallel_loop3A_366 = arith.addi %parallel_loop3A_356, %parallel_loop3A_365 : vector<16xi32>
      %parallel_loop3A_367 = arith.constant 11275 : i32
      %parallel_loop3A_368 = arith.addi %parallel_loop3A_367, %parallel_loop3A_257 : i32
      %parallel_loop3A_369 = arith.index_cast %parallel_loop3A_368 : i32 to index
      %parallel_loop3A_370 = tpu.vector_load %arg10[%parallel_loop3A_369] {strides = array<i32>} : memref<16400xf32, #tpu.memory_space<vmem>>, vector<16xf32>,
      %parallel_loop3A_371 = arith.addf %parallel_loop3A_361, %parallel_loop3A_370 : vector<16xf32>
      %parallel_loop3A_372 = arith.constant 12300 : i32
      %parallel_loop3A_373 = arith.addi %parallel_loop3A_372, %parallel_loop3A_257 : i32
      %parallel_loop3A_374 = arith.index_cast %parallel_loop3A_373 : i32 to index
      %parallel_loop3A_375 = tpu.vector_load %arg9[%parallel_loop3A_374] {strides = array<i32>} : memref<16400xi32, #tpu.memory_space<vmem>>, vector<16xi32>,
      %parallel_loop3A_376 = arith.addi %parallel_loop3A_366, %parallel_loop3A_375 : vector<16xi32>
      %parallel_loop3A_377 = arith.constant 12300 : i32
      %parallel_loop3A_378 = arith.addi %parallel_loop3A_377, %parallel_loop3A_257 : i32
      %parallel_loop3A_379 = arith.index_cast %parallel_loop3A_378 : i32 to index
      %parallel_loop3A_380 = tpu.vector_load %arg10[%parallel_loop3A_379] {strides = array<i32>} : memref<16400xf32, #tpu.memory_space<vmem>>, vector<16xf32>,
      %parallel_loop3A_381 = arith.addf %parallel_loop3A_371, %parallel_loop3A_380 : vector<16xf32>
      %parallel_loop3A_382 = arith.constant 13325 : i32
      %parallel_loop3A_383 = arith.addi %parallel_loop3A_382, %parallel_loop3A_257 : i32
      %parallel_loop3A_384 = arith.index_cast %parallel_loop3A_383 : i32 to index
      %parallel_loop3A_385 = tpu.vector_load %arg9[%parallel_loop3A_384] {strides = array<i32>} : memref<16400xi32, #tpu.memory_space<vmem>>, vector<16xi32>,
      %parallel_loop3A_386 = arith.addi %parallel_loop3A_376, %parallel_loop3A_385 : vector<16xi32>
      %parallel_loop3A_387 = arith.constant 13325 : i32
      %parallel_loop3A_388 = arith.addi %parallel_loop3A_387, %parallel_loop3A_257 : i32
      %parallel_loop3A_389 = arith.index_cast %parallel_loop3A_388 : i32 to index
      %parallel_loop3A_390 = tpu.vector_load %arg10[%parallel_loop3A_389] {strides = array<i32>} : memref<16400xf32, #tpu.memory_space<vmem>>, vector<16xf32>,
      %parallel_loop3A_391 = arith.addf %parallel_loop3A_381, %parallel_loop3A_390 : vector<16xf32>
      %parallel_loop3A_392 = arith.constant 14350 : i32
      %parallel_loop3A_393 = arith.addi %parallel_loop3A_392, %parallel_loop3A_257 : i32
      %parallel_loop3A_394 = arith.index_cast %parallel_loop3A_393 : i32 to index
      %parallel_loop3A_395 = tpu.vector_load %arg9[%parallel_loop3A_394] {strides = array<i32>} : memref<16400xi32, #tpu.memory_space<vmem>>, vector<16xi32>,
      %parallel_loop3A_396 = arith.addi %parallel_loop3A_386, %parallel_loop3A_395 : vector<16xi32>
      %parallel_loop3A_397 = arith.constant 14350 : i32
      %parallel_loop3A_398 = arith.addi %parallel_loop3A_397, %parallel_loop3A_257 : i32
      %parallel_loop3A_399 = arith.index_cast %parallel_loop3A_398 : i32 to index
      %parallel_loop3A_400 = tpu.vector_load %arg10[%parallel_loop3A_399] {strides = array<i32>} : memref<16400xf32, #tpu.memory_space<vmem>>, vector<16xf32>,
      %parallel_loop3A_401 = arith.addf %parallel_loop3A_391, %parallel_loop3A_400 : vector<16xf32>
      %parallel_loop3A_402 = arith.constant 15375 : i32
      %parallel_loop3A_403 = arith.addi %parallel_loop3A_402, %parallel_loop3A_257 : i32
      %parallel_loop3A_404 = arith.index_cast %parallel_loop3A_403 : i32 to index
      %parallel_loop3A_405 = tpu.vector_load %arg9[%parallel_loop3A_404] {strides = array<i32>} : memref<16400xi32, #tpu.memory_space<vmem>>, vector<16xi32>,
      %parallel_loop3A_406 = arith.addi %parallel_loop3A_396, %parallel_loop3A_405 : vector<16xi32>
      %parallel_loop3A_407 = arith.constant 15375 : i32
      %parallel_loop3A_408 = arith.addi %parallel_loop3A_407, %parallel_loop3A_257 : i32
      %parallel_loop3A_409 = arith.index_cast %parallel_loop3A_408 : i32 to index
      %parallel_loop3A_410 = tpu.vector_load %arg10[%parallel_loop3A_409] {strides = array<i32>} : memref<16400xf32, #tpu.memory_space<vmem>>, vector<16xf32>,
      %parallel_loop3A_411 = arith.addf %parallel_loop3A_401, %parallel_loop3A_410 : vector<16xf32>
      %parallel_loop3A_412 = arith.index_cast %parallel_loop3A_257 : i32 to index
      %parallel_loop3A_413 = tpu.vector_load %arg11[%parallel_loop3A_412] {strides = array<i32>} : memref<1024xi32, #tpu.memory_space<vmem>>, vector<16xi32>,
      tpu.vector_store %arg11[%parallel_loop3A_412], %parallel_loop3A_406 {strides = array<i32>} : memref<1024xi32, #tpu.memory_space<vmem>>, vector<16xi32>,
      %parallel_loop3A_414 = arith.index_cast %parallel_loop3A_257 : i32 to index
      %parallel_loop3A_415 = tpu.vector_load %arg12[%parallel_loop3A_414] {strides = array<i32>} : memref<1024xf32, #tpu.memory_space<vmem>>, vector<16xf32>,
      tpu.vector_store %arg12[%parallel_loop3A_414], %parallel_loop3A_411 {strides = array<i32>} : memref<1024xf32, #tpu.memory_space<vmem>>, vector<16xf32>,
    } {sc.loop_unroll_factor = 2 : i64, sc.parallel_access}
    %dma_wait3A = arith.constant 0 : i32
    %dma_wait3A_178 = tpu.memref_slice %arg7[%dma_wait3A] : memref<32768xf32, #tpu.memory_space<vmem>> -> memref<4096xf32, #tpu.memory_space<vmem>>
    %dma_wait3A_179 = arith.constant 0 : i32
    %dma_wait3A_180 = tpu.memref_slice %arg4[%add3A, %dma_wait3A_179] : memref<32x32768xf32, #tpu.memory_space<hbm>> -> memref<1x4096xf32, #tpu.memory_space<hbm>>
    %dma_wait3A_181 = tpu.memref_squeeze %dma_wait3A_180 : memref<1x4096xf32, #tpu.memory_space<hbm>> -> memref<4096xf32, #tpu.memory_space<hbm>>
    %dma_wait3A_182 = arith.constant 0 : i32
    %dma_wait3A_183 = tpu.memref_slice %arg4[%add3A, %dma_wait3A_182] : memref<32x32768xf32, #tpu.memory_space<hbm>> -> memref<1x4096xf32, #tpu.memory_space<hbm>>
    %dma_wait3A_184 = tpu.memref_squeeze %dma_wait3A_183 : memref<1x4096xf32, #tpu.memory_space<hbm>> -> memref<4096xf32, #tpu.memory_space<hbm>>
    %dma_wait3A_185 = arith.constant 0 : i32
    %dma_wait3A_186 = tpu.memref_slice %arg7[%dma_wait3A_185] : memref<32768xf32, #tpu.memory_space<vmem>> -> memref<4096xf32, #tpu.memory_space<vmem>>
    tpu.wait_dma2 semaphore(%arg15 : memref<!tpu.dma_semaphore, #tpu.memory_space<semaphore_mem>>) src(%dma_wait3A_186 : memref<4096xf32, #tpu.memory_space<vmem>>) dst(%dma_wait3A_184 : memref<4096xf32, #tpu.memory_space<hbm>>)
    %dma_wait3A_187 = arith.constant 4096 : i32
    %dma_wait3A_188 = tpu.memref_slice %arg7[%dma_wait3A_187] : memref<32768xf32, #tpu.memory_space<vmem>> -> memref<4096xf32, #tpu.memory_space<vmem>>
    %dma_wait3A_189 = arith.constant 4096 : i32
    %dma_wait3A_190 = tpu.memref_slice %arg4[%add3A, %dma_wait3A_189] : memref<32x32768xf32, #tpu.memory_space<hbm>> -> memref<1x4096xf32, #tpu.memory_space<hbm>>
    %dma_wait3A_191 = tpu.memref_squeeze %dma_wait3A_190 : memref<1x4096xf32, #tpu.memory_space<hbm>> -> memref<4096xf32, #tpu.memory_space<hbm>>
    %dma_wait3A_192 = arith.constant 4096 : i32
    %dma_wait3A_193 = tpu.memref_slice %arg4[%add3A, %dma_wait3A_192] : memref<32x32768xf32, #tpu.memory_space<hbm>> -> memref<1x4096xf32, #tpu.memory_space<hbm>>
    %dma_wait3A_194 = tpu.memref_squeeze %dma_wait3A_193 : memref<1x4096xf32, #tpu.memory_space<hbm>> -> memref<4096xf32, #tpu.memory_space<hbm>>
    %dma_wait3A_195 = arith.constant 4096 : i32
    %dma_wait3A_196 = tpu.memref_slice %arg7[%dma_wait3A_195] : memref<32768xf32, #tpu.memory_space<vmem>> -> memref<4096xf32, #tpu.memory_space<vmem>>
    tpu.wait_dma2 semaphore(%arg15 : memref<!tpu.dma_semaphore, #tpu.memory_space<semaphore_mem>>) src(%dma_wait3A_196 : memref<4096xf32, #tpu.memory_space<vmem>>) dst(%dma_wait3A_194 : memref<4096xf32, #tpu.memory_space<hbm>>)
    %dma_wait3A_197 = arith.constant 8192 : i32
    %dma_wait3A_198 = tpu.memref_slice %arg7[%dma_wait3A_197] : memref<32768xf32, #tpu.memory_space<vmem>> -> memref<4096xf32, #tpu.memory_space<vmem>>
    %dma_wait3A_199 = arith.constant 8192 : i32
    %dma_wait3A_200 = tpu.memref_slice %arg4[%add3A, %dma_wait3A_199] : memref<32x32768xf32, #tpu.memory_space<hbm>> -> memref<1x4096xf32, #tpu.memory_space<hbm>>
    %dma_wait3A_201 = tpu.memref_squeeze %dma_wait3A_200 : memref<1x4096xf32, #tpu.memory_space<hbm>> -> memref<4096xf32, #tpu.memory_space<hbm>>
    %dma_wait3A_202 = arith.constant 8192 : i32
    %dma_wait3A_203 = tpu.memref_slice %arg4[%add3A, %dma_wait3A_202] : memref<32x32768xf32, #tpu.memory_space<hbm>> -> memref<1x4096xf32, #tpu.memory_space<hbm>>
    %dma_wait3A_204 = tpu.memref_squeeze %dma_wait3A_203 : memref<1x4096xf32, #tpu.memory_space<hbm>> -> memref<4096xf32, #tpu.memory_space<hbm>>
    %dma_wait3A_205 = arith.constant 8192 : i32
    %dma_wait3A_206 = tpu.memref_slice %arg7[%dma_wait3A_205] : memref<32768xf32, #tpu.memory_space<vmem>> -> memref<4096xf32, #tpu.memory_space<vmem>>
    tpu.wait_dma2 semaphore(%arg15 : memref<!tpu.dma_semaphore, #tpu.memory_space<semaphore_mem>>) src(%dma_wait3A_206 : memref<4096xf32, #tpu.memory_space<vmem>>) dst(%dma_wait3A_204 : memref<4096xf32, #tpu.memory_space<hbm>>)
    %dma_wait3A_207 = arith.constant 12288 : i32
    %dma_wait3A_208 = tpu.memref_slice %arg7[%dma_wait3A_207] : memref<32768xf32, #tpu.memory_space<vmem>> -> memref<4096xf32, #tpu.memory_space<vmem>>
    %dma_wait3A_209 = arith.constant 12288 : i32
    %dma_wait3A_210 = tpu.memref_slice %arg4[%add3A, %dma_wait3A_209] : memref<32x32768xf32, #tpu.memory_space<hbm>> -> memref<1x4096xf32, #tpu.memory_space<hbm>>
    %dma_wait3A_211 = tpu.memref_squeeze %dma_wait3A_210 : memref<1x4096xf32, #tpu.memory_space<hbm>> -> memref<4096xf32, #tpu.memory_space<hbm>>
    %dma_wait3A_212 = arith.constant 12288 : i32
    %dma_wait3A_213 = tpu.memref_slice %arg4[%add3A, %dma_wait3A_212] : memref<32x32768xf32, #tpu.memory_space<hbm>> -> memref<1x4096xf32, #tpu.memory_space<hbm>>
    %dma_wait3A_214 = tpu.memref_squeeze %dma_wait3A_213 : memref<1x4096xf32, #tpu.memory_space<hbm>> -> memref<4096xf32, #tpu.memory_space<hbm>>
    %dma_wait3A_215 = arith.constant 12288 : i32
    %dma_wait3A_216 = tpu.memref_slice %arg7[%dma_wait3A_215] : memref<32768xf32, #tpu.memory_space<vmem>> -> memref<4096xf32, #tpu.memory_space<vmem>>
    tpu.wait_dma2 semaphore(%arg15 : memref<!tpu.dma_semaphore, #tpu.memory_space<semaphore_mem>>) src(%dma_wait3A_216 : memref<4096xf32, #tpu.memory_space<vmem>>) dst(%dma_wait3A_214 : memref<4096xf32, #tpu.memory_space<hbm>>)
    %dma_wait3A_217 = arith.constant 16384 : i32
    %dma_wait3A_218 = tpu.memref_slice %arg7[%dma_wait3A_217] : memref<32768xf32, #tpu.memory_space<vmem>> -> memref<4096xf32, #tpu.memory_space<vmem>>
    %dma_wait3A_219 = arith.constant 16384 : i32
    %dma_wait3A_220 = tpu.memref_slice %arg4[%add3A, %dma_wait3A_219] : memref<32x32768xf32, #tpu.memory_space<hbm>> -> memref<1x4096xf32, #tpu.memory_space<hbm>>
    %dma_wait3A_221 = tpu.memref_squeeze %dma_wait3A_220 : memref<1x4096xf32, #tpu.memory_space<hbm>> -> memref<4096xf32, #tpu.memory_space<hbm>>
    %dma_wait3A_222 = arith.constant 16384 : i32
    %dma_wait3A_223 = tpu.memref_slice %arg4[%add3A, %dma_wait3A_222] : memref<32x32768xf32, #tpu.memory_space<hbm>> -> memref<1x4096xf32, #tpu.memory_space<hbm>>
    %dma_wait3A_224 = tpu.memref_squeeze %dma_wait3A_223 : memref<1x4096xf32, #tpu.memory_space<hbm>> -> memref<4096xf32, #tpu.memory_space<hbm>>
    %dma_wait3A_225 = arith.constant 16384 : i32
    %dma_wait3A_226 = tpu.memref_slice %arg7[%dma_wait3A_225] : memref<32768xf32, #tpu.memory_space<vmem>> -> memref<4096xf32, #tpu.memory_space<vmem>>
    tpu.wait_dma2 semaphore(%arg15 : memref<!tpu.dma_semaphore, #tpu.memory_space<semaphore_mem>>) src(%dma_wait3A_226 : memref<4096xf32, #tpu.memory_space<vmem>>) dst(%dma_wait3A_224 : memref<4096xf32, #tpu.memory_space<hbm>>)
    %dma_wait3A_227 = arith.constant 20480 : i32
    %dma_wait3A_228 = tpu.memref_slice %arg7[%dma_wait3A_227] : memref<32768xf32, #tpu.memory_space<vmem>> -> memref<4096xf32, #tpu.memory_space<vmem>>
    %dma_wait3A_229 = arith.constant 20480 : i32
    %dma_wait3A_230 = tpu.memref_slice %arg4[%add3A, %dma_wait3A_229] : memref<32x32768xf32, #tpu.memory_space<hbm>> -> memref<1x4096xf32, #tpu.memory_space<hbm>>
    %dma_wait3A_231 = tpu.memref_squeeze %dma_wait3A_230 : memref<1x4096xf32, #tpu.memory_space<hbm>> -> memref<4096xf32, #tpu.memory_space<hbm>>
    %dma_wait3A_232 = arith.constant 20480 : i32
    %dma_wait3A_233 = tpu.memref_slice %arg4[%add3A, %dma_wait3A_232] : memref<32x32768xf32, #tpu.memory_space<hbm>> -> memref<1x4096xf32, #tpu.memory_space<hbm>>
    %dma_wait3A_234 = tpu.memref_squeeze %dma_wait3A_233 : memref<1x4096xf32, #tpu.memory_space<hbm>> -> memref<4096xf32, #tpu.memory_space<hbm>>
    %dma_wait3A_235 = arith.constant 20480 : i32
    %dma_wait3A_236 = tpu.memref_slice %arg7[%dma_wait3A_235] : memref<32768xf32, #tpu.memory_space<vmem>> -> memref<4096xf32, #tpu.memory_space<vmem>>
    tpu.wait_dma2 semaphore(%arg15 : memref<!tpu.dma_semaphore, #tpu.memory_space<semaphore_mem>>) src(%dma_wait3A_236 : memref<4096xf32, #tpu.memory_space<vmem>>) dst(%dma_wait3A_234 : memref<4096xf32, #tpu.memory_space<hbm>>)
    %dma_wait3A_237 = arith.constant 24576 : i32
    %dma_wait3A_238 = tpu.memref_slice %arg7[%dma_wait3A_237] : memref<32768xf32, #tpu.memory_space<vmem>> -> memref<4096xf32, #tpu.memory_space<vmem>>
    %dma_wait3A_239 = arith.constant 24576 : i32
    %dma_wait3A_240 = tpu.memref_slice %arg4[%add3A, %dma_wait3A_239] : memref<32x32768xf32, #tpu.memory_space<hbm>> -> memref<1x4096xf32, #tpu.memory_space<hbm>>
    %dma_wait3A_241 = tpu.memref_squeeze %dma_wait3A_240 : memref<1x4096xf32, #tpu.memory_space<hbm>> -> memref<4096xf32, #tpu.memory_space<hbm>>
    %dma_wait3A_242 = arith.constant 24576 : i32
    %dma_wait3A_243 = tpu.memref_slice %arg4[%add3A, %dma_wait3A_242] : memref<32x32768xf32, #tpu.memory_space<hbm>> -> memref<1x4096xf32, #tpu.memory_space<hbm>>
    %dma_wait3A_244 = tpu.memref_squeeze %dma_wait3A_243 : memref<1x4096xf32, #tpu.memory_space<hbm>> -> memref<4096xf32, #tpu.memory_space<hbm>>
    %dma_wait3A_245 = arith.constant 24576 : i32
    %dma_wait3A_246 = tpu.memref_slice %arg7[%dma_wait3A_245] : memref<32768xf32, #tpu.memory_space<vmem>> -> memref<4096xf32, #tpu.memory_space<vmem>>
    tpu.wait_dma2 semaphore(%arg15 : memref<!tpu.dma_semaphore, #tpu.memory_space<semaphore_mem>>) src(%dma_wait3A_246 : memref<4096xf32, #tpu.memory_space<vmem>>) dst(%dma_wait3A_244 : memref<4096xf32, #tpu.memory_space<hbm>>)
    %dma_wait3A_247 = arith.constant 28672 : i32
    %dma_wait3A_248 = tpu.memref_slice %arg7[%dma_wait3A_247] : memref<32768xf32, #tpu.memory_space<vmem>> -> memref<4096xf32, #tpu.memory_space<vmem>>
    %dma_wait3A_249 = arith.constant 28672 : i32
    %dma_wait3A_250 = tpu.memref_slice %arg4[%add3A, %dma_wait3A_249] : memref<32x32768xf32, #tpu.memory_space<hbm>> -> memref<1x4096xf32, #tpu.memory_space<hbm>>
    %dma_wait3A_251 = tpu.memref_squeeze %dma_wait3A_250 : memref<1x4096xf32, #tpu.memory_space<hbm>> -> memref<4096xf32, #tpu.memory_space<hbm>>
    %dma_wait3A_252 = arith.constant 28672 : i32
    %dma_wait3A_253 = tpu.memref_slice %arg4[%add3A, %dma_wait3A_252] : memref<32x32768xf32, #tpu.memory_space<hbm>> -> memref<1x4096xf32, #tpu.memory_space<hbm>>
    %dma_wait3A_254 = tpu.memref_squeeze %dma_wait3A_253 : memref<1x4096xf32, #tpu.memory_space<hbm>> -> memref<4096xf32, #tpu.memory_space<hbm>>
    %dma_wait3A_255 = arith.constant 28672 : i32
    %dma_wait3A_256 = tpu.memref_slice %arg7[%dma_wait3A_255] : memref<32768xf32, #tpu.memory_space<vmem>> -> memref<4096xf32, #tpu.memory_space<vmem>>
    tpu.wait_dma2 semaphore(%arg15 : memref<!tpu.dma_semaphore, #tpu.memory_space<semaphore_mem>>) src(%dma_wait3A_256 : memref<4096xf32, #tpu.memory_space<vmem>>) dst(%dma_wait3A_254 : memref<4096xf32, #tpu.memory_space<hbm>>)
    "tpu.region"() ({
      %run_scoped3A = tpu.sem_alloc : memref<!tpu.dma_semaphore, #tpu.memory_space<semaphore_mem>>
      %dma_start3A_257 = arith.constant 0 : i32
      %dma_start3A_258 = tpu.memref_slice %arg5[%add3A, %dma_start3A_257] : memref<32x1024xi32, #tpu.memory_space<hbm>> -> memref<1x1024xi32, #tpu.memory_space<hbm>>
      %dma_start3A_259 = tpu.memref_squeeze %dma_start3A_258 : memref<1x1024xi32, #tpu.memory_space<hbm>> -> memref<1024xi32, #tpu.memory_space<hbm>>
      %dma_start3A_260 = arith.constant 0 : i32
      %dma_start3A_261 = tpu.memref_slice %arg5[%add3A, %dma_start3A_260] : memref<32x1024xi32, #tpu.memory_space<hbm>> -> memref<1x1024xi32, #tpu.memory_space<hbm>>
      %dma_start3A_262 = tpu.memref_squeeze %dma_start3A_261 : memref<1x1024xi32, #tpu.memory_space<hbm>> -> memref<1024xi32, #tpu.memory_space<hbm>>
      tpu.enqueue_dma source(%arg11 : memref<1024xi32, #tpu.memory_space<vmem>>) target(%dma_start3A_262 : memref<1024xi32, #tpu.memory_space<hbm>>) target_semaphore(%run_scoped3A : memref<!tpu.dma_semaphore, #tpu.memory_space<semaphore_mem>>)
      %dma_wait3A_263 = arith.constant 0 : i32
      %dma_wait3A_264 = tpu.memref_slice %arg5[%add3A, %dma_wait3A_263] : memref<32x1024xi32, #tpu.memory_space<hbm>> -> memref<1x1024xi32, #tpu.memory_space<hbm>>
      %dma_wait3A_265 = tpu.memref_squeeze %dma_wait3A_264 : memref<1x1024xi32, #tpu.memory_space<hbm>> -> memref<1024xi32, #tpu.memory_space<hbm>>
      %dma_wait3A_266 = arith.constant 0 : i32
      %dma_wait3A_267 = tpu.memref_slice %arg5[%add3A, %dma_wait3A_266] : memref<32x1024xi32, #tpu.memory_space<hbm>> -> memref<1x1024xi32, #tpu.memory_space<hbm>>
      %dma_wait3A_268 = tpu.memref_squeeze %dma_wait3A_267 : memref<1x1024xi32, #tpu.memory_space<hbm>> -> memref<1024xi32, #tpu.memory_space<hbm>>
      tpu.wait_dma2 semaphore(%run_scoped3A : memref<!tpu.dma_semaphore, #tpu.memory_space<semaphore_mem>>) src(%arg11 : memref<1024xi32, #tpu.memory_space<vmem>>) dst(%dma_wait3A_268 : memref<1024xi32, #tpu.memory_space<hbm>>)
      tpu.yield
    }) : () -> ()
    "tpu.region"() ({
      %run_scoped3A = tpu.sem_alloc : memref<!tpu.dma_semaphore, #tpu.memory_space<semaphore_mem>>
      %dma_start3A_257 = arith.constant 0 : i32
      %dma_start3A_258 = tpu.memref_slice %arg6[%add3A, %dma_start3A_257] : memref<32x1024xf32, #tpu.memory_space<hbm>> -> memref<1x1024xf32, #tpu.memory_space<hbm>>
      %dma_start3A_259 = tpu.memref_squeeze %dma_start3A_258 : memref<1x1024xf32, #tpu.memory_space<hbm>> -> memref<1024xf32, #tpu.memory_space<hbm>>
      %dma_start3A_260 = arith.constant 0 : i32
      %dma_start3A_261 = tpu.memref_slice %arg6[%add3A, %dma_start3A_260] : memref<32x1024xf32, #tpu.memory_space<hbm>> -> memref<1x1024xf32, #tpu.memory_space<hbm>>
      %dma_start3A_262 = tpu.memref_squeeze %dma_start3A_261 : memref<1x1024xf32, #tpu.memory_space<hbm>> -> memref<1024xf32, #tpu.memory_space<hbm>>
      tpu.enqueue_dma source(%arg12 : memref<1024xf32, #tpu.memory_space<vmem>>) target(%dma_start3A_262 : memref<1024xf32, #tpu.memory_space<hbm>>) target_semaphore(%run_scoped3A : memref<!tpu.dma_semaphore, #tpu.memory_space<semaphore_mem>>)
      %dma_wait3A_263 = arith.constant 0 : i32
      %dma_wait3A_264 = tpu.memref_slice %arg6[%add3A, %dma_wait3A_263] : memref<32x1024xf32, #tpu.memory_space<hbm>> -> memref<1x1024xf32, #tpu.memory_space<hbm>>
      %dma_wait3A_265 = tpu.memref_squeeze %dma_wait3A_264 : memref<1x1024xf32, #tpu.memory_space<hbm>> -> memref<1024xf32, #tpu.memory_space<hbm>>
      %dma_wait3A_266 = arith.constant 0 : i32
      %dma_wait3A_267 = tpu.memref_slice %arg6[%add3A, %dma_wait3A_266] : memref<32x1024xf32, #tpu.memory_space<hbm>> -> memref<1x1024xf32, #tpu.memory_space<hbm>>
      %dma_wait3A_268 = tpu.memref_squeeze %dma_wait3A_267 : memref<1x1024xf32, #tpu.memory_space<hbm>> -> memref<1024xf32, #tpu.memory_space<hbm>>
      tpu.wait_dma2 semaphore(%run_scoped3A : memref<!tpu.dma_semaphore, #tpu.memory_space<semaphore_mem>>) src(%arg12 : memref<1024xf32, #tpu.memory_space<vmem>>) dst(%dma_wait3A_268 : memref<1024xf32, #tpu.memory_space<hbm>>)
      tpu.yield
    }) : () -> ()
    return
  }
}

module attributes {stable_mosaic.version = 14 : i64} {
  func.func @body(%arg0: memref<32x2048xi32, #tpu.memory_space<vmem>>, %arg1: memref<1x16xi32, #tpu.memory_space<vmem>>, %arg2: memref<1x128xi32, #tpu.memory_space<vmem>>, %arg3: memref<1x128xf32, #tpu.memory_space<vmem>>, %arg4: memref<1x128xf32, #tpu.memory_space<vmem>>) attributes {dimension_semantics = [], scalar_prefetch = 0 : i64, scratch_operands = 0 : i64, tpu.core_type = #tpu.core_type<tc>} {
    %get3A = arith.constant 0 : index
    %get3A_0 = arith.constant 0 : index
    %get3A_1 = vector.load %arg1[%get3A, %get3A_0] : memref<1x16xi32, #tpu.memory_space<vmem>>, vector<1x16xi32>
    %reduce_max3A = vector.shape_cast %get3A_1 : vector<1x16xi32> to vector<1x1x16xi32>
    %reduce_max3A_2 = arith.constant dense<-2147483648> : vector<1xi32>
    %reduce_max3A_3 = vector.multi_reduction <maxsi>, %reduce_max3A, %reduce_max3A_2 [1, 2] : vector<1x1x16xi32> to vector<1xi32>
    %reduce_max3A_4 = vector.shape_cast %reduce_max3A_3 : vector<1xi32> to vector<1x1x1xi32>
    %reduce_max3A_5 = vector.extract %reduce_max3A_4[0, 0, 0] : i32 from vector<1x1x1xi32>
    %get3A_6 = arith.constant 0 : index
    %get3A_7 = arith.constant 0 : index
    %get3A_8 = vector.load %arg2[%get3A_6, %get3A_7] : memref<1x128xi32, #tpu.memory_space<vmem>>, vector<1x128xi32>
    %reduce_max3A_9 = vector.shape_cast %get3A_8 : vector<1x128xi32> to vector<1x1x128xi32>
    %reduce_max3A_10 = arith.constant dense<-2147483648> : vector<1xi32>
    %reduce_max3A_11 = vector.multi_reduction <maxsi>, %reduce_max3A_9, %reduce_max3A_10 [1, 2] : vector<1x1x128xi32> to vector<1xi32>
    %reduce_max3A_12 = vector.shape_cast %reduce_max3A_11 : vector<1xi32> to vector<1x1x1xi32>
    %reduce_max3A_13 = vector.extract %reduce_max3A_12[0, 0, 0] : i32 from vector<1x1x1xi32>
    %get3A_14 = arith.constant 0 : index
    %get3A_15 = arith.constant 0 : index
    %get3A_16 = vector.load %arg3[%get3A_14, %get3A_15] : memref<1x128xf32, #tpu.memory_space<vmem>>, vector<1x128xf32>
    %reduce_max3A_17 = vector.shape_cast %get3A_16 : vector<1x128xf32> to vector<1x1x128xf32>
    %reduce_max3A_18 = arith.constant dense<0xFF800000> : vector<1xf32>
    %reduce_max3A_19 = vector.multi_reduction <maximumf>, %reduce_max3A_17, %reduce_max3A_18 [1, 2] : vector<1x1x128xf32> to vector<1xf32>
    %reduce_max3A_20 = vector.shape_cast %reduce_max3A_19 : vector<1xf32> to vector<1x1x1xf32>
    %reduce_max3A_21 = vector.extract %reduce_max3A_20[0, 0, 0] : f32 from vector<1x1x1xf32>
    %get3A_22 = arith.constant 0 : index
    %get3A_23 = arith.constant 0 : index
    %get3A_24 = vector.load %arg0[%get3A_22, %get3A_23] : memref<32x2048xi32, #tpu.memory_space<vmem>>, vector<32x2048xi32>
    %reduce_sum3A = arith.constant dense<0> : vector<2048xi32>
    %reduce_sum3A_25 = vector.multi_reduction <add>, %get3A_24, %reduce_sum3A [0] : vector<32x2048xi32> to vector<2048xi32>
    %broadcast_in_dim3A = vector.shape_cast %reduce_sum3A_25 : vector<2048xi32> to vector<1x2048xi32>
    %convert_element_type3A = arith.sitofp %broadcast_in_dim3A : vector<1x2048xi32> to vector<1x2048xf32>
    %iota3A = tpu.iota {dimensions = array<i32: 1>} : vector<1x2048xi32>
    %shift_left3A = arith.constant 11 : i32
    %shift_left3A_26 = arith.shli %reduce_max3A_5, %shift_left3A : i32
    %or3A = vector.broadcast %shift_left3A_26 : i32 to vector<1x2048xi32>
    %or3A_27 = arith.ori %or3A, %iota3A : vector<1x2048xi32>
    %bitcast_convert_type3A = tpu.bitcast %or3A_27 : vector<1x2048xi32> -> vector<1x2048xf32>
    %iota3A_28 = tpu.iota {dimensions = array<i32: 1>} : vector<1x2048xi32>
    %roll3A = arith.constant 2047 : i32
    %roll3A_29 = tpu.dynamic_rotate %broadcast_in_dim3A by %roll3A dim 1 : vector<1x2048xi32>, i32 -> vector<1x2048xi32>
    %lt3A = arith.constant 2047 : i32
    %lt3A_30 = vector.broadcast %lt3A : i32 to vector<1x2048xi32>
    %lt3A_31 = arith.cmpi slt, %iota3A_28, %lt3A_30 : vector<1x2048xi32>
    %jit3A = arith.constant 0 : i32
    %broadcast_in_dim3A_32 = vector.broadcast %jit3A : i32 to vector<1x2048xi32>
    %select_n3A = arith.select %lt3A_31, %roll3A_29, %broadcast_in_dim3A_32 : vector<1x2048xi1>, vector<1x2048xi32>
    %add3A = arith.addi %broadcast_in_dim3A, %select_n3A : vector<1x2048xi32>
    %roll3A_33 = arith.constant 2046 : i32
    %roll3A_34 = tpu.dynamic_rotate %add3A by %roll3A_33 dim 1 : vector<1x2048xi32>, i32 -> vector<1x2048xi32>
    %lt3A_35 = arith.constant 2046 : i32
    %lt3A_36 = vector.broadcast %lt3A_35 : i32 to vector<1x2048xi32>
    %lt3A_37 = arith.cmpi slt, %iota3A_28, %lt3A_36 : vector<1x2048xi32>
    %jit3A_38 = arith.constant 0 : i32
    %broadcast_in_dim3A_39 = vector.broadcast %jit3A_38 : i32 to vector<1x2048xi32>
    %select_n3A_40 = arith.select %lt3A_37, %roll3A_34, %broadcast_in_dim3A_39 : vector<1x2048xi1>, vector<1x2048xi32>
    %add3A_41 = arith.addi %add3A, %select_n3A_40 : vector<1x2048xi32>
    %roll3A_42 = arith.constant 2044 : i32
    %roll3A_43 = tpu.dynamic_rotate %add3A_41 by %roll3A_42 dim 1 : vector<1x2048xi32>, i32 -> vector<1x2048xi32>
    %lt3A_44 = arith.constant 2044 : i32
    %lt3A_45 = vector.broadcast %lt3A_44 : i32 to vector<1x2048xi32>
    %lt3A_46 = arith.cmpi slt, %iota3A_28, %lt3A_45 : vector<1x2048xi32>
    %jit3A_47 = arith.constant 0 : i32
    %broadcast_in_dim3A_48 = vector.broadcast %jit3A_47 : i32 to vector<1x2048xi32>
    %select_n3A_49 = arith.select %lt3A_46, %roll3A_43, %broadcast_in_dim3A_48 : vector<1x2048xi1>, vector<1x2048xi32>
    %add3A_50 = arith.addi %add3A_41, %select_n3A_49 : vector<1x2048xi32>
    %roll3A_51 = arith.constant 2040 : i32
    %roll3A_52 = tpu.dynamic_rotate %add3A_50 by %roll3A_51 dim 1 : vector<1x2048xi32>, i32 -> vector<1x2048xi32>
    %lt3A_53 = arith.constant 2040 : i32
    %lt3A_54 = vector.broadcast %lt3A_53 : i32 to vector<1x2048xi32>
    %lt3A_55 = arith.cmpi slt, %iota3A_28, %lt3A_54 : vector<1x2048xi32>
    %jit3A_56 = arith.constant 0 : i32
    %broadcast_in_dim3A_57 = vector.broadcast %jit3A_56 : i32 to vector<1x2048xi32>
    %select_n3A_58 = arith.select %lt3A_55, %roll3A_52, %broadcast_in_dim3A_57 : vector<1x2048xi1>, vector<1x2048xi32>
    %add3A_59 = arith.addi %add3A_50, %select_n3A_58 : vector<1x2048xi32>
    %roll3A_60 = arith.constant 2032 : i32
    %roll3A_61 = tpu.dynamic_rotate %add3A_59 by %roll3A_60 dim 1 : vector<1x2048xi32>, i32 -> vector<1x2048xi32>
    %lt3A_62 = arith.constant 2032 : i32
    %lt3A_63 = vector.broadcast %lt3A_62 : i32 to vector<1x2048xi32>
    %lt3A_64 = arith.cmpi slt, %iota3A_28, %lt3A_63 : vector<1x2048xi32>
    %jit3A_65 = arith.constant 0 : i32
    %broadcast_in_dim3A_66 = vector.broadcast %jit3A_65 : i32 to vector<1x2048xi32>
    %select_n3A_67 = arith.select %lt3A_64, %roll3A_61, %broadcast_in_dim3A_66 : vector<1x2048xi1>, vector<1x2048xi32>
    %add3A_68 = arith.addi %add3A_59, %select_n3A_67 : vector<1x2048xi32>
    %roll3A_69 = arith.constant 2016 : i32
    %roll3A_70 = tpu.dynamic_rotate %add3A_68 by %roll3A_69 dim 1 : vector<1x2048xi32>, i32 -> vector<1x2048xi32>
    %lt3A_71 = arith.constant 2016 : i32
    %lt3A_72 = vector.broadcast %lt3A_71 : i32 to vector<1x2048xi32>
    %lt3A_73 = arith.cmpi slt, %iota3A_28, %lt3A_72 : vector<1x2048xi32>
    %jit3A_74 = arith.constant 0 : i32
    %broadcast_in_dim3A_75 = vector.broadcast %jit3A_74 : i32 to vector<1x2048xi32>
    %select_n3A_76 = arith.select %lt3A_73, %roll3A_70, %broadcast_in_dim3A_75 : vector<1x2048xi1>, vector<1x2048xi32>
    %add3A_77 = arith.addi %add3A_68, %select_n3A_76 : vector<1x2048xi32>
    %roll3A_78 = arith.constant 1984 : i32
    %roll3A_79 = tpu.dynamic_rotate %add3A_77 by %roll3A_78 dim 1 : vector<1x2048xi32>, i32 -> vector<1x2048xi32>
    %lt3A_80 = arith.constant 1984 : i32
    %lt3A_81 = vector.broadcast %lt3A_80 : i32 to vector<1x2048xi32>
    %lt3A_82 = arith.cmpi slt, %iota3A_28, %lt3A_81 : vector<1x2048xi32>
    %jit3A_83 = arith.constant 0 : i32
    %broadcast_in_dim3A_84 = vector.broadcast %jit3A_83 : i32 to vector<1x2048xi32>
    %select_n3A_85 = arith.select %lt3A_82, %roll3A_79, %broadcast_in_dim3A_84 : vector<1x2048xi1>, vector<1x2048xi32>
    %add3A_86 = arith.addi %add3A_77, %select_n3A_85 : vector<1x2048xi32>
    %roll3A_87 = arith.constant 1920 : i32
    %roll3A_88 = tpu.dynamic_rotate %add3A_86 by %roll3A_87 dim 1 : vector<1x2048xi32>, i32 -> vector<1x2048xi32>
    %lt3A_89 = arith.constant 1920 : i32
    %lt3A_90 = vector.broadcast %lt3A_89 : i32 to vector<1x2048xi32>
    %lt3A_91 = arith.cmpi slt, %iota3A_28, %lt3A_90 : vector<1x2048xi32>
    %jit3A_92 = arith.constant 0 : i32
    %broadcast_in_dim3A_93 = vector.broadcast %jit3A_92 : i32 to vector<1x2048xi32>
    %select_n3A_94 = arith.select %lt3A_91, %roll3A_88, %broadcast_in_dim3A_93 : vector<1x2048xi1>, vector<1x2048xi32>
    %add3A_95 = arith.addi %add3A_86, %select_n3A_94 : vector<1x2048xi32>
    %roll3A_96 = arith.constant 1792 : i32
    %roll3A_97 = tpu.dynamic_rotate %add3A_95 by %roll3A_96 dim 1 : vector<1x2048xi32>, i32 -> vector<1x2048xi32>
    %lt3A_98 = arith.constant 1792 : i32
    %lt3A_99 = vector.broadcast %lt3A_98 : i32 to vector<1x2048xi32>
    %lt3A_100 = arith.cmpi slt, %iota3A_28, %lt3A_99 : vector<1x2048xi32>
    %jit3A_101 = arith.constant 0 : i32
    %broadcast_in_dim3A_102 = vector.broadcast %jit3A_101 : i32 to vector<1x2048xi32>
    %select_n3A_103 = arith.select %lt3A_100, %roll3A_97, %broadcast_in_dim3A_102 : vector<1x2048xi1>, vector<1x2048xi32>
    %add3A_104 = arith.addi %add3A_95, %select_n3A_103 : vector<1x2048xi32>
    %roll3A_105 = arith.constant 1536 : i32
    %roll3A_106 = tpu.dynamic_rotate %add3A_104 by %roll3A_105 dim 1 : vector<1x2048xi32>, i32 -> vector<1x2048xi32>
    %lt3A_107 = arith.constant 1536 : i32
    %lt3A_108 = vector.broadcast %lt3A_107 : i32 to vector<1x2048xi32>
    %lt3A_109 = arith.cmpi slt, %iota3A_28, %lt3A_108 : vector<1x2048xi32>
    %jit3A_110 = arith.constant 0 : i32
    %broadcast_in_dim3A_111 = vector.broadcast %jit3A_110 : i32 to vector<1x2048xi32>
    %select_n3A_112 = arith.select %lt3A_109, %roll3A_106, %broadcast_in_dim3A_111 : vector<1x2048xi1>, vector<1x2048xi32>
    %add3A_113 = arith.addi %add3A_104, %select_n3A_112 : vector<1x2048xi32>
    %roll3A_114 = arith.constant 1024 : i32
    %roll3A_115 = tpu.dynamic_rotate %add3A_113 by %roll3A_114 dim 1 : vector<1x2048xi32>, i32 -> vector<1x2048xi32>
    %lt3A_116 = arith.constant 1024 : i32
    %lt3A_117 = vector.broadcast %lt3A_116 : i32 to vector<1x2048xi32>
    %lt3A_118 = arith.cmpi slt, %iota3A_28, %lt3A_117 : vector<1x2048xi32>
    %jit3A_119 = arith.constant 0 : i32
    %broadcast_in_dim3A_120 = vector.broadcast %jit3A_119 : i32 to vector<1x2048xi32>
    %select_n3A_121 = arith.select %lt3A_118, %roll3A_115, %broadcast_in_dim3A_120 : vector<1x2048xi1>, vector<1x2048xi32>
    %add3A_122 = arith.addi %add3A_113, %select_n3A_121 : vector<1x2048xi32>
    %ge3A = vector.broadcast %reduce_max3A_13 : i32 to vector<1x2048xi32>
    %ge3A_123 = arith.cmpi sge, %add3A_122, %ge3A : vector<1x2048xi32>
    %jit3A_124 = arith.constant 0 : i32
    %broadcast_in_dim3A_125 = vector.broadcast %jit3A_124 : i32 to vector<1x2048xi32>
    %select_n3A_126 = arith.select %ge3A_123, %iota3A, %broadcast_in_dim3A_125 : vector<1x2048xi1>, vector<1x2048xi32>
    %reduce_max3A_127 = vector.shape_cast %select_n3A_126 : vector<1x2048xi32> to vector<1x1x2048xi32>
    %reduce_max3A_128 = arith.constant dense<-2147483648> : vector<1xi32>
    %reduce_max3A_129 = vector.multi_reduction <maxsi>, %reduce_max3A_127, %reduce_max3A_128 [1, 2] : vector<1x1x2048xi32> to vector<1xi32>
    %reduce_max3A_130 = vector.shape_cast %reduce_max3A_129 : vector<1xi32> to vector<1x1x1xi32>
    %reduce_max3A_131 = vector.extract %reduce_max3A_130[0, 0, 0] : i32 from vector<1x1x1xi32>
    %gt3A = vector.broadcast %reduce_max3A_131 : i32 to vector<1x2048xi32>
    %gt3A_132 = arith.cmpi sgt, %iota3A, %gt3A : vector<1x2048xi32>
    %jit3A_133 = arith.constant 0 : i32
    %broadcast_in_dim3A_134 = vector.broadcast %jit3A_133 : i32 to vector<1x2048xi32>
    %select_n3A_135 = arith.select %gt3A_132, %broadcast_in_dim3A, %broadcast_in_dim3A_134 : vector<1x2048xi1>, vector<1x2048xi32>
    %reduce_sum3A_136 = vector.shape_cast %select_n3A_135 : vector<1x2048xi32> to vector<1x1x2048xi32>
    %reduce_sum3A_137 = arith.constant dense<0> : vector<1xi32>
    %reduce_sum3A_138 = vector.multi_reduction <add>, %reduce_sum3A_136, %reduce_sum3A_137 [1, 2] : vector<1x1x2048xi32> to vector<1xi32>
    %reduce_sum3A_139 = vector.shape_cast %reduce_sum3A_138 : vector<1xi32> to vector<1x1x1xi32>
    %reduce_sum3A_140 = vector.extract %reduce_sum3A_139[0, 0, 0] : i32 from vector<1x1x1xi32>
    %mul3A = arith.mulf %convert_element_type3A, %bitcast_convert_type3A : vector<1x2048xf32>
    %jit3A_141 = arith.constant 0.000000e+00 : f32
    %broadcast_in_dim3A_142 = vector.broadcast %jit3A_141 : f32 to vector<1x2048xf32>
    %select_n3A_143 = arith.select %gt3A_132, %mul3A, %broadcast_in_dim3A_142 : vector<1x2048xi1>, vector<1x2048xf32>
    %reduce_sum3A_144 = vector.shape_cast %select_n3A_143 : vector<1x2048xf32> to vector<1x1x2048xf32>
    %reduce_sum3A_145 = arith.constant dense<0.000000e+00> : vector<1xf32>
    %reduce_sum3A_146 = vector.multi_reduction <add>, %reduce_sum3A_144, %reduce_sum3A_145 [1, 2] : vector<1x1x2048xf32> to vector<1xf32>
    %reduce_sum3A_147 = vector.shape_cast %reduce_sum3A_146 : vector<1xf32> to vector<1x1x1xf32>
    %reduce_sum3A_148 = vector.extract %reduce_sum3A_147[0, 0, 0] : f32 from vector<1x1x1xf32>
    %sub3A = arith.subi %reduce_max3A_13, %reduce_sum3A_140 : i32
    %convert_element_type3A_149 = arith.sitofp %sub3A : i32 to f32
    %eq3A = vector.broadcast %reduce_max3A_131 : i32 to vector<1x2048xi32>
    %eq3A_150 = arith.cmpi eq, %iota3A, %eq3A : vector<1x2048xi32>
    %jit3A_151 = arith.constant 0.000000e+00 : f32
    %broadcast_in_dim3A_152 = vector.broadcast %jit3A_151 : f32 to vector<1x2048xf32>
    %select_n3A_153 = arith.select %eq3A_150, %bitcast_convert_type3A, %broadcast_in_dim3A_152 : vector<1x2048xi1>, vector<1x2048xf32>
    %reduce_sum3A_154 = vector.shape_cast %select_n3A_153 : vector<1x2048xf32> to vector<1x1x2048xf32>
    %reduce_sum3A_155 = arith.constant dense<0.000000e+00> : vector<1xf32>
    %reduce_sum3A_156 = vector.multi_reduction <add>, %reduce_sum3A_154, %reduce_sum3A_155 [1, 2] : vector<1x1x2048xf32> to vector<1xf32>
    %reduce_sum3A_157 = vector.shape_cast %reduce_sum3A_156 : vector<1xf32> to vector<1x1x1xf32>
    %reduce_sum3A_158 = vector.extract %reduce_sum3A_157[0, 0, 0] : f32 from vector<1x1x1xf32>
    %add3A_159 = arith.addf %reduce_max3A_21, %reduce_sum3A_148 : f32
    %mul3A_160 = arith.mulf %convert_element_type3A_149, %reduce_sum3A_158 : f32
    %add3A_161 = arith.addf %add3A_159, %mul3A_160 : f32
    %broadcast_in_dim3A_162 = vector.broadcast %add3A_161 : f32 to vector<1x128xf32>
    %swap3A = arith.constant 0 : index
    %swap3A_163 = arith.constant 0 : index
    %swap3A_164 = vector.load %arg4[%swap3A, %swap3A_163] : memref<1x128xf32, #tpu.memory_space<vmem>>, vector<1x128xf32>
    tpu.vector_store %arg4[%swap3A, %swap3A_163], %broadcast_in_dim3A_162 {strides = array<i32>} : memref<1x128xf32, #tpu.memory_space<vmem>>, vector<1x128xf32>,
    return
  }
}

module attributes {stable_mosaic.version = 14 : i64} {
  func.func @body(%arg0: memref<32x1024xi32, #tpu.memory_space<vmem>>, %arg1: memref<32x1024xf32, #tpu.memory_space<vmem>>, %arg2: memref<1x16xi32, #tpu.memory_space<vmem>>, %arg3: memref<1x128xi32, #tpu.memory_space<vmem>>, %arg4: memref<1x128xf32, #tpu.memory_space<vmem>>, %arg5: memref<1x16xi32, #tpu.memory_space<vmem>>, %arg6: memref<1x128xi32, #tpu.memory_space<vmem>>, %arg7: memref<1x128xf32, #tpu.memory_space<vmem>>) attributes {dimension_semantics = [], scalar_prefetch = 0 : i64, scratch_operands = 0 : i64, tpu.core_type = #tpu.core_type<tc>} {
    %get3A = arith.constant 0 : index
    %get3A_0 = arith.constant 0 : index
    %get3A_1 = vector.load %arg2[%get3A, %get3A_0] : memref<1x16xi32, #tpu.memory_space<vmem>>, vector<1x16xi32>
    %reduce_max3A = vector.shape_cast %get3A_1 : vector<1x16xi32> to vector<1x1x16xi32>
    %reduce_max3A_2 = arith.constant dense<-2147483648> : vector<1xi32>
    %reduce_max3A_3 = vector.multi_reduction <maxsi>, %reduce_max3A, %reduce_max3A_2 [1, 2] : vector<1x1x16xi32> to vector<1xi32>
    %reduce_max3A_4 = vector.shape_cast %reduce_max3A_3 : vector<1xi32> to vector<1x1x1xi32>
    %reduce_max3A_5 = vector.extract %reduce_max3A_4[0, 0, 0] : i32 from vector<1x1x1xi32>
    %get3A_6 = arith.constant 0 : index
    %get3A_7 = arith.constant 0 : index
    %get3A_8 = vector.load %arg3[%get3A_6, %get3A_7] : memref<1x128xi32, #tpu.memory_space<vmem>>, vector<1x128xi32>
    %reduce_max3A_9 = vector.shape_cast %get3A_8 : vector<1x128xi32> to vector<1x1x128xi32>
    %reduce_max3A_10 = arith.constant dense<-2147483648> : vector<1xi32>
    %reduce_max3A_11 = vector.multi_reduction <maxsi>, %reduce_max3A_9, %reduce_max3A_10 [1, 2] : vector<1x1x128xi32> to vector<1xi32>
    %reduce_max3A_12 = vector.shape_cast %reduce_max3A_11 : vector<1xi32> to vector<1x1x1xi32>
    %reduce_max3A_13 = vector.extract %reduce_max3A_12[0, 0, 0] : i32 from vector<1x1x1xi32>
    %get3A_14 = arith.constant 0 : index
    %get3A_15 = arith.constant 0 : index
    %get3A_16 = vector.load %arg4[%get3A_14, %get3A_15] : memref<1x128xf32, #tpu.memory_space<vmem>>, vector<1x128xf32>
    %reduce_max3A_17 = vector.shape_cast %get3A_16 : vector<1x128xf32> to vector<1x1x128xf32>
    %reduce_max3A_18 = arith.constant dense<0xFF800000> : vector<1xf32>
    %reduce_max3A_19 = vector.multi_reduction <maximumf>, %reduce_max3A_17, %reduce_max3A_18 [1, 2] : vector<1x1x128xf32> to vector<1xf32>
    %reduce_max3A_20 = vector.shape_cast %reduce_max3A_19 : vector<1xf32> to vector<1x1x1xf32>
    %reduce_max3A_21 = vector.extract %reduce_max3A_20[0, 0, 0] : f32 from vector<1x1x1xf32>
    %get3A_22 = arith.constant 0 : index
    %get3A_23 = arith.constant 0 : index
    %get3A_24 = vector.load %arg0[%get3A_22, %get3A_23] : memref<32x1024xi32, #tpu.memory_space<vmem>>, vector<32x1024xi32>
    %reduce_sum3A = arith.constant dense<0> : vector<1024xi32>
    %reduce_sum3A_25 = vector.multi_reduction <add>, %get3A_24, %reduce_sum3A [0] : vector<32x1024xi32> to vector<1024xi32>
    %broadcast_in_dim3A = vector.shape_cast %reduce_sum3A_25 : vector<1024xi32> to vector<1x1024xi32>
    %get3A_26 = arith.constant 0 : index
    %get3A_27 = arith.constant 0 : index
    %get3A_28 = vector.load %arg1[%get3A_26, %get3A_27] : memref<32x1024xf32, #tpu.memory_space<vmem>>, vector<32x1024xf32>
    %reduce_sum3A_29 = arith.constant dense<0.000000e+00> : vector<1024xf32>
    %reduce_sum3A_30 = vector.multi_reduction <add>, %get3A_28, %reduce_sum3A_29 [0] : vector<32x1024xf32> to vector<1024xf32>
    %broadcast_in_dim3A_31 = vector.shape_cast %reduce_sum3A_30 : vector<1024xf32> to vector<1x1024xf32>
    %iota3A = tpu.iota {dimensions = array<i32: 1>} : vector<1x1024xi32>
    %roll3A = arith.constant 1023 : i32
    %roll3A_32 = tpu.dynamic_rotate %broadcast_in_dim3A by %roll3A dim 1 : vector<1x1024xi32>, i32 -> vector<1x1024xi32>
    %lt3A = arith.constant 1023 : i32
    %lt3A_33 = vector.broadcast %lt3A : i32 to vector<1x1024xi32>
    %lt3A_34 = arith.cmpi slt, %iota3A, %lt3A_33 : vector<1x1024xi32>
    %jit3A = arith.constant 0 : i32
    %broadcast_in_dim3A_35 = vector.broadcast %jit3A : i32 to vector<1x1024xi32>
    %select_n3A = arith.select %lt3A_34, %roll3A_32, %broadcast_in_dim3A_35 : vector<1x1024xi1>, vector<1x1024xi32>
    %add3A = arith.addi %broadcast_in_dim3A, %select_n3A : vector<1x1024xi32>
    %roll3A_36 = arith.constant 1022 : i32
    %roll3A_37 = tpu.dynamic_rotate %add3A by %roll3A_36 dim 1 : vector<1x1024xi32>, i32 -> vector<1x1024xi32>
    %lt3A_38 = arith.constant 1022 : i32
    %lt3A_39 = vector.broadcast %lt3A_38 : i32 to vector<1x1024xi32>
    %lt3A_40 = arith.cmpi slt, %iota3A, %lt3A_39 : vector<1x1024xi32>
    %jit3A_41 = arith.constant 0 : i32
    %broadcast_in_dim3A_42 = vector.broadcast %jit3A_41 : i32 to vector<1x1024xi32>
    %select_n3A_43 = arith.select %lt3A_40, %roll3A_37, %broadcast_in_dim3A_42 : vector<1x1024xi1>, vector<1x1024xi32>
    %add3A_44 = arith.addi %add3A, %select_n3A_43 : vector<1x1024xi32>
    %roll3A_45 = arith.constant 1020 : i32
    %roll3A_46 = tpu.dynamic_rotate %add3A_44 by %roll3A_45 dim 1 : vector<1x1024xi32>, i32 -> vector<1x1024xi32>
    %lt3A_47 = arith.constant 1020 : i32
    %lt3A_48 = vector.broadcast %lt3A_47 : i32 to vector<1x1024xi32>
    %lt3A_49 = arith.cmpi slt, %iota3A, %lt3A_48 : vector<1x1024xi32>
    %jit3A_50 = arith.constant 0 : i32
    %broadcast_in_dim3A_51 = vector.broadcast %jit3A_50 : i32 to vector<1x1024xi32>
    %select_n3A_52 = arith.select %lt3A_49, %roll3A_46, %broadcast_in_dim3A_51 : vector<1x1024xi1>, vector<1x1024xi32>
    %add3A_53 = arith.addi %add3A_44, %select_n3A_52 : vector<1x1024xi32>
    %roll3A_54 = arith.constant 1016 : i32
    %roll3A_55 = tpu.dynamic_rotate %add3A_53 by %roll3A_54 dim 1 : vector<1x1024xi32>, i32 -> vector<1x1024xi32>
    %lt3A_56 = arith.constant 1016 : i32
    %lt3A_57 = vector.broadcast %lt3A_56 : i32 to vector<1x1024xi32>
    %lt3A_58 = arith.cmpi slt, %iota3A, %lt3A_57 : vector<1x1024xi32>
    %jit3A_59 = arith.constant 0 : i32
    %broadcast_in_dim3A_60 = vector.broadcast %jit3A_59 : i32 to vector<1x1024xi32>
    %select_n3A_61 = arith.select %lt3A_58, %roll3A_55, %broadcast_in_dim3A_60 : vector<1x1024xi1>, vector<1x1024xi32>
    %add3A_62 = arith.addi %add3A_53, %select_n3A_61 : vector<1x1024xi32>
    %roll3A_63 = arith.constant 1008 : i32
    %roll3A_64 = tpu.dynamic_rotate %add3A_62 by %roll3A_63 dim 1 : vector<1x1024xi32>, i32 -> vector<1x1024xi32>
    %lt3A_65 = arith.constant 1008 : i32
    %lt3A_66 = vector.broadcast %lt3A_65 : i32 to vector<1x1024xi32>
    %lt3A_67 = arith.cmpi slt, %iota3A, %lt3A_66 : vector<1x1024xi32>
    %jit3A_68 = arith.constant 0 : i32
    %broadcast_in_dim3A_69 = vector.broadcast %jit3A_68 : i32 to vector<1x1024xi32>
    %select_n3A_70 = arith.select %lt3A_67, %roll3A_64, %broadcast_in_dim3A_69 : vector<1x1024xi1>, vector<1x1024xi32>
    %add3A_71 = arith.addi %add3A_62, %select_n3A_70 : vector<1x1024xi32>
    %roll3A_72 = arith.constant 992 : i32
    %roll3A_73 = tpu.dynamic_rotate %add3A_71 by %roll3A_72 dim 1 : vector<1x1024xi32>, i32 -> vector<1x1024xi32>
    %lt3A_74 = arith.constant 992 : i32
    %lt3A_75 = vector.broadcast %lt3A_74 : i32 to vector<1x1024xi32>
    %lt3A_76 = arith.cmpi slt, %iota3A, %lt3A_75 : vector<1x1024xi32>
    %jit3A_77 = arith.constant 0 : i32
    %broadcast_in_dim3A_78 = vector.broadcast %jit3A_77 : i32 to vector<1x1024xi32>
    %select_n3A_79 = arith.select %lt3A_76, %roll3A_73, %broadcast_in_dim3A_78 : vector<1x1024xi1>, vector<1x1024xi32>
    %add3A_80 = arith.addi %add3A_71, %select_n3A_79 : vector<1x1024xi32>
    %roll3A_81 = arith.constant 960 : i32
    %roll3A_82 = tpu.dynamic_rotate %add3A_80 by %roll3A_81 dim 1 : vector<1x1024xi32>, i32 -> vector<1x1024xi32>
    %lt3A_83 = arith.constant 960 : i32
    %lt3A_84 = vector.broadcast %lt3A_83 : i32 to vector<1x1024xi32>
    %lt3A_85 = arith.cmpi slt, %iota3A, %lt3A_84 : vector<1x1024xi32>
    %jit3A_86 = arith.constant 0 : i32
    %broadcast_in_dim3A_87 = vector.broadcast %jit3A_86 : i32 to vector<1x1024xi32>
    %select_n3A_88 = arith.select %lt3A_85, %roll3A_82, %broadcast_in_dim3A_87 : vector<1x1024xi1>, vector<1x1024xi32>
    %add3A_89 = arith.addi %add3A_80, %select_n3A_88 : vector<1x1024xi32>
    %roll3A_90 = arith.constant 896 : i32
    %roll3A_91 = tpu.dynamic_rotate %add3A_89 by %roll3A_90 dim 1 : vector<1x1024xi32>, i32 -> vector<1x1024xi32>
    %lt3A_92 = arith.constant 896 : i32
    %lt3A_93 = vector.broadcast %lt3A_92 : i32 to vector<1x1024xi32>
    %lt3A_94 = arith.cmpi slt, %iota3A, %lt3A_93 : vector<1x1024xi32>
    %jit3A_95 = arith.constant 0 : i32
    %broadcast_in_dim3A_96 = vector.broadcast %jit3A_95 : i32 to vector<1x1024xi32>
    %select_n3A_97 = arith.select %lt3A_94, %roll3A_91, %broadcast_in_dim3A_96 : vector<1x1024xi1>, vector<1x1024xi32>
    %add3A_98 = arith.addi %add3A_89, %select_n3A_97 : vector<1x1024xi32>
    %roll3A_99 = arith.constant 768 : i32
    %roll3A_100 = tpu.dynamic_rotate %add3A_98 by %roll3A_99 dim 1 : vector<1x1024xi32>, i32 -> vector<1x1024xi32>
    %lt3A_101 = arith.constant 768 : i32
    %lt3A_102 = vector.broadcast %lt3A_101 : i32 to vector<1x1024xi32>
    %lt3A_103 = arith.cmpi slt, %iota3A, %lt3A_102 : vector<1x1024xi32>
    %jit3A_104 = arith.constant 0 : i32
    %broadcast_in_dim3A_105 = vector.broadcast %jit3A_104 : i32 to vector<1x1024xi32>
    %select_n3A_106 = arith.select %lt3A_103, %roll3A_100, %broadcast_in_dim3A_105 : vector<1x1024xi1>, vector<1x1024xi32>
    %add3A_107 = arith.addi %add3A_98, %select_n3A_106 : vector<1x1024xi32>
    %roll3A_108 = arith.constant 512 : i32
    %roll3A_109 = tpu.dynamic_rotate %add3A_107 by %roll3A_108 dim 1 : vector<1x1024xi32>, i32 -> vector<1x1024xi32>
    %lt3A_110 = arith.constant 512 : i32
    %lt3A_111 = vector.broadcast %lt3A_110 : i32 to vector<1x1024xi32>
    %lt3A_112 = arith.cmpi slt, %iota3A, %lt3A_111 : vector<1x1024xi32>
    %jit3A_113 = arith.constant 0 : i32
    %broadcast_in_dim3A_114 = vector.broadcast %jit3A_113 : i32 to vector<1x1024xi32>
    %select_n3A_115 = arith.select %lt3A_112, %roll3A_109, %broadcast_in_dim3A_114 : vector<1x1024xi1>, vector<1x1024xi32>
    %add3A_116 = arith.addi %add3A_107, %select_n3A_115 : vector<1x1024xi32>
    %iota3A_117 = tpu.iota {dimensions = array<i32: 1>} : vector<1x1024xi32>
    %ge3A = vector.broadcast %reduce_max3A_13 : i32 to vector<1x1024xi32>
    %ge3A_118 = arith.cmpi sge, %add3A_116, %ge3A : vector<1x1024xi32>
    %jit3A_119 = arith.constant 0 : i32
    %broadcast_in_dim3A_120 = vector.broadcast %jit3A_119 : i32 to vector<1x1024xi32>
    %select_n3A_121 = arith.select %ge3A_118, %iota3A_117, %broadcast_in_dim3A_120 : vector<1x1024xi1>, vector<1x1024xi32>
    %reduce_max3A_122 = vector.shape_cast %select_n3A_121 : vector<1x1024xi32> to vector<1x1x1024xi32>
    %reduce_max3A_123 = arith.constant dense<-2147483648> : vector<1xi32>
    %reduce_max3A_124 = vector.multi_reduction <maxsi>, %reduce_max3A_122, %reduce_max3A_123 [1, 2] : vector<1x1x1024xi32> to vector<1xi32>
    %reduce_max3A_125 = vector.shape_cast %reduce_max3A_124 : vector<1xi32> to vector<1x1x1xi32>
    %reduce_max3A_126 = vector.extract %reduce_max3A_125[0, 0, 0] : i32 from vector<1x1x1xi32>
    %gt3A = vector.broadcast %reduce_max3A_126 : i32 to vector<1x1024xi32>
    %gt3A_127 = arith.cmpi sgt, %iota3A_117, %gt3A : vector<1x1024xi32>
    %jit3A_128 = arith.constant 0 : i32
    %broadcast_in_dim3A_129 = vector.broadcast %jit3A_128 : i32 to vector<1x1024xi32>
    %select_n3A_130 = arith.select %gt3A_127, %broadcast_in_dim3A, %broadcast_in_dim3A_129 : vector<1x1024xi1>, vector<1x1024xi32>
    %reduce_sum3A_131 = vector.shape_cast %select_n3A_130 : vector<1x1024xi32> to vector<1x1x1024xi32>
    %reduce_sum3A_132 = arith.constant dense<0> : vector<1xi32>
    %reduce_sum3A_133 = vector.multi_reduction <add>, %reduce_sum3A_131, %reduce_sum3A_132 [1, 2] : vector<1x1x1024xi32> to vector<1xi32>
    %reduce_sum3A_134 = vector.shape_cast %reduce_sum3A_133 : vector<1xi32> to vector<1x1x1xi32>
    %reduce_sum3A_135 = vector.extract %reduce_sum3A_134[0, 0, 0] : i32 from vector<1x1x1xi32>
    %jit3A_136 = arith.constant 0.000000e+00 : f32
    %broadcast_in_dim3A_137 = vector.broadcast %jit3A_136 : f32 to vector<1x1024xf32>
    %select_n3A_138 = arith.select %gt3A_127, %broadcast_in_dim3A_31, %broadcast_in_dim3A_137 : vector<1x1024xi1>, vector<1x1024xf32>
    %reduce_sum3A_139 = vector.shape_cast %select_n3A_138 : vector<1x1024xf32> to vector<1x1x1024xf32>
    %reduce_sum3A_140 = arith.constant dense<0.000000e+00> : vector<1xf32>
    %reduce_sum3A_141 = vector.multi_reduction <add>, %reduce_sum3A_139, %reduce_sum3A_140 [1, 2] : vector<1x1x1024xf32> to vector<1xf32>
    %reduce_sum3A_142 = vector.shape_cast %reduce_sum3A_141 : vector<1xf32> to vector<1x1x1xf32>
    %reduce_sum3A_143 = vector.extract %reduce_sum3A_142[0, 0, 0] : f32 from vector<1x1x1xf32>
    %sub3A = arith.subi %reduce_max3A_13, %reduce_sum3A_135 : i32
    %shift_left3A = arith.constant 10 : i32
    %shift_left3A_144 = arith.shli %reduce_max3A_5, %shift_left3A : i32
    %or3A = arith.ori %shift_left3A_144, %reduce_max3A_126 : i32
    %broadcast_in_dim3A_145 = vector.broadcast %or3A : i32 to vector<1x16xi32>
    %swap3A = arith.constant 0 : index
    %swap3A_146 = arith.constant 0 : index
    %swap3A_147 = vector.load %arg5[%swap3A, %swap3A_146] : memref<1x16xi32, #tpu.memory_space<vmem>>, vector<1x16xi32>
    tpu.vector_store %arg5[%swap3A, %swap3A_146], %broadcast_in_dim3A_145 {strides = array<i32>} : memref<1x16xi32, #tpu.memory_space<vmem>>, vector<1x16xi32>,
    %broadcast_in_dim3A_148 = vector.broadcast %sub3A : i32 to vector<1x128xi32>
    %swap3A_149 = arith.constant 0 : index
    %swap3A_150 = arith.constant 0 : index
    %swap3A_151 = vector.load %arg6[%swap3A_149, %swap3A_150] : memref<1x128xi32, #tpu.memory_space<vmem>>, vector<1x128xi32>
    tpu.vector_store %arg6[%swap3A_149, %swap3A_150], %broadcast_in_dim3A_148 {strides = array<i32>} : memref<1x128xi32, #tpu.memory_space<vmem>>, vector<1x128xi32>,
    %add3A_152 = arith.addf %reduce_max3A_21, %reduce_sum3A_143 : f32
    %broadcast_in_dim3A_153 = vector.broadcast %add3A_152 : f32 to vector<1x128xf32>
    %swap3A_154 = arith.constant 0 : index
    %swap3A_155 = arith.constant 0 : index
    %swap3A_156 = vector.load %arg7[%swap3A_154, %swap3A_155] : memref<1x128xf32, #tpu.memory_space<vmem>>, vector<1x128xf32>
    tpu.vector_store %arg7[%swap3A_154, %swap3A_155], %broadcast_in_dim3A_153 {strides = array<i32>} : memref<1x128xf32, #tpu.memory_space<vmem>>, vector<1x128xf32>,
    return
  }
}

module attributes {stable_mosaic.version = 14 : i64} {
  func.func @body(%arg0: memref<32x1024xi32, #tpu.memory_space<vmem>>, %arg1: memref<32x1024xf32, #tpu.memory_space<vmem>>, %arg2: memref<1x16xi32, #tpu.memory_space<vmem>>, %arg3: memref<1x128xi32, #tpu.memory_space<vmem>>, %arg4: memref<1x128xf32, #tpu.memory_space<vmem>>) attributes {dimension_semantics = [], scalar_prefetch = 0 : i64, scratch_operands = 0 : i64, tpu.core_type = #tpu.core_type<tc>} {
    %get3A = arith.constant 0 : index
    %get3A_0 = arith.constant 0 : index
    %get3A_1 = vector.load %arg0[%get3A, %get3A_0] : memref<32x1024xi32, #tpu.memory_space<vmem>>, vector<32x1024xi32>
    %reduce_sum3A = arith.constant dense<0> : vector<1024xi32>
    %reduce_sum3A_2 = vector.multi_reduction <add>, %get3A_1, %reduce_sum3A [0] : vector<32x1024xi32> to vector<1024xi32>
    %broadcast_in_dim3A = vector.shape_cast %reduce_sum3A_2 : vector<1024xi32> to vector<1x1024xi32>
    %get3A_3 = arith.constant 0 : index
    %get3A_4 = arith.constant 0 : index
    %get3A_5 = vector.load %arg1[%get3A_3, %get3A_4] : memref<32x1024xf32, #tpu.memory_space<vmem>>, vector<32x1024xf32>
    %reduce_sum3A_6 = arith.constant dense<0.000000e+00> : vector<1024xf32>
    %reduce_sum3A_7 = vector.multi_reduction <add>, %get3A_5, %reduce_sum3A_6 [0] : vector<32x1024xf32> to vector<1024xf32>
    %broadcast_in_dim3A_8 = vector.shape_cast %reduce_sum3A_7 : vector<1024xf32> to vector<1x1024xf32>
    %iota3A = tpu.iota {dimensions = array<i32: 1>} : vector<1x1024xi32>
    %roll3A = arith.constant 1023 : i32
    %roll3A_9 = tpu.dynamic_rotate %broadcast_in_dim3A by %roll3A dim 1 : vector<1x1024xi32>, i32 -> vector<1x1024xi32>
    %lt3A = arith.constant 1023 : i32
    %lt3A_10 = vector.broadcast %lt3A : i32 to vector<1x1024xi32>
    %lt3A_11 = arith.cmpi slt, %iota3A, %lt3A_10 : vector<1x1024xi32>
    %jit3A = arith.constant 0 : i32
    %broadcast_in_dim3A_12 = vector.broadcast %jit3A : i32 to vector<1x1024xi32>
    %select_n3A = arith.select %lt3A_11, %roll3A_9, %broadcast_in_dim3A_12 : vector<1x1024xi1>, vector<1x1024xi32>
    %add3A = arith.addi %broadcast_in_dim3A, %select_n3A : vector<1x1024xi32>
    %roll3A_13 = arith.constant 1022 : i32
    %roll3A_14 = tpu.dynamic_rotate %add3A by %roll3A_13 dim 1 : vector<1x1024xi32>, i32 -> vector<1x1024xi32>
    %lt3A_15 = arith.constant 1022 : i32
    %lt3A_16 = vector.broadcast %lt3A_15 : i32 to vector<1x1024xi32>
    %lt3A_17 = arith.cmpi slt, %iota3A, %lt3A_16 : vector<1x1024xi32>
    %jit3A_18 = arith.constant 0 : i32
    %broadcast_in_dim3A_19 = vector.broadcast %jit3A_18 : i32 to vector<1x1024xi32>
    %select_n3A_20 = arith.select %lt3A_17, %roll3A_14, %broadcast_in_dim3A_19 : vector<1x1024xi1>, vector<1x1024xi32>
    %add3A_21 = arith.addi %add3A, %select_n3A_20 : vector<1x1024xi32>
    %roll3A_22 = arith.constant 1020 : i32
    %roll3A_23 = tpu.dynamic_rotate %add3A_21 by %roll3A_22 dim 1 : vector<1x1024xi32>, i32 -> vector<1x1024xi32>
    %lt3A_24 = arith.constant 1020 : i32
    %lt3A_25 = vector.broadcast %lt3A_24 : i32 to vector<1x1024xi32>
    %lt3A_26 = arith.cmpi slt, %iota3A, %lt3A_25 : vector<1x1024xi32>
    %jit3A_27 = arith.constant 0 : i32
    %broadcast_in_dim3A_28 = vector.broadcast %jit3A_27 : i32 to vector<1x1024xi32>
    %select_n3A_29 = arith.select %lt3A_26, %roll3A_23, %broadcast_in_dim3A_28 : vector<1x1024xi1>, vector<1x1024xi32>
    %add3A_30 = arith.addi %add3A_21, %select_n3A_29 : vector<1x1024xi32>
    %roll3A_31 = arith.constant 1016 : i32
    %roll3A_32 = tpu.dynamic_rotate %add3A_30 by %roll3A_31 dim 1 : vector<1x1024xi32>, i32 -> vector<1x1024xi32>
    %lt3A_33 = arith.constant 1016 : i32
    %lt3A_34 = vector.broadcast %lt3A_33 : i32 to vector<1x1024xi32>
    %lt3A_35 = arith.cmpi slt, %iota3A, %lt3A_34 : vector<1x1024xi32>
    %jit3A_36 = arith.constant 0 : i32
    %broadcast_in_dim3A_37 = vector.broadcast %jit3A_36 : i32 to vector<1x1024xi32>
    %select_n3A_38 = arith.select %lt3A_35, %roll3A_32, %broadcast_in_dim3A_37 : vector<1x1024xi1>, vector<1x1024xi32>
    %add3A_39 = arith.addi %add3A_30, %select_n3A_38 : vector<1x1024xi32>
    %roll3A_40 = arith.constant 1008 : i32
    %roll3A_41 = tpu.dynamic_rotate %add3A_39 by %roll3A_40 dim 1 : vector<1x1024xi32>, i32 -> vector<1x1024xi32>
    %lt3A_42 = arith.constant 1008 : i32
    %lt3A_43 = vector.broadcast %lt3A_42 : i32 to vector<1x1024xi32>
    %lt3A_44 = arith.cmpi slt, %iota3A, %lt3A_43 : vector<1x1024xi32>
    %jit3A_45 = arith.constant 0 : i32
    %broadcast_in_dim3A_46 = vector.broadcast %jit3A_45 : i32 to vector<1x1024xi32>
    %select_n3A_47 = arith.select %lt3A_44, %roll3A_41, %broadcast_in_dim3A_46 : vector<1x1024xi1>, vector<1x1024xi32>
    %add3A_48 = arith.addi %add3A_39, %select_n3A_47 : vector<1x1024xi32>
    %roll3A_49 = arith.constant 992 : i32
    %roll3A_50 = tpu.dynamic_rotate %add3A_48 by %roll3A_49 dim 1 : vector<1x1024xi32>, i32 -> vector<1x1024xi32>
    %lt3A_51 = arith.constant 992 : i32
    %lt3A_52 = vector.broadcast %lt3A_51 : i32 to vector<1x1024xi32>
    %lt3A_53 = arith.cmpi slt, %iota3A, %lt3A_52 : vector<1x1024xi32>
    %jit3A_54 = arith.constant 0 : i32
    %broadcast_in_dim3A_55 = vector.broadcast %jit3A_54 : i32 to vector<1x1024xi32>
    %select_n3A_56 = arith.select %lt3A_53, %roll3A_50, %broadcast_in_dim3A_55 : vector<1x1024xi1>, vector<1x1024xi32>
    %add3A_57 = arith.addi %add3A_48, %select_n3A_56 : vector<1x1024xi32>
    %roll3A_58 = arith.constant 960 : i32
    %roll3A_59 = tpu.dynamic_rotate %add3A_57 by %roll3A_58 dim 1 : vector<1x1024xi32>, i32 -> vector<1x1024xi32>
    %lt3A_60 = arith.constant 960 : i32
    %lt3A_61 = vector.broadcast %lt3A_60 : i32 to vector<1x1024xi32>
    %lt3A_62 = arith.cmpi slt, %iota3A, %lt3A_61 : vector<1x1024xi32>
    %jit3A_63 = arith.constant 0 : i32
    %broadcast_in_dim3A_64 = vector.broadcast %jit3A_63 : i32 to vector<1x1024xi32>
    %select_n3A_65 = arith.select %lt3A_62, %roll3A_59, %broadcast_in_dim3A_64 : vector<1x1024xi1>, vector<1x1024xi32>
    %add3A_66 = arith.addi %add3A_57, %select_n3A_65 : vector<1x1024xi32>
    %roll3A_67 = arith.constant 896 : i32
    %roll3A_68 = tpu.dynamic_rotate %add3A_66 by %roll3A_67 dim 1 : vector<1x1024xi32>, i32 -> vector<1x1024xi32>
    %lt3A_69 = arith.constant 896 : i32
    %lt3A_70 = vector.broadcast %lt3A_69 : i32 to vector<1x1024xi32>
    %lt3A_71 = arith.cmpi slt, %iota3A, %lt3A_70 : vector<1x1024xi32>
    %jit3A_72 = arith.constant 0 : i32
    %broadcast_in_dim3A_73 = vector.broadcast %jit3A_72 : i32 to vector<1x1024xi32>
    %select_n3A_74 = arith.select %lt3A_71, %roll3A_68, %broadcast_in_dim3A_73 : vector<1x1024xi1>, vector<1x1024xi32>
    %add3A_75 = arith.addi %add3A_66, %select_n3A_74 : vector<1x1024xi32>
    %roll3A_76 = arith.constant 768 : i32
    %roll3A_77 = tpu.dynamic_rotate %add3A_75 by %roll3A_76 dim 1 : vector<1x1024xi32>, i32 -> vector<1x1024xi32>
    %lt3A_78 = arith.constant 768 : i32
    %lt3A_79 = vector.broadcast %lt3A_78 : i32 to vector<1x1024xi32>
    %lt3A_80 = arith.cmpi slt, %iota3A, %lt3A_79 : vector<1x1024xi32>
    %jit3A_81 = arith.constant 0 : i32
    %broadcast_in_dim3A_82 = vector.broadcast %jit3A_81 : i32 to vector<1x1024xi32>
    %select_n3A_83 = arith.select %lt3A_80, %roll3A_77, %broadcast_in_dim3A_82 : vector<1x1024xi1>, vector<1x1024xi32>
    %add3A_84 = arith.addi %add3A_75, %select_n3A_83 : vector<1x1024xi32>
    %roll3A_85 = arith.constant 512 : i32
    %roll3A_86 = tpu.dynamic_rotate %add3A_84 by %roll3A_85 dim 1 : vector<1x1024xi32>, i32 -> vector<1x1024xi32>
    %lt3A_87 = arith.constant 512 : i32
    %lt3A_88 = vector.broadcast %lt3A_87 : i32 to vector<1x1024xi32>
    %lt3A_89 = arith.cmpi slt, %iota3A, %lt3A_88 : vector<1x1024xi32>
    %jit3A_90 = arith.constant 0 : i32
    %broadcast_in_dim3A_91 = vector.broadcast %jit3A_90 : i32 to vector<1x1024xi32>
    %select_n3A_92 = arith.select %lt3A_89, %roll3A_86, %broadcast_in_dim3A_91 : vector<1x1024xi1>, vector<1x1024xi32>
    %add3A_93 = arith.addi %add3A_84, %select_n3A_92 : vector<1x1024xi32>
    %iota3A_94 = tpu.iota {dimensions = array<i32: 1>} : vector<1x1024xi32>
    %ge3A = arith.constant 524288 : i32
    %ge3A_95 = vector.broadcast %ge3A : i32 to vector<1x1024xi32>
    %ge3A_96 = arith.cmpi sge, %add3A_93, %ge3A_95 : vector<1x1024xi32>
    %jit3A_97 = arith.constant 0 : i32
    %broadcast_in_dim3A_98 = vector.broadcast %jit3A_97 : i32 to vector<1x1024xi32>
    %select_n3A_99 = arith.select %ge3A_96, %iota3A_94, %broadcast_in_dim3A_98 : vector<1x1024xi1>, vector<1x1024xi32>
    %reduce_max3A = vector.shape_cast %select_n3A_99 : vector<1x1024xi32> to vector<1x1x1024xi32>
    %reduce_max3A_100 = arith.constant dense<-2147483648> : vector<1xi32>
    %reduce_max3A_101 = vector.multi_reduction <maxsi>, %reduce_max3A, %reduce_max3A_100 [1, 2] : vector<1x1x1024xi32> to vector<1xi32>
    %reduce_max3A_102 = vector.shape_cast %reduce_max3A_101 : vector<1xi32> to vector<1x1x1xi32>
    %reduce_max3A_103 = vector.extract %reduce_max3A_102[0, 0, 0] : i32 from vector<1x1x1xi32>
    %gt3A = vector.broadcast %reduce_max3A_103 : i32 to vector<1x1024xi32>
    %gt3A_104 = arith.cmpi sgt, %iota3A_94, %gt3A : vector<1x1024xi32>
    %jit3A_105 = arith.constant 0 : i32
    %broadcast_in_dim3A_106 = vector.broadcast %jit3A_105 : i32 to vector<1x1024xi32>
    %select_n3A_107 = arith.select %gt3A_104, %broadcast_in_dim3A, %broadcast_in_dim3A_106 : vector<1x1024xi1>, vector<1x1024xi32>
    %reduce_sum3A_108 = vector.shape_cast %select_n3A_107 : vector<1x1024xi32> to vector<1x1x1024xi32>
    %reduce_sum3A_109 = arith.constant dense<0> : vector<1xi32>
    %reduce_sum3A_110 = vector.multi_reduction <add>, %reduce_sum3A_108, %reduce_sum3A_109 [1, 2] : vector<1x1x1024xi32> to vector<1xi32>
    %reduce_sum3A_111 = vector.shape_cast %reduce_sum3A_110 : vector<1xi32> to vector<1x1x1xi32>
    %reduce_sum3A_112 = vector.extract %reduce_sum3A_111[0, 0, 0] : i32 from vector<1x1x1xi32>
    %jit3A_113 = arith.constant 0.000000e+00 : f32
    %broadcast_in_dim3A_114 = vector.broadcast %jit3A_113 : f32 to vector<1x1024xf32>
    %select_n3A_115 = arith.select %gt3A_104, %broadcast_in_dim3A_8, %broadcast_in_dim3A_114 : vector<1x1024xi1>, vector<1x1024xf32>
    %reduce_sum3A_116 = vector.shape_cast %select_n3A_115 : vector<1x1024xf32> to vector<1x1x1024xf32>
    %reduce_sum3A_117 = arith.constant dense<0.000000e+00> : vector<1xf32>
    %reduce_sum3A_118 = vector.multi_reduction <add>, %reduce_sum3A_116, %reduce_sum3A_117 [1, 2] : vector<1x1x1024xf32> to vector<1xf32>
    %reduce_sum3A_119 = vector.shape_cast %reduce_sum3A_118 : vector<1xf32> to vector<1x1x1xf32>
    %reduce_sum3A_120 = vector.extract %reduce_sum3A_119[0, 0, 0] : f32 from vector<1x1x1xf32>
    %sub3A = arith.constant 524288 : i32
    %sub3A_121 = arith.subi %sub3A, %reduce_sum3A_112 : i32
    %broadcast_in_dim3A_122 = vector.broadcast %reduce_max3A_103 : i32 to vector<1x16xi32>
    %swap3A = arith.constant 0 : index
    %swap3A_123 = arith.constant 0 : index
    %swap3A_124 = vector.load %arg2[%swap3A, %swap3A_123] : memref<1x16xi32, #tpu.memory_space<vmem>>, vector<1x16xi32>
    tpu.vector_store %arg2[%swap3A, %swap3A_123], %broadcast_in_dim3A_122 {strides = array<i32>} : memref<1x16xi32, #tpu.memory_space<vmem>>, vector<1x16xi32>,
    %broadcast_in_dim3A_125 = vector.broadcast %sub3A_121 : i32 to vector<1x128xi32>
    %swap3A_126 = arith.constant 0 : index
    %swap3A_127 = arith.constant 0 : index
    %swap3A_128 = vector.load %arg3[%swap3A_126, %swap3A_127] : memref<1x128xi32, #tpu.memory_space<vmem>>, vector<1x128xi32>
    tpu.vector_store %arg3[%swap3A_126, %swap3A_127], %broadcast_in_dim3A_125 {strides = array<i32>} : memref<1x128xi32, #tpu.memory_space<vmem>>, vector<1x128xi32>,
    %broadcast_in_dim3A_129 = vector.broadcast %reduce_sum3A_120 : f32 to vector<1x128xf32>
    %swap3A_130 = arith.constant 0 : index
    %swap3A_131 = arith.constant 0 : index
    %swap3A_132 = vector.load %arg4[%swap3A_130, %swap3A_131] : memref<1x128xf32, #tpu.memory_space<vmem>>, vector<1x128xf32>
    tpu.vector_store %arg4[%swap3A_130, %swap3A_131], %broadcast_in_dim3A_129 {strides = array<i32>} : memref<1x128xf32, #tpu.memory_space<vmem>>, vector<1x128xf32>,
    return
  }
}

</mosaic_0001>

<sc_bundles>
// kernel: kernel.11.cloned.1.call-start
scs
__scs_entry_jumppad:
0x0: {  	(pc) =	sbr.rel $0x88, $3  }
0x1: {  	(tag) =	ssettag $0x0;
	lr =	simm.s32 $0x1  }
0x2: {  	[smem:$0x3F9E] =	sst lr;
	_ =	strace $0xD0000000  }
0x3: {  	_ = 	snop  }
0x4: {  	_ = 	snop  }
0x5: {  	_ = 	snop  }
0x6: {  	_ = 	snop  }
0x7: {  	_ = 	snop  }
__scs_overlays_trampoline_lowered:
0x8: {  	[smem:$0x3FAD] =	sst s0  }
0x9: {  	[smem:$0x3FAE] =	sst s1  }
0xa: {  	[smem:$0x3FAF] =	sst s2  }
0xb: {  	[smem:$0x3FB0] =	sst s3  }
0xc: {  	[smem:$0x3FB1] =	sst s4  }
0xd: {  	[smem:$0x3FB2] =	sst s5  }
0xe: {  	[smem:$0x3FB3] =	sst s6  }
0xf: {  	[smem:$0x3FB4] =	sst s7  }
0x10: {  	[smem:$0x3FB5] =	sst s8  }
0x11: {  	[smem:$0x3FB6] =	sst s9;
	s0 =	simm.s32 @!p0 $0x0  }
0x12: {  	s1 =	sld [smem:$0x3F9C];
	s0 =	simm.s32 @p0 $0x1  }
0x13: {  	[smem:$0x3FB7] =	sst s0;
	s0 =	simm.s32 @!p1 $0x0  }
0x14: {  	s2 =	sld [smem:$0x3F9B];
	s0 =	simm.s32 @p1 $0x1  }
0x15: {  	[smem:$0x3FB8] =	sst s0;
	s0 =	simm.s32 @!p2 $0x0  }
0x16: {  	s3 =	sld [smem:$0x3FDB];
	s0 =	simm.s32 @p2 $0x1  }
0x17: {  	s4 =	simm.s32 $0x1BF5;
	[smem:$0x3FBA] =	sst s0  }
0x18: {  	s0 =	sld [smem:$0x3F9D];
	_ =	swait.ge [sflag:s4], $0x0  }
0x19: {  	s7 =	sld [smem:$0x3F9E]  }
0x1a: {  	s8 =	sadd.s32 $0xFFFFE003, lr  }
0x1b: {  	s9 =	sadd.s32 $0xFFFFFEF7, lr;
	s5 =	simm.s32 $0xFFFFFFFF;
	p2 =	slt.u32 s8, $0xFFFFF086  }
0x1c: {  	p1 =	slt.u32 s9, $0xF7A;
	s5 =	simm.s32 @!p2 $0x0  }
0x1d: {  	s5 =	simm.s32 @p1 $0x1;
	p0 =	seq.s32 s7, s2  }
0x1e: {  	s7 =	smul.u32 @!p0 $0xF7A, s2;
	p2 =	seq.s32 @!p0 s5, $0x0  }
0x1f: {  	s9 =	smul.u32 $0xF7A, s1;
	s8 =	simm.s32 @!p0 $0x1BF5;
	p2 =	por !p2, p0  }
0x20: {  	[sflag:s8] =	ssyncset.s32 @!p0 $0xFFFFF086;
	s6 =	sadd.s32 @!p0 s3, s7;
	s7 =	simm.s32 @!p0 $0x108  }
0x21: {  	s3 =	sadd.s32 s3, s9;
	s6 =	sadd.s32 @!p0 $0x88, s6;
	s7 =	simm.s32 @p2 $0x1082  }
0x22: {  	[simem:s7], [sflag:s8] =	dma.local @!p0 [hbm:s6], $0xF7A  }
0x23: {  	s9 =	sor.u32 $0xD0000000, s2;
	s6 =	simm.s32 $0x108;
	_ =	swait.ge @!p0 [sflag:s8], $0x0  }
0x24: {  	s3 =	sadd.s32 $0x88, s3;
	s6 =	simm.s32 @!p1 $0x1082;
	[sflag:s4] =	ssyncset.s32 $0xFFFFF086  }
0x25: {  	[simem:s6], [sflag:s4] =	dma.local [hbm:s3], $0xF7A  }
0x26: {  	[smem:$0x3F9E] =	sst s1;
	(tag) =	ssettag s2;
	_ =	strace s9  }
0x27: {  	s1 =	sld [smem:$0x3FAE]  }
0x28: {  	s2 =	sld [smem:$0x3FAF]  }
0x29: {  	s4 =	sld [smem:$0x3FB1]  }
0x2a: {  	p0 =	seq.s32 s5, $0x0;
	s5 =	sld [smem:$0x3FB2]  }
0x2b: {  	s6 =	sld [smem:$0x3FB3]  }
0x2c: {  	s7 =	sld [smem:$0x3FB4]  }
0x2d: {  	s3 =	simm.s32 $0x108;
	s8 =	sld [smem:$0x3FB5]  }
0x2e: {  	s3 =	simm.s32 @!p0 $0x1082;
	s9 =	sld [smem:$0x3FB6]  }
0x2f: {  	lr =	sadd.s32 s0, s3;
	s0 =	sld [smem:$0x3FAD]  }
0x30: {  	s3 =	sld [smem:$0x3FB0]  }
0x31: {  	[smem:$0x3FB9] =	sst s10  }
0x32: {  	s10 =	sld [smem:$0x3FB7];
	_ =	sdelay $0x3  }
0x33: {  	p0 =	seq.s32 s10, $0x1;
	s10 =	sld [smem:$0x3FB9];
	_ =	sdelay $0x3  }
0x34: {  	[smem:$0x3FB9] =	sst s10  }
0x35: {  	s10 =	sld [smem:$0x3FB8];
	_ =	sdelay $0x3  }
0x36: {  	p1 =	seq.s32 s10, $0x1;
	s10 =	sld [smem:$0x3FB9];
	_ =	sdelay $0x3  }
0x37: {  	[smem:$0x3FB9] =	sst s10  }
0x38: {  	s10 =	sld [smem:$0x3FBA]  }
0x39: {  	_ = 	snop;
	(pc) =	sbr.ind lr, $3  }
0x3a: {  	_ = 	snop  }
0x3b: {  	_ = 	snop  }
0x3c: {  	p2 =	seq.s32 s10, $0x1;
	s10 =	sld [smem:$0x3FB9]  }
0x3d: {  	_ =	shalt  }
0x3e: {  	_ =	shalt  }
0x3f: {  	_ =	shalt  }
0x40: {  	_ =	shalt  }
0x41: {  	_ =	shalt  }
0x42: {  	_ =	shalt  }
0x43: {  	_ =	shalt  }
0x44: {  	_ =	shalt  }
0x45: {  	_ =	shalt  }
0x46: {  	_ =	shalt  }
0x47: {  	_ =	shalt  }
0x48: {  	_ =	shalt  }
0x49: {  	_ =	shalt  }
0x4a: {  	_ =	shalt  }
0x4b: {  	_ =	shalt  }
0x4c: {  	_ =	shalt  }
0x4d: {  	_ =	shalt  }
0x4e: {  	_ =	shalt  }
0x4f: {  	_ =	shalt  }
0x50: {  	_ =	shalt  }
0x51: {  	_ =	shalt  }
0x52: {  	_ =	shalt  }
0x53: {  	_ =	shalt  }
0x54: {  	_ =	shalt  }
0x55: {  	_ =	shalt  }
0x56: {  	_ =	shalt  }
0x57: {  	_ =	shalt  }
0x58: {  	_ =	shalt  }
0x59: {  	_ =	shalt  }
0x5a: {  	_ =	shalt  }
0x5b: {  	_ =	shalt  }
0x5c: {  	_ =	shalt  }
0x5d: {  	_ =	shalt  }
0x5e: {  	_ =	shalt  }
0x5f: {  	_ =	shalt  }
0x60: {  	_ =	shalt  }
0x61: {  	_ =	shalt  }
0x62: {  	_ =	shalt  }
0x63: {  	_ =	shalt  }
0x64: {  	_ =	shalt  }
0x65: {  	_ =	shalt  }
0x66: {  	_ =	shalt  }
0x67: {  	_ =	shalt  }
0x68: {  	_ =	shalt  }
0x69: {  	_ =	shalt  }
0x6a: {  	_ =	shalt  }
0x6b: {  	_ =	shalt  }
0x6c: {  	_ =	shalt  }
0x6d: {  	_ =	shalt  }
0x6e: {  	_ =	shalt  }
0x6f: {  	_ =	shalt  }
0x70: {  	_ =	shalt  }
0x71: {  	_ =	shalt  }
0x72: {  	_ =	shalt  }
0x73: {  	_ =	shalt  }
0x74: {  	_ =	shalt  }
0x75: {  	_ =	shalt  }
0x76: {  	_ =	shalt  }
0x77: {  	_ =	shalt  }
0x78: {  	_ =	shalt  }
0x79: {  	_ =	shalt  }
0x7a: {  	_ =	shalt  }
0x7b: {  	_ =	shalt  }
0x7c: {  	_ =	shalt  }
0x7d: {  	_ =	shalt  }
0x7e: {  	_ =	shalt  }
0x7f: {  	_ =	shalt  }
0x80: {  	_ =	shalt  }
0x81: {  	_ =	shalt  }
0x82: {  	_ =	shalt  }
0x83: {  	_ =	shalt  }
0x84: {  	_ =	shalt  }
0x85: {  	_ =	shalt  }
0x86: {  	_ =	shalt  }
0x87: {  	_ =	shalt  }
.Lfunc_end0:
.L_simem_size_0:
called_computation.1_lowered:
.L_overlay_start_0:
0x88: {  	s2 =	sld [smem:$0x3FD9]  }
0x89: {  	s3 =	sld [smem:$0x3FFE];
	_ =	sdelay $0x1  }
0x8a: {  	s1 =	srdreg.scid  }
0x8b: {  	s0 =	sand.u32 $0x1, s1  }
0x8c: {  	s17 =	sshll.u32 s0, $0xA;
	s2 =	sadd.s32 s3, s2  }
0x8d: {  	s2 =	sadd.s32 s2, s17  }
0x8e: {  	[smem:$0x3FC5] =	sst s2  }
0x8f: {  	_ = 	snop  }
0x90: {  	s2 =	sld [smem:$0x3FD0];
	(tm) =	ssettm $0x1  }
0x91: {  	s18 =	sld [smem:$0x3FFB];
	_ =	sdelay $0x3  }
0x92: {  	_ =	strace s18  }
0x93: {  	s3 =	sld [smem:$0x3FFC];
	_ =	sdelay $0x3  }
0x94: {  	_ =	strace s3  }
0x95: {  	s3 =	sld [smem:$0x3FFD];
	_ =	sdelay $0x3  }
0x96: {  	_ =	strace s3  }
0x97: {  	_ =	strace $0x8FFFFFFF  }
0x98: {  	s19 =	sld [smem:$0x3FDB];
	_ =	sdelay $0x1  }
0x99: {  	s4 =	simm.s32 $_scs_section_size  }
0x9a: {  	s5 =	simm.s32 $_size__tile_overlayer_lowered;
	s6 =	simm.s32 $_tile_overlayer_lowered  }
0x9b: {  	s22 =	simm.s32 $0x1BFF;
	s21 =	sshll.u32 s6, $0x1;
	s3 =	sadd.s32 s4, s19  }
0x9c: {  	s7 =	simm.s32 $0x0;
	s20 =	sshll.u32 s5, $0x1;
	s5 =	sadd.s32 s21, s3  }
0x9d: {  	[timem:s7], [sflag:s22] =	dma.local [hbm:s5], s20  }
0x9e: {  	_ =	swait.ge [sflag:s22], s20  }
0x9f: {  	s4 =	ssub.s32 $0x0, s20;
	[sflag:s22] =	ssyncset.done $0x0  }
0xa0: {  	[sflag:s22] =	ssyncadd.s32 s4;
	_ =	sdelay $0x1  }
0xa1: {  	s23 =	simm.s32 $0x1B8B  }
0xa2: {  	_ =	swait.ge [sflag:s23], $0x1  }
0xa3: {  	[sflag:s23] =	ssyncset.done $0x0  }
0xa4: {  	s25 =	simm.s32 $0x1B8E;
	s24 =	sld [smem:$0x3FFE];
	[sflag:s23] =	ssyncadd.s32 $0xFFFFFFFF  }
0xa5: {  	s26 =	simm.s32 $execute0_lowered;
	[smem:$0x3FD2] =	sst s25  }
0xa6: {  	s5 =	sshll.u32 s26, $0x1;
	_ =	strace $0x80000049;
	[dreg:$0x1] =	wrdreg $0xFFFFFFFF  }
0xa7: {  	s28 =	simm.s32 $_size_execute0_lowered;
	s3 =	sadd.s32 s3, s5;
	[dreg:$0x0] =	wrdreg $0x0  }
0xa8: {  	s5 =	sshll.u32 s28, $0x1;
	[dreg:$0x2] =	wrdreg s3  }
0xa9: {  	[dreg:$0x3] =	wrdreg s5  }
0xaa: {  	[dreg:$0x4] =	wrdreg $0xC0  }
0xab: {  	_ =	task [dreg:s7], $0x5FFFF  }
0xac: {  	[dreg:$0x1] =	wrdreg $0xFFFFFFFF  }
0xad: {  	[dreg:$0x0] =	wrdreg $0x60  }
0xae: {  	[dreg:$0x2] =	wrdreg s24  }
0xaf: {  	[dreg:$0x3] =	wrdreg s2  }
0xb0: {  	[dreg:$0x4] =	wrdreg $0x9  }
0xb1: {  	_ =	task.clear_ibuf [dreg:s7], $0x5FFFF;
	_ =	strace $0x90000049  }
0xb2: {  	s29 =	simm.s32 $0x9;
	_ =	strace $0x8000004B  }
0xb3: {  	_ =	swait.ge [sflag:s29], $0x1  }
0xb4: {  	[sflag:s29] =	ssyncadd.s32 $0xFFFFFFFF  }
0xb5: {  	_ =	strace $0x9000004B  }
0xb6: {  	_ =	sfence  }
0xb7: {  	s30 =	sld [smem:$0x0];
	_ =	sdelay $0x2  }
0xb8: {  	s31 =	sshll.u32 s1, $0xD;
	s1 =	sshrl.u32 s1, $0x2  }
0xb9: {  	s3 =	sand.u32 $0x4000, s31;
	s1 =	sadd.s32 s1, s30  }
0xba: {  	s0 =	sor.u32 s3, s0;
	s1 =	sshll.u32 s1, $0x11  }
0xbb: {  	s0 =	sor.u32 s1, s0  }
0xbc: {  	s0 =	sadd.s32 $0x8F2B, s0  }
0xbd: {  	[sflag:s0] =	ssyncadd.remote.s32 $0x1  }
0xbe: {  	_ =	sfence.sel $0xFFFF  }
0xbf: {  	[dreg:$0x0] =	wrdreg $0xFFFFFFFF;
	(pc) =	sbr.abs _section_cstart, $3  }
0xc0: {  	[dreg:$0x1] =	wrdreg $0xFFFFFFFF  }
0xc1: {  	_ =	task.clear_ibuf [dreg:s7], $0x2FFFF;
	_ =	strace $0x9FFFFFFF  }
0xc2: {  	(tm) =	ssettm $0x7FFFFFFF  }
0xc3: {  	_ =	shalt  }
tec
execute0_lowered:
.L_overlay_start_1:
0x0: {  	(tag) =	ssettag $0x1  }
0x1: {  	s0 =	rddreg [dreg:$0x0]  }
0x2: {  	s1 =	srdreg.scid;
	s4 =	stileid.u32  }
0x3: {  	s3 =	simm.s32 $0x0;
	s16 =	simm.s32 $0x2;
	s17 =	simm.s32 $0x80  }
0x4: {  	s18 =	simm.s32 $0x400;
	s21 =	simm.s32 $0x3000;
	s22 =	simm.s32 $0x4000  }
0x5: {  	s23 =	simm.s32 $0x5000;
	s24 =	simm.s32 $0x6000;
	s25 =	simm.s32 $0x7000  }
0x6: {  	s28 =	simm.s32 $0x8080;
	s29 =	simm.s32 $0xC100;
	s30 =	simm.s32 $0x10180  }
0x7: {  	s31 =	simm.s32 $0x10580;
	s1 =	sand.u32 $0x1, s1;
	s2 =	sshll.u32 s4, $0x8  }
0x8: {  	s4 =	sshrl.u32 s4, $0x2;
	[smem:$0x7FF] =	sst s3;
	s5 =	sshll.u32 s1, $0x7  }
0x9: {  	s2 =	sand.u32 $0x300, s2;
	s6 =	sshll.u32 s4, $0x12;
	_ =	strace $0x8000004A  }
0xa: {  	s4 =	sshll.u32 s4, $0xD;
	s1 =	ssub.s32 $0x2, s1;
	s2 =	sor.u32 s5, s2  }
0xb: {  	s26 =	sshrl.u32 s1, $0x1;
	s5 =	sor.u32 s6, s2;
	s2 =	sor.u32 s4, s2  }
0xc: {  	s1 =	ssub.s32 s1, s26;
	s26 =	simm.s32 $0x1;
	s5 =	sshrl.u32 s5, $0x3  }
0xd: {  	s2 =	sshrl.u32 s2, $0x3;
	s14 =	smax.u32 s1, $0x1;
	s11 =	sadd.s32 s5, s0  }
0xe: {  	s0 =	sadd.s32 s2, s0;
	s4 =	sadd.s32 $0x4A00, s11;
	s5 =	sadd.s32 $0x5A00, s11  }
0xf: {  	s6 =	sadd.s32 $0x6A00, s11;
	s7 =	sadd.s32 $0x7A00, s11;
	s8 =	sadd.s32 $0x8A00, s11  }
0x10: {  	v0 =	vimm.s32 $0x0;
	v2 =	vlaneseq.u32;
	s9 =	sadd.s32 $0x9A00, s11;
	s10 =	sadd.s32 $0xAA00, s11;
	s11 =	sadd.s32 $0xBA00, s11  }
0x11: {  	v1 =	vimm.f32 $0.0e+00;
	v3 =	vimm.s32 $0x1;
	v2 =	vmul.u32 $0x401, v2;
	s12 =	sadd.s32 $0x2A00, s0;
	s13 =	sadd.s32 $0x3A00, s0;
	s0 =	simm.s32 $0x0  }
.LBB2_1:
0x12: {  	s1 =	rddreg [dreg:$0x1];
	s2 =	simm.s32 $0x8000  }
0x13: {  	[tilespmem:s2], [sflag:$0x2] =	stream.linear.gather [hbm4b:s1+s3], $0x80, $0x38;
	[tilespmem:$0x10980] =	vst v63  }
0x14: {  	_ =	swait.ge [sflag:s16], $0x80  }
0x15: {  	[sflag:s16] =	ssyncset.done $0x0  }
0x16: {  	[sflag:s16] =	ssyncadd.s32 $0xFFFFFF80  }
0x17: {  	[tilespmem:s3], [sflag:$0x1] =	stream.strided.gather [hbm4b:s4+s17], $0x1000, s18, s17, $0x38;
	[tilespmem:$0x10980] =	vst v63  }
0x18: {  	s15 =	simm.s32 $0x1000  }
0x19: {  	[tilespmem:s15], [sflag:$0x1] =	stream.strided.gather [hbm4b:s5+s17], $0x1000, s18, s17, $0x38;
	[tilespmem:$0x10980] =	vst v63  }
0x1a: {  	s19 =	simm.s32 $0x2000  }
0x1b: {  	[tilespmem:s19], [sflag:$0x1] =	stream.strided.gather [hbm4b:s6+s17], $0x1000, s18, s17, $0x38;
	[tilespmem:$0x10980] =	vst v63  }
0x1c: {  	_ = 	snop  }
0x1d: {  	[tilespmem:s21], [sflag:$0x1] =	stream.strided.gather [hbm4b:s7+s17], $0x1000, s18, s17, $0x38;
	[tilespmem:$0x10980] =	vst v63  }
0x1e: {  	_ = 	snop  }
0x1f: {  	[tilespmem:s22], [sflag:$0x1] =	stream.strided.gather [hbm4b:s8+s17], $0x1000, s18, s17, $0x38;
	[tilespmem:$0x10980] =	vst v63  }
0x20: {  	_ = 	snop  }
0x21: {  	[tilespmem:s23], [sflag:$0x1] =	stream.strided.gather [hbm4b:s9+s17], $0x1000, s18, s17, $0x38;
	[tilespmem:$0x10980] =	vst v63  }
0x22: {  	_ = 	snop  }
0x23: {  	[tilespmem:s24], [sflag:$0x1] =	stream.strided.gather [hbm4b:s10+s17], $0x1000, s18, s17, $0x38;
	[tilespmem:$0x10980] =	vst v63  }
0x24: {  	s20 =	simm.s32 $0x80A0  }
0x25: {  	[tilespmem:s25], [sflag:$0x1] =	stream.strided.gather [hbm4b:s11+s17], $0x1000, s18, s17, $0x38;
	[tilespmem:$0x10980] =	vst v63  }
0x26: {  	v4 =	vld [tilespmem:$0x8000];
	[tilespmem:s20+$0xFFFFFFF0] =	vst v0  }
0x27: {  	[tilespmem:s20+$0x0] =	vst v0  }
0x28: {  	[tilespmem:s20+$0x10] =	vst v0  }
0x29: {  	s1 =	simm.s32 $0xC120;
	[tilespmem:s20+$0xFFFFFFE0] =	vst v0  }
0x2a: {  	[tilespmem:s1+$0xFFFFFFF0] =	vst v1  }
0x2b: {  	[tilespmem:s1+$0x0] =	vst v1  }
0x2c: {  	[tilespmem:s1+$0x10] =	vst v1  }
0x2d: {  	s2 =	simm.s32 $0x0;
	s15 =	simm.s32 $0x80E0;
	[tilespmem:s1+$0xFFFFFFE0] =	vst v1  }
.LBB2_2:
0x2e: {  	[tilespmem:s15+$0xFFFFFFF0] =	vst v0;
	s1 =	sadd.s32 $0x40, s1  }
0x2f: {  	s2 =	sadd.s32 $0x40, s2;
	[tilespmem:s1+$0xFFFFFFF0] =	vst v1  }
0x30: {  	p0 =	slt.u32 s2, $0x3FC0;
	[tilespmem:s15+$0x0] =	vst v0  }
.Ltmp0:
0x31: {  	[tilespmem:s1+$0x0] =	vst v1;
	(pc) =	sbr.rel @p0 .LBB2_2-.Ltmp0, $4  }
0x32: {  	[tilespmem:s15+$0x10] =	vst v0  }
0x33: {  	[tilespmem:s1+$0x10] =	vst v1  }
0x34: {  	[tilespmem:s15+$0xFFFFFFE0] =	vst v0  }
0x35: {  	s15 =	sadd.s32 $0x40, s15;
	[tilespmem:s1+$0xFFFFFFE0] =	vst v1  }
0x36: {  	[tilespmem:$0xC080] =	vst v0  }
0x37: {  	[tilespmem:$0x10100] =	vst v1;
	s1 =	simm.s32 $0x0;
	s2 =	simm.s32 $0x40  }
.LBB2_4:
0x38: {  	_ =	swait.ge [sflag:s26], $0x1000  }
0x39: {  	[sflag:s26] =	ssyncset.done $0x0  }
0x3a: {  	[sflag:s26] =	ssyncadd.s32 $0xFFFFF000  }
0x3b: {  	v7 =	vld [tilespmem:s2+$0x20]  }
0x3c: {  	v5 =	vld [tilespmem:s2+$0xFFFFFFD0]  }
0x3d: {  	v6 =	vld [tilespmem:s2+$0xFFFFFFE0]  }
0x3e: {  	v9 =	vld [tilespmem:s2+$0xFFFFFFF0]  }
0x3f: {  	v11 =	vld [tilespmem:s2+$0x10];
	_ =	sdelay $0x2  }
0x40: {  	v12 =	vshrl.u32 v7, $0xB  }
0x41: {  	s19 =	sshll.u32 s1, $0xC;
	v10 =	vshrl.u32 v9, $0xB;
	v8 =	vshrl.u32 v6, $0xB;
	v13 =	vshra.s32 v9, $0x15  }
0x42: {  	s15 =	sadd.s32 $0x1000, s19;
	s19 =	sadd.s32 $0x80, s19;
	v14 =	vshra.s32 v5, $0x15;
	v15 =	vshrl.u32 v11, $0xB;
	v16 =	vshrl.u32 v5, $0xB  }
0x43: {  	p0 =	slt.u32 s19, s15;
	v17 =	vshra.s32 v6, $0x15;
	v18 =	vshra.s32 v7, $0x15;
	vm0 =	veq.s32 v14, v4  }
.Ltmp1:
0x44: {  	v14 =	vshra.s32 v11, $0x15;
	v16 =	vand.u32 $0x3FF, v16;
	v19 =	vand.u32 $0x3FF, v10;
	(pc) =	sbr.rel @!p0 .LBB2_6-.Ltmp1, $4  }
0x45: {  	vm4 =	veq.s32 v14, v4;
	v10 =	vadd.s32 v2, v16;
	v16 =	vand.u32 $0x3FF, v15  }
0x46: {  	v8 =	vand.u32 $0x3FF, v8;
	vm1 =	veq.s32 v17, v4;
	v14 =	vld [tilespmem:s2+$0xFFFFFFC0];
	v17 =	vadd.s32 v2, v16  }
0x47: {  	vm2 =	veq.s32 v13, v4;
	v13 =	vld [tilespmem:s2+$0x30];
	v15 =	vadd.s32 v2, v19;
	v19 =	vand.u32 $0x3FF, v12  }
0x48: {  	s20 =	sadd.s32 $0x80, s2;
	vm3 =	veq.s32 v18, v4;
	v8 =	vadd.s32 v2, v8;
	v12 =	vld [tilespmem:s2+$0x0];
	v16 =	vadd.s32 v2, v19  }
.LBB2_5:
0x49: {  	v18 =	vld [tilespmem:s20+$0x20];
	s19 =	sadd.s32 $0x80, s19  }
0x4a: {  	v19 =	vld [tilespmem:s20+$0xFFFFFFD0];
	p0 =	slt.u32 s19, s15  }
0x4b: {  	v20 =	vshra.s32 v14, $0x15;
	v21 =	vshrl.u32 v14, $0xB;
	[tilespmem:v17+s28+$0x0] =	vst.idx.add.s32.msk vm4, v3  }
0x4c: {  	vm5 =	veq.s32 v20, v4;
	[tilespmem:v17+s29+$0x0] =	vst.idx.add.f32.msk vm4, v11;
	v11 =	vshra.s32 v13, $0x15;
	v17 =	vshrl.u32 v13, $0xB  }
0x4d: {  	v20 =	vand.u32 $0x3FF, v21;
	[tilespmem:v15+s28+$0x0] =	vst.idx.add.s32.msk vm2, v3;
	vm4 =	veq.s32 v11, v4;
	v11 =	vand.u32 $0x3FF, v17  }
0x4e: {  	v17 =	vadd.s32 v2, v20;
	[tilespmem:v15+s29+$0x0] =	vst.idx.add.f32.msk vm2, v9;
	v15 =	vshra.s32 v12, $0x15;
	v20 =	vadd.s32 v2, v11  }
0x4f: {  	v21 =	vshrl.u32 v18, $0xB;
	v9 =	vshrl.u32 v12, $0xB;
	[tilespmem:v16+s28+$0x0] =	vst.idx.add.s32.msk vm3, v3  }
0x50: {  	v22 =	vand.u32 $0x3FF, v9;
	[tilespmem:v16+s29+$0x0] =	vst.idx.add.f32.msk vm3, v7;
	v7 =	vmov v18  }
0x51: {  	v16 =	vld [tilespmem:s20+$0xFFFFFFE0]  }
0x52: {  	v9 =	vld [tilespmem:s20+$0xFFFFFFF0]  }
0x53: {  	[tilespmem:v10+s28+$0x0] =	vst.idx.add.s32.msk vm0, v3  }
0x54: {  	vm2 =	veq.s32 v15, v4;
	v11 =	vld [tilespmem:s20+$0x10]  }
0x55: {  	v15 =	vadd.s32 v2, v22;
	[tilespmem:v17+s28+$0x0] =	vst.idx.add.s32.msk vm5, v3  }
0x56: {  	[tilespmem:v17+s29+$0x0] =	vst.idx.add.f32.msk vm5, v14  }
0x57: {  	v14 =	vshrl.u32 v9, $0xB;
	[tilespmem:v10+s29+$0x0] =	vst.idx.add.f32.msk vm0, v5;
	v5 =	vmov v19  }
0x58: {  	v10 =	vshrl.u32 v16, $0xB;
	v17 =	vshra.s32 v9, $0x15;
	[tilespmem:v20+s28+$0x0] =	vst.idx.add.s32.msk vm4, v3  }
0x59: {  	v18 =	vshra.s32 v5, $0x15;
	v10 =	vand.u32 $0x3FF, v10;
	v19 =	vshrl.u32 v11, $0xB;
	[tilespmem:v20+s29+$0x0] =	vst.idx.add.f32.msk vm4, v13  }
0x5a: {  	vm0 =	veq.s32 v18, v4;
	v18 =	vadd.s32 v2, v10;
	v10 =	vshra.s32 v11, $0x15;
	[tilespmem:v15+s28+$0x0] =	vst.idx.add.s32.msk vm2, v3  }
0x5b: {  	v22 =	vshra.s32 v7, $0x15;
	v13 =	vshrl.u32 v5, $0xB;
	v20 =	vshra.s32 v16, $0x15;
	[tilespmem:v15+s29+$0x0] =	vst.idx.add.f32.msk vm2, v12  }
.Ltmp2:
0x5c: {  	vm4 =	veq.s32 v10, v4;
	v12 =	vand.u32 $0x3FF, v13;
	v13 =	vand.u32 $0x3FF, v14;
	[tilespmem:v8+s28+$0x0] =	vst.idx.add.s32.msk vm1, v3;
	(pc) =	sbr.rel @p0 .LBB2_5-.Ltmp2, $4  }
0x5d: {  	vm2 =	veq.s32 v17, v4;
	v10 =	vadd.s32 v2, v12;
	v12 =	vand.u32 $0x3FF, v19;
	[tilespmem:v8+s29+$0x0] =	vst.idx.add.f32.msk vm1, v6  }
0x5e: {  	v15 =	vadd.s32 v2, v13;
	vm1 =	veq.s32 v20, v4;
	v17 =	vadd.s32 v2, v12;
	v6 =	vmovc v16;
	v14 =	vld [tilespmem:s20+$0xFFFFFFC0]  }
0x5f: {  	vm3 =	veq.s32 v22, v4;
	v16 =	vand.u32 $0x3FF, v21;
	v8 =	vmov v18;
	v13 =	vld [tilespmem:s20+$0x30]  }
0x60: {  	v16 =	vadd.s32 v2, v16;
	v12 =	vld [tilespmem:s20+$0x0];
	s20 =	sadd.s32 $0x80, s20  }
.LBB2_6:
0x61: {  	_ =	sdelay $0x4  }
0x62: {  	[tilespmem:v17+s28+$0x0] =	vst.idx.add.s32.msk vm4, v3  }
0x63: {  	[tilespmem:v15+s28+$0x0] =	vst.idx.add.s32.msk vm2, v3  }
0x64: {  	[tilespmem:v16+s28+$0x0] =	vst.idx.add.s32.msk vm3, v3  }
0x65: {  	[tilespmem:v10+s28+$0x0] =	vst.idx.add.s32.msk vm0, v3;
	v18 =	vshra.s32 v14, $0x15;
	v19 =	vshrl.u32 v14, $0xB  }
0x66: {  	[tilespmem:v8+s28+$0x0] =	vst.idx.add.s32.msk vm1, v3;
	vm5 =	veq.s32 v18, v4;
	v58 =	vand.u32 $0x3FF, v19  }
0x67: {  	[tilespmem:v17+s29+$0x0] =	vst.idx.add.f32.msk vm4, v11;
	v59 =	vshra.s32 v13, $0x15;
	v60 =	vshrl.u32 v13, $0xB;
	v11 =	vadd.s32 v2, v58  }
0x68: {  	[tilespmem:v15+s29+$0x0] =	vst.idx.add.f32.msk vm2, v9;
	vm14 =	veq.s32 v59, v4;
	v61 =	vand.u32 $0x3FF, v60  }
0x69: {  	[tilespmem:v16+s29+$0x0] =	vst.idx.add.f32.msk vm3, v7;
	v62 =	vshra.s32 v12, $0x15;
	v63 =	vshrl.u32 v12, $0xB;
	v9 =	vadd.s32 v2, v61  }
0x6a: {  	[tilespmem:v10+s29+$0x0] =	vst.idx.add.f32.msk vm0, v5;
	v7 =	vand.u32 $0x3FF, v63;
	vm15 =	veq.s32 v62, v4  }
0x6b: {  	s1 =	sadd.s32 $0x1, s1;
	[tilespmem:v8+s29+$0x0] =	vst.idx.add.f32.msk vm1, v6;
	v7 =	vadd.s32 v2, v7  }
0x6c: {  	p0 =	seq.s32 s1, $0x8;
	[tilespmem:v11+s28+$0x0] =	vst.idx.add.s32.msk vm5, v3  }
.Ltmp3:
0x6d: {  	[tilespmem:v11+s29+$0x0] =	vst.idx.add.f32.msk vm5, v14;
	(pc) =	sbr.rel @!p0 .LBB2_4-.Ltmp3, $4  }
0x6e: {  	[tilespmem:v9+s28+$0x0] =	vst.idx.add.s32.msk vm14, v3  }
0x6f: {  	[tilespmem:v9+s29+$0x0] =	vst.idx.add.f32.msk vm14, v13  }
0x70: {  	[tilespmem:v7+s28+$0x0] =	vst.idx.add.s32.msk vm15, v3  }
0x71: {  	s2 =	sadd.s32 $0x1000, s2;
	[tilespmem:v7+s29+$0x0] =	vst.idx.add.f32.msk vm15, v12  }
0x72: {  	s20 =	simm.s32 $0xA088  }
0x73: {  	v5 =	vld [tilespmem:s20+$0x1C17]  }
0x74: {  	s15 =	simm.s32 $0xE108;
	v4 =	vld [tilespmem:s20+$0x1415]  }
0x75: {  	v6 =	vld [tilespmem:s15+$0xFFFFE008]  }
0x76: {  	v7 =	vld [tilespmem:s15+$0xFFFFE409]  }
0x77: {  	v8 =	vld [tilespmem:s20+$0xC13]  }
0x78: {  	v9 =	vld [tilespmem:s15+$0xFFFFE80A]  }
0x79: {  	v10 =	vld [tilespmem:s20+$0x411]  }
0x7a: {  	v11 =	vld [tilespmem:s15+$0xFFFFEC0B]  }
0x7b: {  	v12 =	vld [tilespmem:s20+$0xFFFFFC0F]  }
0x7c: {  	v13 =	vld [tilespmem:s15+$0xFFFFF00C]  }
0x7d: {  	v14 =	vld [tilespmem:s20+$0xFFFFF40D]  }
0x7e: {  	v15 =	vld [tilespmem:s15+$0xFFFFF40D]  }
0x7f: {  	v16 =	vld [tilespmem:s20+$0xFFFFEC0B]  }
0x80: {  	v17 =	vld [tilespmem:s15+$0xFFFFF80E]  }
0x81: {  	v18 =	vld [tilespmem:s20+$0xFFFFE008]  }
0x82: {  	v19 =	vld [tilespmem:s15+$0xFFFFFC0F]  }
0x83: {  	v20 =	vld [tilespmem:s20+$0xFFFFE409]  }
0x84: {  	v21 =	vld [tilespmem:s15+$0x10]  }
0x85: {  	v22 =	vld [tilespmem:s20+$0xFFFFE80A]  }
0x86: {  	v23 =	vld [tilespmem:s15+$0x411]  }
0x87: {  	v24 =	vld [tilespmem:s20+$0xFFFFF00C]  }
0x88: {  	v25 =	vld [tilespmem:s15+$0x812]  }
0x89: {  	v26 =	vld [tilespmem:s20+$0xFFFFF80E]  }
0x8a: {  	v27 =	vld [tilespmem:s15+$0xC13]  }
0x8b: {  	v28 =	vld [tilespmem:s20+$0x10]  }
0x8c: {  	v29 =	vld [tilespmem:s15+$0x1014]  }
0x8d: {  	v30 =	vld [tilespmem:s20+$0x812]  }
0x8e: {  	v31 =	vld [tilespmem:s15+$0x1415]  }
0x8f: {  	v32 =	vld [tilespmem:s20+$0x1014]  }
0x90: {  	v33 =	vld [tilespmem:s15+$0x1816]  }
0x91: {  	v34 =	vld [tilespmem:s20+$0x1816]  }
0x92: {  	v35 =	vld [tilespmem:s15+$0x1C17]  }
0x93: {  	v36 =	vld [tilespmem:s15+$0xFFFFE3F9]  }
0x94: {  	v6 =	vadd.f32 v7, v6;
	v7 =	vld [tilespmem:s15+$0xFFFFDFF8]  }
0x95: {  	v37 =	vld [tilespmem:s15+$0xFFFFEBFB]  }
0x96: {  	v6 =	vadd.f32 v9, v6;
	v9 =	vld [tilespmem:s15+$0xFFFFE7FA]  }
0x97: {  	v38 =	vld [tilespmem:s15+$0xFFFFF3FD]  }
0x98: {  	v46 =	vld [tilespmem:s15+$0xFFFFF7FE];
	v6 =	vadd.f32 v11, v6  }
0x99: {  	v47 =	vld [tilespmem:s15+$0xFFFFFBFF];
	v7 =	vadd.f32 v36, v7  }
0x9a: {  	v11 =	vld [tilespmem:s15+$0xFFFFEFFC];
	v6 =	vadd.f32 v13, v6  }
0x9b: {  	v48 =	vld [tilespmem:s15+$0x0];
	v7 =	vadd.f32 v9, v7  }
0x9c: {  	v49 =	vld [tilespmem:s20+$0xFFFFDFF8];
	v6 =	vadd.f32 v15, v6  }
0x9d: {  	v50 =	vld [tilespmem:s20+$0xFFFFE7FA];
	v7 =	vadd.f32 v37, v7  }
0x9e: {  	v51 =	vld [tilespmem:s15+$0x401];
	v6 =	vadd.f32 v17, v6  }
0x9f: {  	v52 =	vld [tilespmem:s20+$0xFFFFEFFC];
	v7 =	vadd.f32 v11, v7  }
0xa0: {  	v53 =	vld [tilespmem:s15+$0x802];
	v6 =	vadd.f32 v19, v6  }
0xa1: {  	v54 =	vld [tilespmem:s20+$0xFFFFF3FD];
	v18 =	vadd.s32 v18, v20;
	v7 =	vadd.f32 v38, v7  }
0xa2: {  	v18 =	vadd.s32 v22, v18;
	v9 =	vld [tilespmem:s20+$0xFFFFE3F9];
	v6 =	vadd.f32 v21, v6  }
0xa3: {  	v55 =	vld [tilespmem:s20+$0xFFFFF7FE];
	v16 =	vadd.s32 v16, v18;
	v7 =	vadd.f32 v46, v7  }
0xa4: {  	v16 =	vadd.s32 v24, v16;
	v11 =	vld [tilespmem:s20+$0xFFFFEBFB];
	v6 =	vadd.f32 v23, v6  }
0xa5: {  	v56 =	vld [tilespmem:s15+$0xC03];
	v14 =	vadd.s32 v14, v16;
	v7 =	vadd.f32 v47, v7  }
0xa6: {  	v57 =	vld [tilespmem:s20+$0xFFFFFBFF];
	v14 =	vadd.s32 v26, v14;
	v6 =	vadd.f32 v25, v6  }
0xa7: {  	v58 =	vld [tilespmem:s20+$0x0];
	v12 =	vadd.s32 v12, v14;
	v9 =	vadd.s32 v49, v9;
	v7 =	vadd.f32 v48, v7  }
0xa8: {  	v59 =	vld [tilespmem:s15+$0x1004];
	v12 =	vadd.s32 v28, v12;
	v9 =	vadd.s32 v50, v9;
	v6 =	vadd.f32 v27, v6  }
0xa9: {  	v60 =	vld [tilespmem:s20+$0x802];
	v10 =	vadd.s32 v10, v12;
	v9 =	vadd.s32 v11, v9;
	v7 =	vadd.f32 v51, v7  }
0xaa: {  	v10 =	vadd.s32 v30, v10;
	v11 =	vld [tilespmem:s20+$0x401];
	v9 =	vadd.s32 v52, v9;
	v6 =	vadd.f32 v29, v6  }
0xab: {  	v61 =	vld [tilespmem:s20+$0xC03];
	v8 =	vadd.s32 v8, v10;
	v9 =	vadd.s32 v54, v9;
	v7 =	vadd.f32 v53, v7  }
0xac: {  	v10 =	vld [tilespmem:s15+$0x1405];
	v8 =	vadd.s32 v32, v8;
	v9 =	vadd.s32 v55, v9;
	v6 =	vadd.f32 v31, v6  }
0xad: {  	v62 =	vld [tilespmem:s20+$0x1004];
	v4 =	vadd.s32 v4, v8;
	v8 =	vadd.s32 v57, v9;
	v7 =	vadd.f32 v56, v7  }
0xae: {  	v9 =	vadd.s32 v34, v4;
	v4 =	vld [tilespmem:s15+$0x1806];
	v8 =	vadd.s32 v58, v8;
	v6 =	vadd.f32 v33, v6  }
0xaf: {  	v9 =	vadd.s32 v5, v9;
	v5 =	vld [tilespmem:s20+$0x1405];
	v8 =	vadd.s32 v11, v8;
	v63 =	vadd.f32 v59, v7  }
0xb0: {  	s1 =	simm.s32 $0x10190;
	v8 =	vadd.s32 v60, v8;
	v11 =	vadd.f32 v35, v6;
	v6 =	vld [tilespmem:s20+$0x1806]  }
0xb1: {  	s2 =	simm.s32 $0x10590;
	[tilespmem:s1+$0x0] =	vst v9;
	v8 =	vadd.s32 v61, v8;
	v7 =	vld [tilespmem:s15+$0x1C07];
	v9 =	vadd.f32 v10, v63  }
0xb2: {  	s19 =	simm.s32 $0x0;
	v10 =	vadd.s32 v62, v8;
	v8 =	vld [tilespmem:s20+$0x1C07];
	s20 =	simm.s32 $0xA0A8;
	[tilespmem:s2+$0x0] =	vst v11  }
.LBB2_8:
0xb3: {  	v11 =	vld [tilespmem:s20+$0x1C17];
	v4 =	vadd.f32 v4, v9  }
0xb4: {  	s15 =	sadd.s32 $0x20, s15;
	v9 =	vld [tilespmem:s20+$0x1415];
	v5 =	vadd.s32 v5, v10  }
0xb5: {  	v10 =	vld [tilespmem:s15+$0xFFFFE008];
	v5 =	vadd.s32 v6, v5  }
0xb6: {  	s19 =	sadd.s32 $0x20, s19;
	v6 =	vld [tilespmem:s15+$0xFFFFE409];
	v4 =	vadd.f32 v7, v4  }
0xb7: {  	p0 =	slt.u32 s19, $0x3E0;
	v7 =	vld [tilespmem:s20+$0xC13];
	v5 =	vadd.s32 v8, v5  }
0xb8: {  	v8 =	vld [tilespmem:s15+$0xFFFFE80A];
	[tilespmem:s1+$0xFFFFFFF0] =	vst v5  }
0xb9: {  	v5 =	vld [tilespmem:s20+$0x411];
	[tilespmem:s2+$0xFFFFFFF0] =	vst v4  }
0xba: {  	v4 =	vld [tilespmem:s15+$0xFFFFEC0B]  }
0xbb: {  	v6 =	vadd.f32 v6, v10;
	v10 =	vld [tilespmem:s20+$0xFFFFFC0F]  }
0xbc: {  	v12 =	vld [tilespmem:s15+$0xFFFFF00C]  }
0xbd: {  	v6 =	vadd.f32 v8, v6;
	v8 =	vld [tilespmem:s20+$0xFFFFF40D]  }
0xbe: {  	v13 =	vld [tilespmem:s15+$0xFFFFF40D]  }
0xbf: {  	v14 =	vld [tilespmem:s20+$0xFFFFEC0B];
	v4 =	vadd.f32 v4, v6  }
0xc0: {  	v6 =	vld [tilespmem:s15+$0xFFFFF80E]  }
0xc1: {  	v15 =	vld [tilespmem:s20+$0xFFFFE008];
	v4 =	vadd.f32 v12, v4  }
0xc2: {  	v12 =	vld [tilespmem:s15+$0xFFFFFC0F]  }
0xc3: {  	v16 =	vld [tilespmem:s20+$0xFFFFE409];
	v4 =	vadd.f32 v13, v4  }
0xc4: {  	v13 =	vld [tilespmem:s15+$0x10]  }
0xc5: {  	v17 =	vld [tilespmem:s20+$0xFFFFE80A];
	v4 =	vadd.f32 v6, v4  }
0xc6: {  	v6 =	vld [tilespmem:s15+$0x411]  }
0xc7: {  	v18 =	vld [tilespmem:s20+$0xFFFFF00C];
	v4 =	vadd.f32 v12, v4  }
0xc8: {  	v12 =	vld [tilespmem:s15+$0x812]  }
0xc9: {  	v15 =	vadd.s32 v15, v16;
	v16 =	vld [tilespmem:s20+$0xFFFFF80E];
	v4 =	vadd.f32 v13, v4  }
0xca: {  	v13 =	vadd.s32 v17, v15;
	v15 =	vld [tilespmem:s15+$0xC13]  }
0xcb: {  	v13 =	vadd.s32 v14, v13;
	v14 =	vld [tilespmem:s20+$0x10];
	v4 =	vadd.f32 v6, v4  }
0xcc: {  	v6 =	vadd.s32 v18, v13;
	v13 =	vld [tilespmem:s15+$0x1014]  }
0xcd: {  	v6 =	vadd.s32 v8, v6;
	v8 =	vld [tilespmem:s20+$0x812];
	v4 =	vadd.f32 v12, v4  }
0xce: {  	v6 =	vadd.s32 v16, v6;
	v12 =	vld [tilespmem:s15+$0x1415]  }
0xcf: {  	v6 =	vadd.s32 v10, v6;
	v4 =	vadd.f32 v15, v4;
	v10 =	vld [tilespmem:s20+$0x1014]  }
0xd0: {  	v6 =	vadd.s32 v14, v6;
	v14 =	vld [tilespmem:s15+$0x1816]  }
0xd1: {  	v5 =	vadd.s32 v5, v6;
	v4 =	vadd.f32 v13, v4;
	v6 =	vld [tilespmem:s20+$0x1816]  }
0xd2: {  	v5 =	vadd.s32 v8, v5;
	v8 =	vld [tilespmem:s15+$0x1C17]  }
0xd3: {  	v13 =	vld [tilespmem:s15+$0xFFFFDFF8];
	v5 =	vadd.s32 v7, v5;
	v4 =	vadd.f32 v12, v4  }
0xd4: {  	v7 =	vld [tilespmem:s15+$0xFFFFE3F9];
	v5 =	vadd.s32 v10, v5  }
0xd5: {  	v10 =	vld [tilespmem:s15+$0xFFFFE7FA];
	v5 =	vadd.s32 v9, v5;
	v4 =	vadd.f32 v14, v4  }
0xd6: {  	v9 =	vld [tilespmem:s15+$0xFFFFEBFB];
	v5 =	vadd.s32 v6, v5  }
0xd7: {  	s1 =	sadd.s32 $0x20, s1;
	v6 =	vld [tilespmem:s15+$0xFFFFEFFC];
	v5 =	vadd.s32 v11, v5;
	v4 =	vadd.f32 v8, v4  }
0xd8: {  	s2 =	sadd.s32 $0x20, s2;
	v8 =	vld [tilespmem:s15+$0xFFFFF3FD];
	[tilespmem:s1+$0x0] =	vst v5  }
0xd9: {  	v5 =	vadd.f32 v7, v13;
	v7 =	vld [tilespmem:s15+$0xFFFFF7FE];
	[tilespmem:s2+$0x0] =	vst v4  }
0xda: {  	v4 =	vld [tilespmem:s15+$0xFFFFFBFF]  }
0xdb: {  	v5 =	vadd.f32 v10, v5;
	v10 =	vld [tilespmem:s15+$0x0]  }
0xdc: {  	v11 =	vld [tilespmem:s20+$0xFFFFE3F9]  }
0xdd: {  	v12 =	vld [tilespmem:s20+$0xFFFFDFF8];
	v5 =	vadd.f32 v9, v5  }
0xde: {  	v9 =	vld [tilespmem:s20+$0xFFFFE7FA]  }
0xdf: {  	v5 =	vadd.f32 v6, v5;
	v6 =	vld [tilespmem:s15+$0x401]  }
0xe0: {  	v13 =	vld [tilespmem:s20+$0xFFFFEBFB]  }
0xe1: {  	v14 =	vld [tilespmem:s20+$0xFFFFEFFC];
	v5 =	vadd.f32 v8, v5  }
0xe2: {  	v8 =	vadd.s32 v12, v11;
	v11 =	vld [tilespmem:s15+$0x802]  }
0xe3: {  	v8 =	vadd.s32 v9, v8;
	v9 =	vld [tilespmem:s20+$0xFFFFF3FD];
	v5 =	vadd.f32 v7, v5  }
0xe4: {  	v7 =	vld [tilespmem:s20+$0xFFFFF7FE]  }
0xe5: {  	v8 =	vadd.s32 v13, v8;
	v4 =	vadd.f32 v4, v5;
	v5 =	vld [tilespmem:s15+$0xC03]  }
0xe6: {  	v8 =	vadd.s32 v14, v8;
	v12 =	vld [tilespmem:s20+$0xFFFFFBFF]  }
0xe7: {  	v13 =	vld [tilespmem:s20+$0x0];
	v4 =	vadd.f32 v10, v4  }
0xe8: {  	v8 =	vadd.s32 v9, v8;
	v9 =	vld [tilespmem:s15+$0x1004]  }
0xe9: {  	v7 =	vadd.s32 v7, v8;
	v8 =	vld [tilespmem:s20+$0x401];
	v4 =	vadd.f32 v6, v4  }
0xea: {  	v6 =	vld [tilespmem:s20+$0x802]  }
0xeb: {  	v7 =	vadd.s32 v12, v7;
	v4 =	vadd.f32 v11, v4;
	v10 =	vld [tilespmem:s15+$0x1405]  }
0xec: {  	v7 =	vadd.s32 v13, v7;
	v11 =	vld [tilespmem:s20+$0xC03]  }
0xed: {  	v5 =	vadd.f32 v5, v4;
	v12 =	vld [tilespmem:s20+$0x1004]  }
.Ltmp4:
0xee: {  	v7 =	vadd.s32 v8, v7;
	v4 =	vld [tilespmem:s15+$0x1806];
	(pc) =	sbr.rel @p0 .LBB2_8-.Ltmp4, $4  }
0xef: {  	v7 =	vadd.s32 v6, v7;
	v8 =	vadd.f32 v9, v5;
	v5 =	vld [tilespmem:s20+$0x1405]  }
0xf0: {  	v6 =	vld [tilespmem:s20+$0x1806]  }
0xf1: {  	v11 =	vadd.s32 v11, v7;
	v9 =	vadd.f32 v10, v8;
	v7 =	vld [tilespmem:s15+$0x1C07]  }
0xf2: {  	v10 =	vadd.s32 v12, v11;
	v8 =	vld [tilespmem:s20+$0x1C07];
	s20 =	sadd.s32 $0x20, s20  }
0xf3: {  	_ =	sdelay $0x1  }
0xf4: {  	v4 =	vadd.f32 v4, v9;
	v5 =	vadd.s32 v5, v10  }
0xf5: {  	v5 =	vadd.s32 v6, v5  }
0xf6: {  	v4 =	vadd.f32 v7, v4;
	v5 =	vadd.s32 v8, v5  }
0xf7: {  	[tilespmem:s1+$0xFFFFFFF0] =	vst v5  }
0xf8: {  	[tilespmem:s2+$0xFFFFFFF0] =	vst v4  }
0xf9: {  	[hbm4b:s12+s17] =	stream.strided.scatter [tilespmem:s30], [sflag:$0x2], $0x400, s18, s17, $0x38;
	[tilespmem:$0x10980] =	vst v63  }
0xfa: {  	s0 =	sadd.s32 $0x1, s0;
	_ =	swait.ge [sflag:s16], $0x400  }
0xfb: {  	p0 =	sne.s32 s0, s14;
	[sflag:s16] =	ssyncset.done $0x0  }
.Ltmp5:
0xfc: {  	[sflag:s16] =	ssyncadd.s32 $0xFFFFFC00;
	(pc) =	sbr.rel @p0 .LBB2_1-.Ltmp5, $4  }
0xfd: {  	[hbm4b:s13+s17] =	stream.strided.scatter [tilespmem:s31], [sflag:$0x2], $0x400, s18, s17, $0x38;
	[tilespmem:$0x10980] =	vst v63  }
0xfe: {  	_ =	swait.ge [sflag:s16], $0x400  }
0xff: {  	[sflag:s16] =	ssyncset.done $0x0  }
0x100: {  	[sflag:s16] =	ssyncadd.s32 $0xFFFFFC00  }
0x101: {  	_ =	sfence.sel $0x180000  }
0x102: {  	[bflag:$0x0] =	sbarrier.arrive $0xFFFF  }
0x103: {  	_ =	strace $0x9000004A  }
0x104: {  	s0 =	stileid.u32;
	[bflag:$0x2] =	sbarrier.arrive $0xFFFF  }
0x105: {  	p0 =	sne.s32 s0, $0x0;
	s0 =	rddreg [dreg:$0x2]  }
0x106: {  	s0 =	sadd.s32 @!p0 $0x100000, s0  }
0x107: {  	[sflag:s0] =	ssyncadd.tile.s32 @!p0 $0x1;
	_ =	shalt  }
.Lfunc_end2:
_tile_overlayer_lowered:
.L_overlay_start_2:
0x108: {  	(tag) =	ssettag $0x2  }
0x109: {  	s0 =	rddreg [dreg:$0x0];
	s2 =	stileid.u32  }
0x10a: {  	s1 =	rddreg [dreg:$0x1];
	p0 =	sne.s32 s2, $0x0  }
0x10b: {  	s3 =	rddreg [dreg:$0x2];
	[bflag:$0x3] =	sbarrier.arrive $0xFFFF;
	s2 =	simm.s32 @!p0 $0x1C02  }
0x10c: {  	[timem:s3], [sflag:s2] =	dma.local @!p0 [hbm:s0], s1  }
0x10d: {  	s0 =	simm.s32 @!p0 $0x2  }
0x10e: {  	_ =	swait.ge @!p0 [sflag:s0], s1  }
0x10f: {  	s1 =	ssub.s32 @!p0 $0x0, s1;
	[sflag:s0] =	ssyncset.done @!p0 $0x0  }
0x110: {  	[sflag:s0] =	ssyncadd.s32 @!p0 s1  }
0x111: {  	[bflag:$0x3] =	sbarrier.arrive $0xFFFF  }
0x112: {  	_ =	shalt  }

// kernel: kernel.14.cloned.1.call-start
scs
__scs_entry_jumppad:
0x0: {  	(pc) =	sbr.rel $0x88, $3  }
0x1: {  	(tag) =	ssettag $0x0;
	lr =	simm.s32 $0x1  }
0x2: {  	[smem:$0x3F9E] =	sst lr;
	_ =	strace $0xD0000000  }
0x3: {  	_ = 	snop  }
0x4: {  	_ = 	snop  }
0x5: {  	_ = 	snop  }
0x6: {  	_ = 	snop  }
0x7: {  	_ = 	snop  }
__scs_overlays_trampoline_lowered:
0x8: {  	[smem:$0x3FAD] =	sst s0  }
0x9: {  	[smem:$0x3FAE] =	sst s1  }
0xa: {  	[smem:$0x3FAF] =	sst s2  }
0xb: {  	[smem:$0x3FB0] =	sst s3  }
0xc: {  	[smem:$0x3FB1] =	sst s4  }
0xd: {  	[smem:$0x3FB2] =	sst s5  }
0xe: {  	[smem:$0x3FB3] =	sst s6  }
0xf: {  	[smem:$0x3FB4] =	sst s7  }
0x10: {  	[smem:$0x3FB5] =	sst s8  }
0x11: {  	[smem:$0x3FB6] =	sst s9;
	s0 =	simm.s32 @!p0 $0x0  }
0x12: {  	s1 =	sld [smem:$0x3F9C];
	s0 =	simm.s32 @p0 $0x1  }
0x13: {  	[smem:$0x3FB7] =	sst s0;
	s0 =	simm.s32 @!p1 $0x0  }
0x14: {  	s2 =	sld [smem:$0x3F9B];
	s0 =	simm.s32 @p1 $0x1  }
0x15: {  	[smem:$0x3FB8] =	sst s0;
	s0 =	simm.s32 @!p2 $0x0  }
0x16: {  	s3 =	sld [smem:$0x3FDB];
	s0 =	simm.s32 @p2 $0x1  }
0x17: {  	s4 =	simm.s32 $0x1BF5;
	[smem:$0x3FBA] =	sst s0  }
0x18: {  	s0 =	sld [smem:$0x3F9D];
	_ =	swait.ge [sflag:s4], $0x0  }
0x19: {  	s7 =	sld [smem:$0x3F9E]  }
0x1a: {  	s8 =	sadd.s32 $0xFFFFE003, lr  }
0x1b: {  	s9 =	sadd.s32 $0xFFFFFEF7, lr;
	s5 =	simm.s32 $0xFFFFFFFF;
	p2 =	slt.u32 s8, $0xFFFFF086  }
0x1c: {  	p1 =	slt.u32 s9, $0xF7A;
	s5 =	simm.s32 @!p2 $0x0  }
0x1d: {  	s5 =	simm.s32 @p1 $0x1;
	p0 =	seq.s32 s7, s2  }
0x1e: {  	s7 =	smul.u32 @!p0 $0xF7A, s2;
	p2 =	seq.s32 @!p0 s5, $0x0  }
0x1f: {  	s9 =	smul.u32 $0xF7A, s1;
	s8 =	simm.s32 @!p0 $0x1BF5;
	p2 =	por !p2, p0  }
0x20: {  	[sflag:s8] =	ssyncset.s32 @!p0 $0xFFFFF086;
	s6 =	sadd.s32 @!p0 s3, s7;
	s7 =	simm.s32 @!p0 $0x108  }
0x21: {  	s3 =	sadd.s32 s3, s9;
	s6 =	sadd.s32 @!p0 $0x88, s6;
	s7 =	simm.s32 @p2 $0x1082  }
0x22: {  	[simem:s7], [sflag:s8] =	dma.local @!p0 [hbm:s6], $0xF7A  }
0x23: {  	s9 =	sor.u32 $0xD0000000, s2;
	s6 =	simm.s32 $0x108;
	_ =	swait.ge @!p0 [sflag:s8], $0x0  }
0x24: {  	s3 =	sadd.s32 $0x88, s3;
	s6 =	simm.s32 @!p1 $0x1082;
	[sflag:s4] =	ssyncset.s32 $0xFFFFF086  }
0x25: {  	[simem:s6], [sflag:s4] =	dma.local [hbm:s3], $0xF7A  }
0x26: {  	[smem:$0x3F9E] =	sst s1;
	(tag) =	ssettag s2;
	_ =	strace s9  }
0x27: {  	s1 =	sld [smem:$0x3FAE]  }
0x28: {  	s2 =	sld [smem:$0x3FAF]  }
0x29: {  	s4 =	sld [smem:$0x3FB1]  }
0x2a: {  	p0 =	seq.s32 s5, $0x0;
	s5 =	sld [smem:$0x3FB2]  }
0x2b: {  	s6 =	sld [smem:$0x3FB3]  }
0x2c: {  	s7 =	sld [smem:$0x3FB4]  }
0x2d: {  	s3 =	simm.s32 $0x108;
	s8 =	sld [smem:$0x3FB5]  }
0x2e: {  	s3 =	simm.s32 @!p0 $0x1082;
	s9 =	sld [smem:$0x3FB6]  }
0x2f: {  	lr =	sadd.s32 s0, s3;
	s0 =	sld [smem:$0x3FAD]  }
0x30: {  	s3 =	sld [smem:$0x3FB0]  }
0x31: {  	[smem:$0x3FB9] =	sst s10  }
0x32: {  	s10 =	sld [smem:$0x3FB7];
	_ =	sdelay $0x3  }
0x33: {  	p0 =	seq.s32 s10, $0x1;
	s10 =	sld [smem:$0x3FB9];
	_ =	sdelay $0x3  }
0x34: {  	[smem:$0x3FB9] =	sst s10  }
0x35: {  	s10 =	sld [smem:$0x3FB8];
	_ =	sdelay $0x3  }
0x36: {  	p1 =	seq.s32 s10, $0x1;
	s10 =	sld [smem:$0x3FB9];
	_ =	sdelay $0x3  }
0x37: {  	[smem:$0x3FB9] =	sst s10  }
0x38: {  	s10 =	sld [smem:$0x3FBA]  }
0x39: {  	_ = 	snop;
	(pc) =	sbr.ind lr, $3  }
0x3a: {  	_ = 	snop  }
0x3b: {  	_ = 	snop  }
0x3c: {  	p2 =	seq.s32 s10, $0x1;
	s10 =	sld [smem:$0x3FB9]  }
0x3d: {  	_ =	shalt  }
0x3e: {  	_ =	shalt  }
0x3f: {  	_ =	shalt  }
0x40: {  	_ =	shalt  }
0x41: {  	_ =	shalt  }
0x42: {  	_ =	shalt  }
0x43: {  	_ =	shalt  }
0x44: {  	_ =	shalt  }
0x45: {  	_ =	shalt  }
0x46: {  	_ =	shalt  }
0x47: {  	_ =	shalt  }
0x48: {  	_ =	shalt  }
0x49: {  	_ =	shalt  }
0x4a: {  	_ =	shalt  }
0x4b: {  	_ =	shalt  }
0x4c: {  	_ =	shalt  }
0x4d: {  	_ =	shalt  }
0x4e: {  	_ =	shalt  }
0x4f: {  	_ =	shalt  }
0x50: {  	_ =	shalt  }
0x51: {  	_ =	shalt  }
0x52: {  	_ =	shalt  }
0x53: {  	_ =	shalt  }
0x54: {  	_ =	shalt  }
0x55: {  	_ =	shalt  }
0x56: {  	_ =	shalt  }
0x57: {  	_ =	shalt  }
0x58: {  	_ =	shalt  }
0x59: {  	_ =	shalt  }
0x5a: {  	_ =	shalt  }
0x5b: {  	_ =	shalt  }
0x5c: {  	_ =	shalt  }
0x5d: {  	_ =	shalt  }
0x5e: {  	_ =	shalt  }
0x5f: {  	_ =	shalt  }
0x60: {  	_ =	shalt  }
0x61: {  	_ =	shalt  }
0x62: {  	_ =	shalt  }
0x63: {  	_ =	shalt  }
0x64: {  	_ =	shalt  }
0x65: {  	_ =	shalt  }
0x66: {  	_ =	shalt  }
0x67: {  	_ =	shalt  }
0x68: {  	_ =	shalt  }
0x69: {  	_ =	shalt  }
0x6a: {  	_ =	shalt  }
0x6b: {  	_ =	shalt  }
0x6c: {  	_ =	shalt  }
0x6d: {  	_ =	shalt  }
0x6e: {  	_ =	shalt  }
0x6f: {  	_ =	shalt  }
0x70: {  	_ =	shalt  }
0x71: {  	_ =	shalt  }
0x72: {  	_ =	shalt  }
0x73: {  	_ =	shalt  }
0x74: {  	_ =	shalt  }
0x75: {  	_ =	shalt  }
0x76: {  	_ =	shalt  }
0x77: {  	_ =	shalt  }
0x78: {  	_ =	shalt  }
0x79: {  	_ =	shalt  }
0x7a: {  	_ =	shalt  }
0x7b: {  	_ =	shalt  }
0x7c: {  	_ =	shalt  }
0x7d: {  	_ =	shalt  }
0x7e: {  	_ =	shalt  }
0x7f: {  	_ =	shalt  }
0x80: {  	_ =	shalt  }
0x81: {  	_ =	shalt  }
0x82: {  	_ =	shalt  }
0x83: {  	_ =	shalt  }
0x84: {  	_ =	shalt  }
0x85: {  	_ =	shalt  }
0x86: {  	_ =	shalt  }
0x87: {  	_ =	shalt  }
.Lfunc_end0:
.L_simem_size_0:
called_computation.2_lowered:
.L_overlay_start_0:
0x88: {  	s2 =	sld [smem:$0x3FD9]  }
0x89: {  	s3 =	sld [smem:$0x3FFE];
	_ =	sdelay $0x1  }
0x8a: {  	s1 =	srdreg.scid  }
0x8b: {  	s0 =	sand.u32 $0x1, s1  }
0x8c: {  	s17 =	sshll.u32 s0, $0xA;
	s2 =	sadd.s32 s3, s2  }
0x8d: {  	s2 =	sadd.s32 s2, s17  }
0x8e: {  	[smem:$0x3FC5] =	sst s2  }
0x8f: {  	_ = 	snop  }
0x90: {  	s2 =	sld [smem:$0x3FD0];
	(tm) =	ssettm $0x1  }
0x91: {  	s18 =	sld [smem:$0x3FFB];
	_ =	sdelay $0x3  }
0x92: {  	_ =	strace s18  }
0x93: {  	s3 =	sld [smem:$0x3FFC];
	_ =	sdelay $0x3  }
0x94: {  	_ =	strace s3  }
0x95: {  	s3 =	sld [smem:$0x3FFD];
	_ =	sdelay $0x3  }
0x96: {  	_ =	strace s3  }
0x97: {  	_ =	strace $0x8FFFFFFF  }
0x98: {  	s19 =	sld [smem:$0x3FDB];
	_ =	sdelay $0x1  }
0x99: {  	s4 =	simm.s32 $_scs_section_size  }
0x9a: {  	s5 =	simm.s32 $_size__tile_overlayer_lowered;
	s6 =	simm.s32 $_tile_overlayer_lowered  }
0x9b: {  	s22 =	simm.s32 $0x1BFF;
	s21 =	sshll.u32 s6, $0x1;
	s3 =	sadd.s32 s4, s19  }
0x9c: {  	s7 =	simm.s32 $0x0;
	s20 =	sshll.u32 s5, $0x1;
	s5 =	sadd.s32 s21, s3  }
0x9d: {  	[timem:s7], [sflag:s22] =	dma.local [hbm:s5], s20  }
0x9e: {  	_ =	swait.ge [sflag:s22], s20  }
0x9f: {  	s4 =	ssub.s32 $0x0, s20;
	[sflag:s22] =	ssyncset.done $0x0  }
0xa0: {  	[sflag:s22] =	ssyncadd.s32 s4;
	_ =	sdelay $0x1  }
0xa1: {  	s23 =	simm.s32 $0x1B8B  }
0xa2: {  	_ =	swait.ge [sflag:s23], $0x1  }
0xa3: {  	[sflag:s23] =	ssyncset.done $0x0  }
0xa4: {  	s25 =	simm.s32 $0x1B8E;
	s24 =	sld [smem:$0x3FFE];
	[sflag:s23] =	ssyncadd.s32 $0xFFFFFFFF  }
0xa5: {  	s26 =	simm.s32 $execute0_lowered;
	[smem:$0x3FD2] =	sst s25  }
0xa6: {  	s5 =	sshll.u32 s26, $0x1;
	_ =	strace $0x8000004C;
	[dreg:$0x1] =	wrdreg $0xFFFFFFFF  }
0xa7: {  	s28 =	simm.s32 $_size_execute0_lowered;
	s3 =	sadd.s32 s3, s5;
	[dreg:$0x0] =	wrdreg $0x0  }
0xa8: {  	s5 =	sshll.u32 s28, $0x1;
	[dreg:$0x2] =	wrdreg s3  }
0xa9: {  	[dreg:$0x3] =	wrdreg s5  }
0xaa: {  	[dreg:$0x4] =	wrdreg $0xC0  }
0xab: {  	_ =	task [dreg:s7], $0x5FFFF  }
0xac: {  	[dreg:$0x1] =	wrdreg $0xFFFFFFFF  }
0xad: {  	[dreg:$0x0] =	wrdreg $0x60  }
0xae: {  	[dreg:$0x2] =	wrdreg s24  }
0xaf: {  	[dreg:$0x3] =	wrdreg s2  }
0xb0: {  	[dreg:$0x4] =	wrdreg $0x9  }
0xb1: {  	_ =	task.clear_ibuf [dreg:s7], $0x5FFFF;
	_ =	strace $0x9000004C  }
0xb2: {  	s29 =	simm.s32 $0x9;
	_ =	strace $0x8000004E  }
0xb3: {  	_ =	swait.ge [sflag:s29], $0x1  }
0xb4: {  	[sflag:s29] =	ssyncadd.s32 $0xFFFFFFFF  }
0xb5: {  	_ =	strace $0x9000004E  }
0xb6: {  	_ =	sfence  }
0xb7: {  	s30 =	sld [smem:$0x0];
	_ =	sdelay $0x2  }
0xb8: {  	s31 =	sshll.u32 s1, $0xD;
	s1 =	sshrl.u32 s1, $0x2  }
0xb9: {  	s3 =	sand.u32 $0x4000, s31;
	s1 =	sadd.s32 s1, s30  }
0xba: {  	s0 =	sor.u32 s3, s0;
	s1 =	sshll.u32 s1, $0x11  }
0xbb: {  	s0 =	sor.u32 s1, s0  }
0xbc: {  	s0 =	sadd.s32 $0x8F2B, s0  }
0xbd: {  	[sflag:s0] =	ssyncadd.remote.s32 $0x1  }
0xbe: {  	_ =	sfence.sel $0xFFFF  }
0xbf: {  	[dreg:$0x0] =	wrdreg $0xFFFFFFFF;
	(pc) =	sbr.abs _section_cstart, $3  }
0xc0: {  	[dreg:$0x1] =	wrdreg $0xFFFFFFFF  }
0xc1: {  	_ =	task.clear_ibuf [dreg:s7], $0x2FFFF;
	_ =	strace $0x9FFFFFFF  }
0xc2: {  	(tm) =	ssettm $0x7FFFFFFF  }
0xc3: {  	_ =	shalt  }
tec
execute0_lowered:
.L_overlay_start_1:
0x0: {  	(tag) =	ssettag $0x1  }
0x1: {  	s0 =	rddreg [dreg:$0x0]  }
0x2: {  	s1 =	srdreg.scid;
	s4 =	stileid.u32  }
0x3: {  	s3 =	simm.s32 $0x0;
	s14 =	simm.s32 $0x8000;
	s15 =	simm.s32 $0x2  }
0x4: {  	s16 =	simm.s32 $0x80;
	s17 =	simm.s32 $0x400;
	s18 =	simm.s32 $0x1000  }
0x5: {  	s19 =	simm.s32 $0x2000;
	s20 =	simm.s32 $0x3000;
	s21 =	simm.s32 $0x4000  }
0x6: {  	s22 =	simm.s32 $0x5000;
	s23 =	simm.s32 $0x6000;
	s24 =	simm.s32 $0x7000  }
0x7: {  	s25 =	simm.s32 $0x1;
	s26 =	simm.s32 $0x8080;
	s28 =	simm.s32 $0x10100  }
0x8: {  	s29 =	simm.s32 $0x0;
	s1 =	sand.u32 $0x1, s1;
	s2 =	sshll.u32 s4, $0x8  }
0x9: {  	s4 =	sshrl.u32 s4, $0x2;
	[smem:$0x7FF] =	sst s3;
	s5 =	sshll.u32 s1, $0x7  }
0xa: {  	s2 =	sand.u32 $0x300, s2;
	s6 =	sshll.u32 s4, $0x12;
	_ =	strace $0x8000004D  }
0xb: {  	s4 =	sshll.u32 s4, $0xE;
	s1 =	ssub.s32 $0x2, s1;
	s2 =	sor.u32 s5, s2  }
0xc: {  	s31 =	sshrl.u32 s1, $0x1;
	s5 =	sor.u32 s6, s2;
	s2 =	sor.u32 s4, s2  }
0xd: {  	s1 =	ssub.s32 s1, s31;
	s5 =	sshrl.u32 s5, $0x3;
	s2 =	sshrl.u32 s2, $0x3  }
0xe: {  	s13 =	smax.u32 s1, $0x1;
	s11 =	sadd.s32 s5, s0;
	s0 =	sadd.s32 s2, s0  }
0xf: {  	s4 =	sadd.s32 $0x4A00, s11;
	s5 =	sadd.s32 $0x5A00, s11;
	s6 =	sadd.s32 $0x6A00, s11  }
0x10: {  	v1 =	vlaneseq.u32;
	s7 =	sadd.s32 $0x7A00, s11;
	s8 =	sadd.s32 $0x8A00, s11;
	s9 =	sadd.s32 $0x9A00, s11  }
0x11: {  	v0 =	vimm.s32 $0x0;
	v2 =	vimm.s32 $0x1;
	v1 =	vmul.u32 $0x801, v1;
	s10 =	sadd.s32 $0xAA00, s11;
	s11 =	sadd.s32 $0xBA00, s11;
	s12 =	sadd.s32 $0x2A00, s0  }
.LBB2_1:
0x12: {  	s0 =	rddreg [dreg:$0x1]  }
0x13: {  	[tilespmem:s14], [sflag:$0x2] =	stream.linear.gather [hbm4b:s0+s3], $0x80, $0x38;
	[tilespmem:$0x10900] =	vst v63  }
0x14: {  	_ =	swait.ge [sflag:s15], $0x80  }
0x15: {  	[sflag:s15] =	ssyncset.done $0x0  }
0x16: {  	[sflag:s15] =	ssyncadd.s32 $0xFFFFFF80  }
0x17: {  	[tilespmem:s3], [sflag:$0x1] =	stream.strided.gather [hbm4b:s4+s16], $0x1000, s17, s16, $0x38;
	[tilespmem:$0x10900] =	vst v63  }
0x18: {  	_ = 	snop  }
0x19: {  	[tilespmem:s18], [sflag:$0x1] =	stream.strided.gather [hbm4b:s5+s16], $0x1000, s17, s16, $0x38;
	[tilespmem:$0x10900] =	vst v63  }
0x1a: {  	_ = 	snop  }
0x1b: {  	[tilespmem:s19], [sflag:$0x1] =	stream.strided.gather [hbm4b:s6+s16], $0x1000, s17, s16, $0x38;
	[tilespmem:$0x10900] =	vst v63  }
0x1c: {  	_ = 	snop  }
0x1d: {  	[tilespmem:s20], [sflag:$0x1] =	stream.strided.gather [hbm4b:s7+s16], $0x1000, s17, s16, $0x38;
	[tilespmem:$0x10900] =	vst v63  }
0x1e: {  	_ = 	snop  }
0x1f: {  	[tilespmem:s21], [sflag:$0x1] =	stream.strided.gather [hbm4b:s8+s16], $0x1000, s17, s16, $0x38;
	[tilespmem:$0x10900] =	vst v63  }
0x20: {  	_ = 	snop  }
0x21: {  	[tilespmem:s22], [sflag:$0x1] =	stream.strided.gather [hbm4b:s9+s16], $0x1000, s17, s16, $0x38;
	[tilespmem:$0x10900] =	vst v63  }
0x22: {  	_ = 	snop  }
0x23: {  	[tilespmem:s23], [sflag:$0x1] =	stream.strided.gather [hbm4b:s10+s16], $0x1000, s17, s16, $0x38;
	[tilespmem:$0x10900] =	vst v63  }
0x24: {  	_ = 	snop  }
0x25: {  	[tilespmem:s24], [sflag:$0x1] =	stream.strided.gather [hbm4b:s11+s16], $0x1000, s17, s16, $0x38;
	[tilespmem:$0x10900] =	vst v63  }
0x26: {  	v3 =	vld [tilespmem:$0x8000]  }
0x27: {  	s0 =	simm.s32 $0x80A0  }
0x28: {  	[tilespmem:s0+$0xFFFFFFE0] =	vst v0  }
0x29: {  	[tilespmem:s0+$0x10] =	vst v0  }
0x2a: {  	s1 =	simm.s32 $0x0;
	[tilespmem:s0+$0x0] =	vst v0  }
.LBB2_2:
0x2b: {  	s1 =	sadd.s32 $0x40, s1  }
0x2c: {  	[tilespmem:s0+$0xFFFFFFF0] =	vst v0;
	s0 =	sadd.s32 $0x40, s0;
	p0 =	slt.u32 s1, $0x7FC0  }
.Ltmp0:
0x2d: {  	[tilespmem:s0+$0xFFFFFFE0] =	vst v0;
	(pc) =	sbr.rel @p0 .LBB2_2-.Ltmp0, $3  }
0x2e: {  	_ =	sdelay $0x1  }
0x2f: {  	[tilespmem:s0+$0x10] =	vst v0  }
0x30: {  	[tilespmem:s0+$0x0] =	vst v0  }
0x31: {  	[tilespmem:s0+$0xFFFFFFF0] =	vst v0  }
0x32: {  	s30 =	simm.s32 $0x0;
	s31 =	simm.s32 $0x40;
	[tilespmem:$0x10080] =	vst v0  }
.LBB2_4:
0x33: {  	_ =	swait.ge [sflag:s25], $0x1000  }
0x34: {  	[sflag:s25] =	ssyncset.done $0x0  }
0x35: {  	[sflag:s25] =	ssyncadd.s32 $0xFFFFF000  }
0x36: {  	v4 =	vld [tilespmem:s31+$0xFFFFFFC0]  }
0x37: {  	v6 =	vld [tilespmem:s31+$0xFFFFFFE0];
	_ =	sdelay $0x2  }
0x38: {  	v8 =	vld [tilespmem:s31+$0xFFFFFFF0]  }
0x39: {  	s1 =	sshll.u32 s30, $0xC;
	v10 =	vld [tilespmem:s31+$0x20];
	v5 =	vshra.s32 v4, $0xB  }
0x3a: {  	s0 =	sadd.s32 $0x1000, s1;
	s1 =	sadd.s32 $0x80, s1;
	v4 =	vand.u32 $0x7FF, v4;
	v7 =	vshra.s32 v6, $0xB;
	vm3 =	veq.s32 v5, v3  }
0x3b: {  	p0 =	slt.u32 s1, s0;
	v12 =	vld [tilespmem:s31+$0x30];
	v6 =	vand.u32 $0x7FF, v6;
	v11 =	vadd.s32 v1, v4;
	vm2 =	veq.s32 v7, v3  }
.Ltmp1:
0x3c: {  	v4 =	vld [tilespmem:s31+$0xFFFFFFD0];
	v7 =	vadd.s32 v1, v6;
	(pc) =	sbr.rel @!p0 .LBB2_6-.Ltmp1, $4  }
0x3d: {  	_ = 	snop  }
0x3e: {  	v13 =	vshra.s32 v10, $0xB;
	v5 =	vand.u32 $0x7FF, v8;
	v6 =	vshra.s32 v8, $0xB;
	v8 =	vld [tilespmem:s31+$0x10]  }
0x3f: {  	v9 =	vld [tilespmem:s31+$0x0];
	vm1 =	veq.s32 v13, v3;
	vm0 =	veq.s32 v6, v3;
	v6 =	vand.u32 $0x7FF, v10  }
0x40: {  	s2 =	sadd.s32 $0x80, s31;
	v10 =	vand.u32 $0x7FF, v12;
	v6 =	vadd.s32 v1, v6;
	[tilespmem:v11+s26+$0x0] =	vst.idx.add.s32.msk vm3, v2;
	v11 =	vshra.s32 v12, $0xB  }
.LBB2_5:
0x41: {  	s1 =	sadd.s32 $0x80, s1;
	v12 =	vshra.s32 v4, $0xB;
	[tilespmem:v7+s26+$0x0] =	vst.idx.add.s32.msk vm2, v2;
	vm3 =	veq.s32 v11, v3  }
0x42: {  	v4 =	vand.u32 $0x7FF, v4;
	v7 =	vadd.s32 v1, v5;
	v11 =	vld [tilespmem:s2+$0xFFFFFFF0];
	p0 =	slt.u32 s1, s0;
	vm4 =	veq.s32 v12, v3  }
0x43: {  	v10 =	vadd.s32 v1, v10;
	v13 =	vadd.s32 v1, v4;
	v12 =	vld [tilespmem:s2+$0xFFFFFFE0];
	v4 =	vshra.s32 v8, $0xB  }
0x44: {  	v14 =	vld [tilespmem:s2+$0xFFFFFFC0];
	v5 =	vshra.s32 v9, $0xB;
	vm5 =	veq.s32 v4, v3;
	v4 =	vand.u32 $0x7FF, v8  }
0x45: {  	v15 =	vld [tilespmem:s2+$0x30];
	vm6 =	veq.s32 v5, v3;
	v5 =	vand.u32 $0x7FF, v9;
	v8 =	vadd.s32 v1, v4  }
0x46: {  	v16 =	vld [tilespmem:s2+$0x20];
	v9 =	vadd.s32 v1, v5  }
0x47: {  	v4 =	vld [tilespmem:s2+$0xFFFFFFD0];
	v5 =	vand.u32 $0x7FF, v11  }
0x48: {  	[tilespmem:v7+s26+$0x0] =	vst.idx.add.s32.msk vm0, v2  }
0x49: {  	v17 =	vshra.s32 v12, $0xB;
	v12 =	vand.u32 $0x7FF, v12;
	v7 =	vshra.s32 v14, $0xB;
	[tilespmem:v6+s26+$0x0] =	vst.idx.add.s32.msk vm1, v2  }
0x4a: {  	v6 =	vand.u32 $0x7FF, v14;
	vm2 =	veq.s32 v17, v3;
	vm7 =	veq.s32 v7, v3;
	[tilespmem:v8+s26+$0x0] =	vst.idx.add.s32.msk vm5, v2  }
0x4b: {  	v6 =	vadd.s32 v1, v6;
	v7 =	vadd.s32 v1, v12;
	[tilespmem:v9+s26+$0x0] =	vst.idx.add.s32.msk vm6, v2  }
.Ltmp2:
0x4c: {  	v8 =	vshra.s32 v11, $0xB;
	[tilespmem:v10+s26+$0x0] =	vst.idx.add.s32.msk vm3, v2;
	(pc) =	sbr.rel @p0 .LBB2_5-.Ltmp2, $4  }
0x4d: {  	vm0 =	veq.s32 v8, v3;
	[tilespmem:v13+s26+$0x0] =	vst.idx.add.s32.msk vm4, v2  }
0x4e: {  	v10 =	vshra.s32 v16, $0xB;
	v8 =	vld [tilespmem:s2+$0x10]  }
0x4f: {  	vm1 =	veq.s32 v10, v3;
	v10 =	vand.u32 $0x7FF, v16;
	v9 =	vld [tilespmem:s2+$0x0]  }
0x50: {  	v11 =	vshra.s32 v15, $0xB;
	s2 =	sadd.s32 $0x80, s2;
	[tilespmem:v6+s26+$0x0] =	vst.idx.add.s32.msk vm7, v2;
	v6 =	vadd.s32 v1, v10;
	v10 =	vand.u32 $0x7FF, v15  }
.LBB2_6:
0x51: {  	_ = 	snop  }
0x52: {  	v5 =	vadd.s32 v1, v5;
	v62 =	vshra.s32 v4, $0xB  }
0x53: {  	vm5 =	veq.s32 v11, v3;
	v4 =	vand.u32 $0x7FF, v4;
	v63 =	vadd.s32 v1, v10  }
0x54: {  	vm15 =	veq.s32 v62, v3;
	v4 =	vadd.s32 v1, v4;
	v12 =	vshra.s32 v8, $0xB  }
0x55: {  	v60 =	vand.u32 $0x7FF, v8;
	vm3 =	veq.s32 v12, v3;
	v59 =	vshra.s32 v9, $0xB  }
0x56: {  	[tilespmem:v7+s26+$0x0] =	vst.idx.add.s32.msk vm2, v2;
	s30 =	sadd.s32 $0x1, s30;
	v61 =	vand.u32 $0x7FF, v9;
	v8 =	vadd.s32 v1, v60;
	vm4 =	veq.s32 v59, v3  }
0x57: {  	[tilespmem:v6+s26+$0x0] =	vst.idx.add.s32.msk vm1, v2;
	p0 =	seq.s32 s30, $0x8;
	v9 =	vadd.s32 v1, v61  }
.Ltmp3:
0x58: {  	[tilespmem:v5+s26+$0x0] =	vst.idx.add.s32.msk vm0, v2;
	(pc) =	sbr.rel @!p0 .LBB2_4-.Ltmp3, $4  }
0x59: {  	[tilespmem:v63+s26+$0x0] =	vst.idx.add.s32.msk vm5, v2  }
0x5a: {  	[tilespmem:v4+s26+$0x0] =	vst.idx.add.s32.msk vm15, v2  }
0x5b: {  	[tilespmem:v8+s26+$0x0] =	vst.idx.add.s32.msk vm3, v2  }
0x5c: {  	s31 =	sadd.s32 $0x1000, s31;
	[tilespmem:v9+s26+$0x0] =	vst.idx.add.s32.msk vm4, v2  }
0x5d: {  	s30 =	simm.s32 $0x0  }
0x5e: {  	v3 =	vld [tilespmem:s30+$0x8090]  }
0x5f: {  	v4 =	vld [tilespmem:s30+$0x8891]  }
0x60: {  	v5 =	vld [tilespmem:s30+$0x9092]  }
0x61: {  	v6 =	vld [tilespmem:s30+$0x9893]  }
0x62: {  	v7 =	vld [tilespmem:s30+$0xA094]  }
0x63: {  	v8 =	vld [tilespmem:s30+$0xA895]  }
0x64: {  	v9 =	vld [tilespmem:s30+$0xB096]  }
0x65: {  	v10 =	vld [tilespmem:s30+$0xB897]  }
0x66: {  	v11 =	vld [tilespmem:s30+$0xC098]  }
0x67: {  	v12 =	vld [tilespmem:s30+$0xC899]  }
0x68: {  	v13 =	vld [tilespmem:s30+$0xD09A]  }
0x69: {  	v14 =	vld [tilespmem:s30+$0xD89B]  }
0x6a: {  	v15 =	vld [tilespmem:s30+$0xE09C]  }
0x6b: {  	v16 =	vld [tilespmem:s30+$0xE89D]  }
0x6c: {  	v17 =	vld [tilespmem:s30+$0xF09E]  }
0x6d: {  	v18 =	vld [tilespmem:s30+$0xF89F];
	v3 =	vadd.s32 v3, v4  }
0x6e: {  	v4 =	vld [tilespmem:s30+$0x8080];
	v3 =	vadd.s32 v5, v3  }
0x6f: {  	v5 =	vld [tilespmem:s30+$0x8881];
	v3 =	vadd.s32 v6, v3  }
0x70: {  	v6 =	vld [tilespmem:s30+$0x9082];
	v3 =	vadd.s32 v7, v3  }
0x71: {  	v7 =	vld [tilespmem:s30+$0x9883];
	v3 =	vadd.s32 v8, v3  }
0x72: {  	v8 =	vld [tilespmem:s30+$0xA084];
	v3 =	vadd.s32 v9, v3  }
0x73: {  	v9 =	vld [tilespmem:s30+$0xA885];
	v3 =	vadd.s32 v10, v3  }
0x74: {  	v4 =	vadd.s32 v4, v5;
	v5 =	vld [tilespmem:s30+$0xB086];
	v3 =	vadd.s32 v11, v3  }
0x75: {  	v4 =	vadd.s32 v6, v4;
	v6 =	vld [tilespmem:s30+$0xB887];
	v3 =	vadd.s32 v12, v3  }
0x76: {  	v4 =	vadd.s32 v7, v4;
	v7 =	vld [tilespmem:s30+$0xC088];
	v3 =	vadd.s32 v13, v3  }
0x77: {  	v4 =	vadd.s32 v8, v4;
	v8 =	vld [tilespmem:s30+$0xC889];
	v3 =	vadd.s32 v14, v3  }
0x78: {  	v9 =	vadd.s32 v9, v4;
	v4 =	vld [tilespmem:s30+$0xD08A];
	v3 =	vadd.s32 v15, v3  }
0x79: {  	v5 =	vadd.s32 v5, v9;
	v10 =	vadd.s32 v16, v3;
	v3 =	vld [tilespmem:s30+$0xD88B]  }
0x7a: {  	v6 =	vadd.s32 v6, v5;
	v5 =	vld [tilespmem:s30+$0xE08C];
	v9 =	vadd.s32 v17, v10  }
0x7b: {  	v7 =	vadd.s32 v7, v6;
	v6 =	vld [tilespmem:s30+$0xE88D];
	v9 =	vadd.s32 v18, v9  }
0x7c: {  	s31 =	simm.s32 $0x0;
	s0 =	simm.s32 $0x80;
	v8 =	vadd.s32 v8, v7;
	v7 =	vld [tilespmem:s30+$0xF08E];
	[tilespmem:s30+$0x10110] =	vst v9  }
.LBB2_8:
0x7d: {  	s1 =	sshra.s32 s0, $0x2;
	v4 =	vadd.s32 v4, v8;
	v8 =	vld [tilespmem:s30+$0xF88F]  }
0x7e: {  	s31 =	sadd.s32 $0x20, s31;
	v9 =	vld [tilespmem:s1+$0x8090];
	v3 =	vadd.s32 v3, v4  }
0x7f: {  	p0 =	slt.u32 s31, $0x7E0;
	v4 =	vld [tilespmem:s1+$0x8891];
	v3 =	vadd.s32 v5, v3  }
0x80: {  	v5 =	vld [tilespmem:s1+$0x9092];
	v3 =	vadd.s32 v6, v3  }
0x81: {  	v6 =	vld [tilespmem:s1+$0x9893];
	v3 =	vadd.s32 v7, v3  }
0x82: {  	v7 =	vld [tilespmem:s1+$0xA094];
	v3 =	vadd.s32 v8, v3  }
0x83: {  	v8 =	vld [tilespmem:s1+$0xA895];
	[tilespmem:s30+$0x10100] =	vst v3;
	s30 =	smov.u32 s1  }
0x84: {  	v3 =	vadd.s32 v9, v4;
	v4 =	vld [tilespmem:s30+$0xB096]  }
0x85: {  	v3 =	vadd.s32 v5, v3;
	v5 =	vld [tilespmem:s30+$0xB897]  }
0x86: {  	v3 =	vadd.s32 v6, v3;
	v6 =	vld [tilespmem:s30+$0xC098]  }
0x87: {  	v3 =	vadd.s32 v7, v3;
	v7 =	vld [tilespmem:s30+$0xC899]  }
0x88: {  	v3 =	vadd.s32 v8, v3;
	v8 =	vld [tilespmem:s30+$0xD09A]  }
0x89: {  	v3 =	vadd.s32 v4, v3;
	v4 =	vld [tilespmem:s30+$0xD89B]  }
0x8a: {  	v3 =	vadd.s32 v5, v3;
	v5 =	vld [tilespmem:s30+$0xE09C]  }
0x8b: {  	v3 =	vadd.s32 v6, v3;
	v6 =	vld [tilespmem:s30+$0xE89D]  }
0x8c: {  	v3 =	vadd.s32 v7, v3;
	v7 =	vld [tilespmem:s30+$0xF09E]  }
0x8d: {  	v3 =	vadd.s32 v8, v3;
	v8 =	vld [tilespmem:s30+$0xF89F]  }
0x8e: {  	v9 =	vld [tilespmem:s30+$0x8080];
	v3 =	vadd.s32 v4, v3  }
0x8f: {  	v4 =	vld [tilespmem:s30+$0x8881];
	v3 =	vadd.s32 v5, v3  }
0x90: {  	v5 =	vld [tilespmem:s30+$0x9082];
	v3 =	vadd.s32 v6, v3  }
0x91: {  	v6 =	vld [tilespmem:s30+$0x9883];
	v3 =	vadd.s32 v7, v3  }
0x92: {  	v7 =	vld [tilespmem:s30+$0xA084];
	v3 =	vadd.s32 v8, v3  }
0x93: {  	v8 =	vld [tilespmem:s30+$0xA885];
	[tilespmem:s30+$0x10110] =	vst v3  }
0x94: {  	v3 =	vadd.s32 v9, v4;
	v9 =	vld [tilespmem:s30+$0xB086]  }
0x95: {  	v3 =	vadd.s32 v5, v3;
	v5 =	vld [tilespmem:s30+$0xB887]  }
0x96: {  	v3 =	vadd.s32 v6, v3;
	v6 =	vld [tilespmem:s30+$0xC088]  }
0x97: {  	v3 =	vadd.s32 v7, v3;
	v7 =	vld [tilespmem:s30+$0xC889]  }
.Ltmp4:
0x98: {  	v3 =	vadd.s32 v8, v3;
	v4 =	vld [tilespmem:s30+$0xD08A];
	(pc) =	sbr.rel @p0 .LBB2_8-.Ltmp4, $4  }
0x99: {  	v8 =	vadd.s32 v9, v3;
	v3 =	vld [tilespmem:s30+$0xD88B]  }
0x9a: {  	v8 =	vadd.s32 v5, v8;
	v5 =	vld [tilespmem:s30+$0xE08C]  }
0x9b: {  	v8 =	vadd.s32 v6, v8;
	v6 =	vld [tilespmem:s30+$0xE88D]  }
0x9c: {  	s0 =	sadd.s32 $0x80, s0;
	v8 =	vadd.s32 v7, v8;
	v7 =	vld [tilespmem:s30+$0xF08E]  }
0x9d: {  	v4 =	vadd.s32 v4, v8;
	v63 =	vld [tilespmem:s30+$0xF88F]  }
0x9e: {  	v3 =	vadd.s32 v3, v4  }
0x9f: {  	v3 =	vadd.s32 v5, v3  }
0xa0: {  	v3 =	vadd.s32 v6, v3  }
0xa1: {  	s29 =	sadd.s32 $0x1, s29;
	v3 =	vadd.s32 v7, v3  }
0xa2: {  	p0 =	sne.s32 s29, s13;
	v3 =	vadd.s32 v63, v3  }
.Ltmp5:
0xa3: {  	[tilespmem:s30+$0x10100] =	vst v3;
	(pc) =	sbr.rel @p0 .LBB2_1-.Ltmp5, $4  }
0xa4: {  	[hbm4b:s12+s16] =	stream.strided.scatter [tilespmem:s28], [sflag:$0x2], $0x800, s17, s16, $0x38;
	[tilespmem:$0x10900] =	vst v63  }
0xa5: {  	_ =	swait.ge [sflag:s15], $0x800  }
0xa6: {  	[sflag:s15] =	ssyncset.done $0x0  }
0xa7: {  	[sflag:s15] =	ssyncadd.s32 $0xFFFFF800  }
0xa8: {  	_ =	sfence.sel $0x180000  }
0xa9: {  	[bflag:$0x0] =	sbarrier.arrive $0xFFFF  }
0xaa: {  	_ =	strace $0x9000004D  }
0xab: {  	s0 =	stileid.u32;
	[bflag:$0x2] =	sbarrier.arrive $0xFFFF  }
0xac: {  	p0 =	sne.s32 s0, $0x0;
	s0 =	rddreg [dreg:$0x2]  }
0xad: {  	s0 =	sadd.s32 @!p0 $0x100000, s0  }
0xae: {  	[sflag:s0] =	ssyncadd.tile.s32 @!p0 $0x1;
	_ =	shalt  }
.Lfunc_end2:
_tile_overlayer_lowered:
.L_overlay_start_2:
0xaf: {  	(tag) =	ssettag $0x2  }
0xb0: {  	s0 =	rddreg [dreg:$0x0];
	s2 =	stileid.u32  }
0xb1: {  	s1 =	rddreg [dreg:$0x1];
	p0 =	sne.s32 s2, $0x0  }
0xb2: {  	s3 =	rddreg [dreg:$0x2];
	[bflag:$0x3] =	sbarrier.arrive $0xFFFF;
	s2 =	simm.s32 @!p0 $0x1C02  }
0xb3: {  	[timem:s3], [sflag:s2] =	dma.local @!p0 [hbm:s0], s1  }
0xb4: {  	s0 =	simm.s32 @!p0 $0x2  }
0xb5: {  	_ =	swait.ge @!p0 [sflag:s0], s1  }
0xb6: {  	s1 =	ssub.s32 @!p0 $0x0, s1;
	[sflag:s0] =	ssyncset.done @!p0 $0x0  }
0xb7: {  	[sflag:s0] =	ssyncadd.s32 @!p0 s1  }
0xb8: {  	[bflag:$0x3] =	sbarrier.arrive $0xFFFF  }
0xb9: {  	_ =	shalt  }

// kernel: kernel.8.cloned.1.call-start
scs
__scs_entry_jumppad:
0x0: {  	(pc) =	sbr.rel $0x88, $3  }
0x1: {  	(tag) =	ssettag $0x0;
	lr =	simm.s32 $0x1  }
0x2: {  	[smem:$0x3F9E] =	sst lr;
	_ =	strace $0xD0000000  }
0x3: {  	_ = 	snop  }
0x4: {  	_ = 	snop  }
0x5: {  	_ = 	snop  }
0x6: {  	_ = 	snop  }
0x7: {  	_ = 	snop  }
__scs_overlays_trampoline_lowered:
0x8: {  	[smem:$0x3FAD] =	sst s0  }
0x9: {  	[smem:$0x3FAE] =	sst s1  }
0xa: {  	[smem:$0x3FAF] =	sst s2  }
0xb: {  	[smem:$0x3FB0] =	sst s3  }
0xc: {  	[smem:$0x3FB1] =	sst s4  }
0xd: {  	[smem:$0x3FB2] =	sst s5  }
0xe: {  	[smem:$0x3FB3] =	sst s6  }
0xf: {  	[smem:$0x3FB4] =	sst s7  }
0x10: {  	[smem:$0x3FB5] =	sst s8  }
0x11: {  	[smem:$0x3FB6] =	sst s9;
	s0 =	simm.s32 @!p0 $0x0  }
0x12: {  	s1 =	sld [smem:$0x3F9C];
	s0 =	simm.s32 @p0 $0x1  }
0x13: {  	[smem:$0x3FB7] =	sst s0;
	s0 =	simm.s32 @!p1 $0x0  }
0x14: {  	s2 =	sld [smem:$0x3F9B];
	s0 =	simm.s32 @p1 $0x1  }
0x15: {  	[smem:$0x3FB8] =	sst s0;
	s0 =	simm.s32 @!p2 $0x0  }
0x16: {  	s3 =	sld [smem:$0x3FDB];
	s0 =	simm.s32 @p2 $0x1  }
0x17: {  	s4 =	simm.s32 $0x1BF5;
	[smem:$0x3FBA] =	sst s0  }
0x18: {  	s0 =	sld [smem:$0x3F9D];
	_ =	swait.ge [sflag:s4], $0x0  }
0x19: {  	s7 =	sld [smem:$0x3F9E]  }
0x1a: {  	s8 =	sadd.s32 $0xFFFFE003, lr  }
0x1b: {  	s9 =	sadd.s32 $0xFFFFFEF7, lr;
	s5 =	simm.s32 $0xFFFFFFFF;
	p2 =	slt.u32 s8, $0xFFFFF086  }
0x1c: {  	p1 =	slt.u32 s9, $0xF7A;
	s5 =	simm.s32 @!p2 $0x0  }
0x1d: {  	s5 =	simm.s32 @p1 $0x1;
	p0 =	seq.s32 s7, s2  }
0x1e: {  	s7 =	smul.u32 @!p0 $0xF7A, s2;
	p2 =	seq.s32 @!p0 s5, $0x0  }
0x1f: {  	s9 =	smul.u32 $0xF7A, s1;
	s8 =	simm.s32 @!p0 $0x1BF5;
	p2 =	por !p2, p0  }
0x20: {  	[sflag:s8] =	ssyncset.s32 @!p0 $0xFFFFF086;
	s6 =	sadd.s32 @!p0 s3, s7;
	s7 =	simm.s32 @!p0 $0x108  }
0x21: {  	s3 =	sadd.s32 s3, s9;
	s6 =	sadd.s32 @!p0 $0x88, s6;
	s7 =	simm.s32 @p2 $0x1082  }
0x22: {  	[simem:s7], [sflag:s8] =	dma.local @!p0 [hbm:s6], $0xF7A  }
0x23: {  	s9 =	sor.u32 $0xD0000000, s2;
	s6 =	simm.s32 $0x108;
	_ =	swait.ge @!p0 [sflag:s8], $0x0  }
0x24: {  	s3 =	sadd.s32 $0x88, s3;
	s6 =	simm.s32 @!p1 $0x1082;
	[sflag:s4] =	ssyncset.s32 $0xFFFFF086  }
0x25: {  	[simem:s6], [sflag:s4] =	dma.local [hbm:s3], $0xF7A  }
0x26: {  	[smem:$0x3F9E] =	sst s1;
	(tag) =	ssettag s2;
	_ =	strace s9  }
0x27: {  	s1 =	sld [smem:$0x3FAE]  }
0x28: {  	s2 =	sld [smem:$0x3FAF]  }
0x29: {  	s4 =	sld [smem:$0x3FB1]  }
0x2a: {  	p0 =	seq.s32 s5, $0x0;
	s5 =	sld [smem:$0x3FB2]  }
0x2b: {  	s6 =	sld [smem:$0x3FB3]  }
0x2c: {  	s7 =	sld [smem:$0x3FB4]  }
0x2d: {  	s3 =	simm.s32 $0x108;
	s8 =	sld [smem:$0x3FB5]  }
0x2e: {  	s3 =	simm.s32 @!p0 $0x1082;
	s9 =	sld [smem:$0x3FB6]  }
0x2f: {  	lr =	sadd.s32 s0, s3;
	s0 =	sld [smem:$0x3FAD]  }
0x30: {  	s3 =	sld [smem:$0x3FB0]  }
0x31: {  	[smem:$0x3FB9] =	sst s10  }
0x32: {  	s10 =	sld [smem:$0x3FB7];
	_ =	sdelay $0x3  }
0x33: {  	p0 =	seq.s32 s10, $0x1;
	s10 =	sld [smem:$0x3FB9];
	_ =	sdelay $0x3  }
0x34: {  	[smem:$0x3FB9] =	sst s10  }
0x35: {  	s10 =	sld [smem:$0x3FB8];
	_ =	sdelay $0x3  }
0x36: {  	p1 =	seq.s32 s10, $0x1;
	s10 =	sld [smem:$0x3FB9];
	_ =	sdelay $0x3  }
0x37: {  	[smem:$0x3FB9] =	sst s10  }
0x38: {  	s10 =	sld [smem:$0x3FBA]  }
0x39: {  	_ = 	snop;
	(pc) =	sbr.ind lr, $3  }
0x3a: {  	_ = 	snop  }
0x3b: {  	_ = 	snop  }
0x3c: {  	p2 =	seq.s32 s10, $0x1;
	s10 =	sld [smem:$0x3FB9]  }
0x3d: {  	_ =	shalt  }
0x3e: {  	_ =	shalt  }
0x3f: {  	_ =	shalt  }
0x40: {  	_ =	shalt  }
0x41: {  	_ =	shalt  }
0x42: {  	_ =	shalt  }
0x43: {  	_ =	shalt  }
0x44: {  	_ =	shalt  }
0x45: {  	_ =	shalt  }
0x46: {  	_ =	shalt  }
0x47: {  	_ =	shalt  }
0x48: {  	_ =	shalt  }
0x49: {  	_ =	shalt  }
0x4a: {  	_ =	shalt  }
0x4b: {  	_ =	shalt  }
0x4c: {  	_ =	shalt  }
0x4d: {  	_ =	shalt  }
0x4e: {  	_ =	shalt  }
0x4f: {  	_ =	shalt  }
0x50: {  	_ =	shalt  }
0x51: {  	_ =	shalt  }
0x52: {  	_ =	shalt  }
0x53: {  	_ =	shalt  }
0x54: {  	_ =	shalt  }
0x55: {  	_ =	shalt  }
0x56: {  	_ =	shalt  }
0x57: {  	_ =	shalt  }
0x58: {  	_ =	shalt  }
0x59: {  	_ =	shalt  }
0x5a: {  	_ =	shalt  }
0x5b: {  	_ =	shalt  }
0x5c: {  	_ =	shalt  }
0x5d: {  	_ =	shalt  }
0x5e: {  	_ =	shalt  }
0x5f: {  	_ =	shalt  }
0x60: {  	_ =	shalt  }
0x61: {  	_ =	shalt  }
0x62: {  	_ =	shalt  }
0x63: {  	_ =	shalt  }
0x64: {  	_ =	shalt  }
0x65: {  	_ =	shalt  }
0x66: {  	_ =	shalt  }
0x67: {  	_ =	shalt  }
0x68: {  	_ =	shalt  }
0x69: {  	_ =	shalt  }
0x6a: {  	_ =	shalt  }
0x6b: {  	_ =	shalt  }
0x6c: {  	_ =	shalt  }
0x6d: {  	_ =	shalt  }
0x6e: {  	_ =	shalt  }
0x6f: {  	_ =	shalt  }
0x70: {  	_ =	shalt  }
0x71: {  	_ =	shalt  }
0x72: {  	_ =	shalt  }
0x73: {  	_ =	shalt  }
0x74: {  	_ =	shalt  }
0x75: {  	_ =	shalt  }
0x76: {  	_ =	shalt  }
0x77: {  	_ =	shalt  }
0x78: {  	_ =	shalt  }
0x79: {  	_ =	shalt  }
0x7a: {  	_ =	shalt  }
0x7b: {  	_ =	shalt  }
0x7c: {  	_ =	shalt  }
0x7d: {  	_ =	shalt  }
0x7e: {  	_ =	shalt  }
0x7f: {  	_ =	shalt  }
0x80: {  	_ =	shalt  }
0x81: {  	_ =	shalt  }
0x82: {  	_ =	shalt  }
0x83: {  	_ =	shalt  }
0x84: {  	_ =	shalt  }
0x85: {  	_ =	shalt  }
0x86: {  	_ =	shalt  }
0x87: {  	_ =	shalt  }
.Lfunc_end0:
.L_simem_size_0:
called_computation_lowered:
.L_overlay_start_0:
0x88: {  	s2 =	sld [smem:$0x3FD9]  }
0x89: {  	s3 =	sld [smem:$0x3FFE];
	_ =	sdelay $0x1  }
0x8a: {  	s1 =	srdreg.scid  }
0x8b: {  	s0 =	sand.u32 $0x1, s1  }
0x8c: {  	s17 =	sshll.u32 s0, $0xA;
	s2 =	sadd.s32 s3, s2  }
0x8d: {  	s2 =	sadd.s32 s2, s17  }
0x8e: {  	[smem:$0x3FC5] =	sst s2  }
0x8f: {  	_ = 	snop  }
0x90: {  	s2 =	sld [smem:$0x3FC9]  }
0x91: {  	s18 =	sld [smem:$0x3FC8];
	(tm) =	ssettm $0x1  }
0x92: {  	s4 =	sld [smem:$0x3FFB];
	_ =	sdelay $0x3  }
0x93: {  	_ =	strace s4  }
0x94: {  	s4 =	sld [smem:$0x3FFC];
	_ =	sdelay $0x3  }
0x95: {  	_ =	strace s4  }
0x96: {  	s4 =	sld [smem:$0x3FFD];
	_ =	sdelay $0x3  }
0x97: {  	_ =	strace s4  }
0x98: {  	_ =	strace $0x8FFFFFFF  }
0x99: {  	s19 =	sld [smem:$0x3FDB];
	_ =	sdelay $0x1  }
0x9a: {  	s5 =	simm.s32 $_scs_section_size  }
0x9b: {  	s6 =	simm.s32 $_size__tile_overlayer_lowered;
	s7 =	simm.s32 $_tile_overlayer_lowered  }
0x9c: {  	s22 =	simm.s32 $0x1BFF;
	s21 =	sshll.u32 s7, $0x1;
	s4 =	sadd.s32 s5, s19  }
0x9d: {  	s8 =	simm.s32 $0x0;
	s20 =	sshll.u32 s6, $0x1;
	s6 =	sadd.s32 s21, s4  }
0x9e: {  	[timem:s8], [sflag:s22] =	dma.local [hbm:s6], s20  }
0x9f: {  	_ =	swait.ge [sflag:s22], s20  }
0xa0: {  	s5 =	ssub.s32 $0x0, s20;
	[sflag:s22] =	ssyncset.done $0x0  }
0xa1: {  	[sflag:s22] =	ssyncadd.s32 s5;
	_ =	sdelay $0x1  }
0xa2: {  	s23 =	simm.s32 $0x1B8B  }
0xa3: {  	_ =	swait.ge [sflag:s23], $0x1  }
0xa4: {  	[sflag:s23] =	ssyncset.done $0x0  }
0xa5: {  	s25 =	simm.s32 $0x1B8E;
	s24 =	sld [smem:$0x3FFE];
	[sflag:s23] =	ssyncadd.s32 $0xFFFFFFFF  }
0xa6: {  	s26 =	simm.s32 $execute0_lowered;
	[smem:$0x3FD2] =	sst s25  }
0xa7: {  	s6 =	sshll.u32 s26, $0x1;
	_ =	strace $0x80000046;
	[dreg:$0x1] =	wrdreg $0xFFFFFFFF  }
0xa8: {  	s28 =	simm.s32 $_size_execute0_lowered;
	s4 =	sadd.s32 s4, s6;
	[dreg:$0x0] =	wrdreg $0x0  }
0xa9: {  	s6 =	sshll.u32 s28, $0x1;
	[dreg:$0x2] =	wrdreg s4  }
0xaa: {  	[dreg:$0x3] =	wrdreg s6  }
0xab: {  	[dreg:$0x4] =	wrdreg $0xC0  }
0xac: {  	_ =	task [dreg:s8], $0x5FFFF  }
0xad: {  	[dreg:$0x1] =	wrdreg $0xFFFFFFFF  }
0xae: {  	[dreg:$0x0] =	wrdreg $0x60  }
0xaf: {  	[dreg:$0x2] =	wrdreg s2  }
0xb0: {  	[dreg:$0x3] =	wrdreg s18  }
0xb1: {  	[dreg:$0x4] =	wrdreg s24  }
0xb2: {  	[dreg:$0x5] =	wrdreg $0x9  }
0xb3: {  	_ =	task.clear_ibuf [dreg:s8], $0x6FFFF;
	_ =	strace $0x90000046  }
0xb4: {  	s29 =	simm.s32 $0x9;
	_ =	strace $0x80000048  }
0xb5: {  	_ =	swait.ge [sflag:s29], $0x1  }
0xb6: {  	[sflag:s29] =	ssyncadd.s32 $0xFFFFFFFF  }
0xb7: {  	_ =	strace $0x90000048  }
0xb8: {  	_ =	sfence  }
0xb9: {  	s30 =	sld [smem:$0x0];
	_ =	sdelay $0x2  }
0xba: {  	s31 =	sshll.u32 s1, $0xD;
	s1 =	sshrl.u32 s1, $0x2  }
0xbb: {  	s3 =	sand.u32 $0x4000, s31;
	s1 =	sadd.s32 s1, s30  }
0xbc: {  	s0 =	sor.u32 s3, s0;
	s1 =	sshll.u32 s1, $0x11  }
0xbd: {  	s0 =	sor.u32 s1, s0  }
0xbe: {  	s0 =	sadd.s32 $0x8F2B, s0  }
0xbf: {  	[sflag:s0] =	ssyncadd.remote.s32 $0x1  }
0xc0: {  	_ =	sfence.sel $0xFFFF  }
0xc1: {  	[dreg:$0x0] =	wrdreg $0xFFFFFFFF;
	(pc) =	sbr.abs _section_cstart, $3  }
0xc2: {  	[dreg:$0x1] =	wrdreg $0xFFFFFFFF  }
0xc3: {  	_ =	task.clear_ibuf [dreg:s8], $0x2FFFF;
	_ =	strace $0x9FFFFFFF  }
0xc4: {  	(tm) =	ssettm $0x7FFFFFFF  }
0xc5: {  	_ =	shalt  }
tec
execute0_lowered:
.L_overlay_start_1:
0x0: {  	(tag) =	ssettag $0x1  }
0x1: {  	s0 =	rddreg [dreg:$0x0]  }
0x2: {  	s1 =	rddreg [dreg:$0x1]  }
0x3: {  	s2 =	rddreg [dreg:$0x2];
	s3 =	simm.s32 $0x0;
	s4 =	srdreg.scid  }
0x4: {  	s6 =	stileid.u32;
	s28 =	simm.s32 $0x10000;
	s29 =	simm.s32 $0x14080  }
0x5: {  	s30 =	simm.s32 $0x3;
	s31 =	simm.s32 $0x0;
	[smem:$0x7FF] =	sst s3  }
0x6: {  	s3 =	sadd.s32 $0x4A00, s2;
	s4 =	sand.u32 $0x1, s4;
	s5 =	sshll.u32 s6, $0x8  }
0x7: {  	s6 =	sshrl.u32 s6, $0x2;
	s7 =	sshll.u32 s4, $0x7;
	s5 =	sand.u32 $0x300, s5  }
0x8: {  	_ =	strace $0x80000047;
	s8 =	sshll.u32 s6, $0xD;
	s5 =	sor.u32 s7, s5  }
0x9: {  	s6 =	sshll.u32 s6, $0x12;
	s7 =	sor.u32 s8, s5;
	s8 =	ssub.s32 $0x2, s4  }
0xa: {  	s4 =	sor.u32 s6, s5;
	s9 =	sshrl.u32 s7, $0x3;
	s10 =	sshrl.u32 s8, $0x1  }
0xb: {  	s11 =	sshrl.u32 s4, $0x3;
	s2 =	sadd.s32 s9, s2;
	s12 =	ssub.s32 s8, s10  }
0xc: {  	s16 =	sor.u32 $0x1000, s11;
	s17 =	sadd.s32 s0, s11;
	s18 =	sadd.s32 s1, s11  }
0xd: {  	s20 =	sor.u32 $0x2000, s11;
	s21 =	sor.u32 $0x3000, s11;
	s24 =	sor.u32 $0x4000, s11  }
0xe: {  	s25 =	sor.u32 $0x5000, s11;
	s26 =	sor.u32 $0x6000, s11;
	[dreg:$0x4] =	wrdreg s17  }
0xf: {  	s7 =	sor.u32 $0x7000, s11;
	[dreg:$0x5] =	wrdreg s18;
	s19 =	sadd.s32 s0, s16  }
0x10: {  	s6 =	sadd.s32 s1, s16;
	s9 =	sadd.s32 s0, s20;
	s22 =	sadd.s32 s0, s21  }
0x11: {  	s23 =	sadd.s32 s1, s21;
	s13 =	sadd.s32 s0, s24;
	s14 =	sadd.s32 s1, s24  }
0x12: {  	s15 =	sadd.s32 s0, s25;
	s16 =	sadd.s32 s1, s25;
	[dreg:$0x6] =	wrdreg s19  }
0x13: {  	s17 =	sadd.s32 s0, s26;
	s18 =	sadd.s32 s1, s26;
	[dreg:$0x7] =	wrdreg s6  }
0x14: {  	s21 =	sadd.s32 $0x2A00, s2;
	s24 =	simm.s32 $0x80;
	[dreg:$0x8] =	wrdreg s9  }
0x15: {  	s25 =	simm.s32 $0x400;
	s26 =	simm.s32 $0x2;
	[dreg:$0xa] =	wrdreg s22  }
0x16: {  	s6 =	sadd.s32 s1, s20;
	[dreg:$0xb] =	wrdreg s23;
	s19 =	sadd.s32 s0, s7  }
0x17: {  	v0 =	vimm.s32 $0x0;
	v2 =	vlaneseq.u32;
	s20 =	sadd.s32 s1, s7;
	s22 =	sadd.s32 $0x3A00, s2;
	s23 =	smax.u32 s12, $0x1  }
0x18: {  	v1 =	vimm.f32 $0.0e+00;
	v3 =	vimm.s32 $0x1;
	v2 =	vmul.u32 $0x401, v2;
	s2 =	simm.s32 $0x1;
	s0 =	simm.s32 $0x4;
	[dreg:$0x9] =	wrdreg s6  }
.LBB2_1:
0x19: {  	s1 =	simm.s32 $0x0;
	s5 =	rddreg [dreg:$0x4]  }
0x1a: {  	[tilespmem:s1], [sflag:$0x1] =	stream.strided.gather [hbm4b:s5+s24], $0x1000, s25, s24, $0x38;
	[tilespmem:$0x18900] =	vst v63  }
0x1b: {  	s6 =	simm.s32 $0x8000;
	s5 =	rddreg [dreg:$0x5]  }
0x1c: {  	[tilespmem:s6], [sflag:$0x2] =	stream.strided.gather [hbm4b:s5+s24], $0x1000, s25, s24, $0x38;
	[tilespmem:$0x18900] =	vst v63  }
0x1d: {  	s7 =	rddreg [dreg:$0x6];
	s8 =	simm.s32 $0x1000  }
0x1e: {  	[tilespmem:s8], [sflag:$0x1] =	stream.strided.gather [hbm4b:s7+s24], $0x1000, s25, s24, $0x38;
	[tilespmem:$0x18900] =	vst v63  }
0x1f: {  	s9 =	rddreg [dreg:$0x7];
	s10 =	simm.s32 $0x9000  }
0x20: {  	[tilespmem:s10], [sflag:$0x2] =	stream.strided.gather [hbm4b:s9+s24], $0x1000, s25, s24, $0x38;
	[tilespmem:$0x18900] =	vst v63  }
0x21: {  	s11 =	rddreg [dreg:$0x8];
	s12 =	simm.s32 $0x2000  }
0x22: {  	[tilespmem:s12], [sflag:$0x1] =	stream.strided.gather [hbm4b:s11+s24], $0x1000, s25, s24, $0x38;
	[tilespmem:$0x18900] =	vst v63  }
0x23: {  	s6 =	rddreg [dreg:$0x9];
	s7 =	simm.s32 $0xA000  }
0x24: {  	[tilespmem:s7], [sflag:$0x2] =	stream.strided.gather [hbm4b:s6+s24], $0x1000, s25, s24, $0x38;
	[tilespmem:$0x18900] =	vst v63  }
0x25: {  	s8 =	rddreg [dreg:$0xa];
	s9 =	simm.s32 $0x3000  }
0x26: {  	[tilespmem:s9], [sflag:$0x1] =	stream.strided.gather [hbm4b:s8+s24], $0x1000, s25, s24, $0x38;
	[tilespmem:$0x18900] =	vst v63  }
0x27: {  	s10 =	rddreg [dreg:$0xb];
	s11 =	simm.s32 $0xB000  }
0x28: {  	[tilespmem:s11], [sflag:$0x2] =	stream.strided.gather [hbm4b:s10+s24], $0x1000, s25, s24, $0x38;
	[tilespmem:$0x18900] =	vst v63  }
0x29: {  	s12 =	simm.s32 $0x4000  }
0x2a: {  	[tilespmem:s12], [sflag:$0x1] =	stream.strided.gather [hbm4b:s13+s24], $0x1000, s25, s24, $0x38;
	[tilespmem:$0x18900] =	vst v63  }
0x2b: {  	s5 =	simm.s32 $0xC000  }
0x2c: {  	[tilespmem:s5], [sflag:$0x2] =	stream.strided.gather [hbm4b:s14+s24], $0x1000, s25, s24, $0x38;
	[tilespmem:$0x18900] =	vst v63  }
0x2d: {  	s6 =	simm.s32 $0x5000  }
0x2e: {  	[tilespmem:s6], [sflag:$0x1] =	stream.strided.gather [hbm4b:s15+s24], $0x1000, s25, s24, $0x38;
	[tilespmem:$0x18900] =	vst v63  }
0x2f: {  	s7 =	simm.s32 $0xD000  }
0x30: {  	[tilespmem:s7], [sflag:$0x2] =	stream.strided.gather [hbm4b:s16+s24], $0x1000, s25, s24, $0x38;
	[tilespmem:$0x18900] =	vst v63  }
0x31: {  	s8 =	simm.s32 $0x6000  }
0x32: {  	[tilespmem:s8], [sflag:$0x1] =	stream.strided.gather [hbm4b:s17+s24], $0x1000, s25, s24, $0x38;
	[tilespmem:$0x18900] =	vst v63  }
0x33: {  	s9 =	simm.s32 $0xE000  }
0x34: {  	[tilespmem:s9], [sflag:$0x2] =	stream.strided.gather [hbm4b:s18+s24], $0x1000, s25, s24, $0x38;
	[tilespmem:$0x18900] =	vst v63  }
0x35: {  	s10 =	simm.s32 $0x7000  }
0x36: {  	[tilespmem:s10], [sflag:$0x1] =	stream.strided.gather [hbm4b:s19+s24], $0x1000, s25, s24, $0x38;
	[tilespmem:$0x18900] =	vst v63  }
0x37: {  	s11 =	simm.s32 $0xF000;
	s12 =	simm.s32 $0x10020  }
0x38: {  	[tilespmem:s11], [sflag:$0x2] =	stream.strided.gather [hbm4b:s20+s24], $0x1000, s25, s24, $0x38;
	[tilespmem:$0x18900] =	vst v63  }
0x39: {  	[tilespmem:s12+$0xFFFFFFF0] =	vst v0  }
0x3a: {  	[tilespmem:s12+$0x0] =	vst v0  }
0x3b: {  	[tilespmem:s12+$0x10] =	vst v0  }
0x3c: {  	s1 =	simm.s32 $0x140A0;
	[tilespmem:s12+$0xFFFFFFE0] =	vst v0  }
0x3d: {  	[tilespmem:s1+$0xFFFFFFF0] =	vst v1  }
0x3e: {  	[tilespmem:s1+$0x0] =	vst v1  }
0x3f: {  	[tilespmem:s1+$0x10] =	vst v1  }
0x40: {  	s5 =	simm.s32 $0x0;
	s6 =	simm.s32 $0x10060;
	[tilespmem:s1+$0xFFFFFFE0] =	vst v1  }
.LBB2_2:
0x41: {  	[tilespmem:s6+$0xFFFFFFF0] =	vst v0;
	s1 =	sadd.s32 $0x40, s1  }
0x42: {  	s5 =	sadd.s32 $0x40, s5;
	[tilespmem:s1+$0xFFFFFFF0] =	vst v1  }
0x43: {  	p0 =	slt.u32 s5, $0x3FC0;
	[tilespmem:s6+$0x0] =	vst v0  }
.Ltmp0:
0x44: {  	[tilespmem:s1+$0x0] =	vst v1;
	(pc) =	sbr.rel @p0 .LBB2_2-.Ltmp0, $4  }
0x45: {  	[tilespmem:s6+$0x10] =	vst v0  }
0x46: {  	[tilespmem:s1+$0x10] =	vst v1  }
0x47: {  	[tilespmem:s6+$0xFFFFFFE0] =	vst v0  }
0x48: {  	s6 =	sadd.s32 $0x40, s6;
	[tilespmem:s1+$0xFFFFFFE0] =	vst v1  }
0x49: {  	[tilespmem:$0x14000] =	vst v0  }
0x4a: {  	[tilespmem:$0x18080] =	vst v1;
	s1 =	simm.s32 $0x0;
	s12 =	simm.s32 $0x40;
	s6 =	simm.s32 $0x8040  }
.LBB2_4:
0x4b: {  	_ =	swait.ge [sflag:s2], $0x1000  }
0x4c: {  	[sflag:s2] =	ssyncset.done $0x0  }
0x4d: {  	[sflag:s2] =	ssyncadd.s32 $0xFFFFF000  }
0x4e: {  	_ =	swait.ge [sflag:s26], $0x1000  }
0x4f: {  	[sflag:s26] =	ssyncset.done $0x0  }
0x50: {  	[sflag:s26] =	ssyncadd.s32 $0xFFFFF000  }
0x51: {  	v4 =	vld [tilespmem:s6+$0x10]  }
0x52: {  	v5 =	vld [tilespmem:s12+$0x0]  }
0x53: {  	v6 =	vld [tilespmem:s12+$0xFFFFFFC0]  }
0x54: {  	v7 =	vld [tilespmem:s6+$0xFFFFFFC0]  }
0x55: {  	v8 =	vld [tilespmem:s6+$0x0]  }
0x56: {  	v9 =	vld [tilespmem:s6+$0xFFFFFFD0]  }
0x57: {  	v10 =	vld [tilespmem:s12+$0xFFFFFFD0]  }
0x58: {  	v12 =	vld [tilespmem:s6+$0xFFFFFFF0]  }
0x59: {  	v11 =	vld [tilespmem:s12+$0x10]  }
0x5a: {  	v13 =	vld [tilespmem:s12+$0xFFFFFFF0]  }
0x5b: {  	vm0 =	vgt.f32 v7, $0.0e+00  }
0x5c: {  	vm1 =	vgt.f32 v8, $0.0e+00;
	vm2 =	vgt.f32 v4, $0.0e+00;
	vm3 =	vgt.f32 v9, $0.0e+00  }
0x5d: {  	s7 =	sshll.u32 s1, $0xC;
	vm15 =	vgt.f32 v12, $0.0e+00;
	v5 =	vnsel vm1, $0x0, v5;
	v14 =	vnsel vm0, $0x0, v6  }
0x5e: {  	s8 =	sadd.s32 $0x1000, s7;
	s10 =	sadd.s32 $0x80, s7;
	v10 =	vnsel vm3, $0x0, v10;
	v11 =	vnsel vm2, $0x0, v11;
	v7 =	vsub.f32 v14, v7  }
0x5f: {  	p0 =	slt.u32 s10, s8;
	v15 =	vld [tilespmem:s6+$0x30];
	v9 =	vsub.f32 v10, v9;
	v10 =	vnsel vm15, $0x0, v13;
	v13 =	vsub.f32 v11, v4  }
.Ltmp1:
0x60: {  	v16 =	vld [tilespmem:s6+$0xFFFFFFE0];
	v11 =	vsub.f32 v5, v8;
	v8 =	vsub.f32 v10, v12;
	v4 =	vand.u32 $0x7FFFFFFF, v7;
	(pc) =	sbr.rel @!p0 .LBB2_6-.Ltmp1, $4  }
0x61: {  	v6 =	vld [tilespmem:s12+$0xFFFFFFE0];
	v5 =	vand.u32 $0x7FFFFFFF, v9;
	v10 =	vand.u32 $0x7FFFFFFF, v13;
	v7 =	vshrl.u32 v4, $0x15  }
0x62: {  	v14 =	vld [tilespmem:s12+$0x30];
	[tilespmem:s12+$0xFFFFFFC0] =	vst v4;
	v9 =	vand.u32 $0x7FFFFFFF, v8;
	v8 =	vadd.s32 v2, v7;
	v7 =	vshrl.u32 v5, $0x15  }
0x63: {  	v13 =	vld [tilespmem:s6+$0x20];
	[tilespmem:s12+$0x10] =	vst v10;
	v7 =	vadd.s32 v2, v7  }
0x64: {  	s11 =	sadd.s32 $0x80, s6;
	s9 =	smov.u32 s12;
	s5 =	smov.u32 s12;
	v12 =	vld [tilespmem:s12+$0x20];
	v18 =	vshrl.u32 v10, $0x15;
	[tilespmem:s12+$0xFFFFFFD0] =	vst v5;
	v17 =	vshrl.u32 v9, $0x15  }
.LBB2_5:
0x65: {  	v19 =	vld [tilespmem:s11+$0x10];
	s10 =	sadd.s32 $0x80, s10;
	s9 =	sadd.s32 $0x80, s9  }
0x66: {  	v18 =	vadd.s32 v2, v18;
	v20 =	vld [tilespmem:s9+$0x0];
	p0 =	slt.u32 s10, s8;
	vm0 =	vgt.f32 v15, $0.0e+00  }
0x67: {  	v17 =	vadd.s32 v2, v17;
	v11 =	vand.u32 $0x7FFFFFFF, v11;
	v21 =	vld [tilespmem:s9+$0xFFFFFFE0];
	[tilespmem:s5+$0xFFFFFFF0] =	vst v9;
	v14 =	vnsel vm0, $0x0, v14  }
0x68: {  	v22 =	vshrl.u32 v11, $0x15;
	[tilespmem:v7+s28+$0x0] =	vst.idx.add.s32.msk $0xffff, v3;
	vm0 =	vgt.f32 v13, $0.0e+00;
	v14 =	vsub.f32 v14, v15  }
0x69: {  	v22 =	vadd.s32 v2, v22;
	v15 =	vld [tilespmem:s9+$0xFFFFFFF0];
	vm1 =	vgt.f32 v16, $0.0e+00;
	[tilespmem:s5+$0x0] =	vst v11;
	v12 =	vnsel vm0, $0x0, v12  }
0x6a: {  	[tilespmem:v8+s28+$0x0] =	vst.idx.add.s32.msk $0xffff, v3;
	v25 =	vnsel vm1, $0x0, v6;
	v12 =	vsub.f32 v12, v13;
	v13 =	vand.u32 $0x7FFFFFFF, v14  }
0x6b: {  	v14 =	vld [tilespmem:s9+$0xFFFFFFC0];
	v16 =	vsub.f32 v25, v16;
	[tilespmem:s5+$0x30] =	vst v13;
	v24 =	vshrl.u32 v13, $0x15  }
0x6c: {  	[tilespmem:v18+s28+$0x0] =	vst.idx.add.s32.msk $0xffff, v3;
	v12 =	vand.u32 $0x7FFFFFFF, v12;
	v23 =	vadd.s32 v2, v24;
	v6 =	vmov v21  }
0x6d: {  	v16 =	vand.u32 $0x7FFFFFFF, v16;
	[tilespmem:v18+s29+$0x0] =	vst.idx.add.f32.msk $0xffff, v10;
	v10 =	vshrl.u32 v12, $0x15  }
0x6e: {  	v18 =	vshrl.u32 v16, $0x15;
	[tilespmem:v22+s28+$0x0] =	vst.idx.add.s32.msk $0xffff, v3;
	v10 =	vadd.s32 v2, v10  }
0x6f: {  	v18 =	vadd.s32 v2, v18;
	[tilespmem:v17+s28+$0x0] =	vst.idx.add.s32.msk $0xffff, v3  }
0x70: {  	[tilespmem:v17+s29+$0x0] =	vst.idx.add.f32.msk $0xffff, v9  }
0x71: {  	v9 =	vld [tilespmem:s11+$0xFFFFFFC0];
	[tilespmem:s5+$0xFFFFFFE0] =	vst v16  }
0x72: {  	[tilespmem:v23+s28+$0x0] =	vst.idx.add.s32.msk $0xffff, v3  }
0x73: {  	[tilespmem:v23+s29+$0x0] =	vst.idx.add.f32.msk $0xffff, v13  }
0x74: {  	v13 =	vld [tilespmem:s11+$0x0];
	[tilespmem:s5+$0x20] =	vst v12;
	s5 =	smov.u32 s9  }
0x75: {  	v17 =	vld [tilespmem:s11+$0xFFFFFFD0]  }
0x76: {  	v21 =	vld [tilespmem:s9+$0xFFFFFFD0]  }
0x77: {  	[tilespmem:v18+s28+$0x0] =	vst.idx.add.s32.msk $0xffff, v3  }
0x78: {  	v23 =	vld [tilespmem:s11+$0xFFFFFFF0]  }
0x79: {  	vm2 =	vgt.f32 v19, $0.0e+00;
	vm0 =	vgt.f32 v9, $0.0e+00;
	vm1 =	vgt.f32 v13, $0.0e+00;
	[tilespmem:v22+s29+$0x0] =	vst.idx.add.f32.msk $0xffff, v11  }
0x7a: {  	vm3 =	vgt.f32 v17, $0.0e+00;
	v11 =	vnsel vm1, $0x0, v20;
	v20 =	vld [tilespmem:s9+$0x10]  }
0x7b: {  	v14 =	vnsel vm0, $0x0, v14;
	v21 =	vnsel vm3, $0x0, v21;
	v11 =	vsub.f32 v11, v13;
	[tilespmem:v18+s29+$0x0] =	vst.idx.add.f32.msk $0xffff, v16  }
0x7c: {  	v13 =	vsub.f32 v21, v17;
	[tilespmem:v10+s28+$0x0] =	vst.idx.add.s32.msk $0xffff, v3  }
0x7d: {  	v9 =	vsub.f32 v14, v9;
	vm0 =	vgt.f32 v23, $0.0e+00;
	[tilespmem:v8+s29+$0x0] =	vst.idx.add.f32.msk $0xffff, v4  }
0x7e: {  	v4 =	vnsel vm0, $0x0, v15;
	[tilespmem:v10+s29+$0x0] =	vst.idx.add.f32.msk $0xffff, v12  }
0x7f: {  	v8 =	vsub.f32 v4, v23;
	v10 =	vnsel vm2, $0x0, v20;
	[tilespmem:v7+s29+$0x0] =	vst.idx.add.f32.msk $0xffff, v5  }
.Ltmp2:
0x80: {  	v4 =	vand.u32 $0x7FFFFFFF, v9;
	v7 =	vsub.f32 v10, v19;
	v14 =	vld [tilespmem:s9+$0x30];
	(pc) =	sbr.rel @p0 .LBB2_5-.Ltmp2, $4  }
0x81: {  	v5 =	vand.u32 $0x7FFFFFFF, v13;
	v10 =	vshrl.u32 v4, $0x15;
	v9 =	vand.u32 $0x7FFFFFFF, v8;
	v15 =	vld [tilespmem:s11+$0x30]  }
0x82: {  	v13 =	vshrl.u32 v5, $0x15;
	v8 =	vadd.s32 v2, v10;
	[tilespmem:s9+$0xFFFFFFC0] =	vst v4;
	v10 =	vand.u32 $0x7FFFFFFF, v7;
	v12 =	vld [tilespmem:s9+$0x20]  }
0x83: {  	v7 =	vadd.s32 v2, v13;
	v17 =	vshrl.u32 v9, $0x15;
	[tilespmem:s9+$0x10] =	vst v10;
	v18 =	vshrl.u32 v10, $0x15;
	v13 =	vld [tilespmem:s11+$0x20]  }
0x84: {  	[tilespmem:s9+$0xFFFFFFD0] =	vst v5;
	v16 =	vld [tilespmem:s11+$0xFFFFFFE0];
	s11 =	sadd.s32 $0x80, s11  }
.LBB2_6:
0x85: {  	_ =	sdelay $0x2  }
0x86: {  	[tilespmem:s5+$0xFFFFFFF0] =	vst v9  }
0x87: {  	v18 =	vadd.s32 v2, v18;
	[tilespmem:v7+s28+$0x0] =	vst.idx.add.s32.msk $0xffff, v3  }
0x88: {  	v11 =	vand.u32 $0x7FFFFFFF, v11;
	v17 =	vadd.s32 v2, v17;
	[tilespmem:v8+s28+$0x0] =	vst.idx.add.s32.msk $0xffff, v3  }
0x89: {  	vm0 =	vgt.f32 v15, $0.0e+00;
	[tilespmem:s5+$0x0] =	vst v11  }
0x8a: {  	[tilespmem:v8+s29+$0x0] =	vst.idx.add.f32.msk $0xffff, v4;
	v14 =	vnsel vm0, $0x0, v14  }
0x8b: {  	v19 =	vshrl.u32 v11, $0x15;
	[tilespmem:v7+s29+$0x0] =	vst.idx.add.f32.msk $0xffff, v5;
	v14 =	vsub.f32 v14, v15  }
0x8c: {  	v59 =	vadd.s32 v2, v19;
	vm14 =	vgt.f32 v16, $0.0e+00;
	[tilespmem:v18+s28+$0x0] =	vst.idx.add.s32.msk $0xffff, v3  }
0x8d: {  	vm15 =	vgt.f32 v13, $0.0e+00;
	v14 =	vand.u32 $0x7FFFFFFF, v14;
	v6 =	vnsel vm14, $0x0, v6;
	[tilespmem:v17+s28+$0x0] =	vst.idx.add.s32.msk $0xffff, v3  }
0x8e: {  	v61 =	vnsel vm15, $0x0, v12;
	[tilespmem:s5+$0x30] =	vst v14;
	v6 =	vsub.f32 v6, v16  }
0x8f: {  	v60 =	vshrl.u32 v14, $0x15;
	[tilespmem:v18+s29+$0x0] =	vst.idx.add.f32.msk $0xffff, v10;
	v10 =	vsub.f32 v61, v13  }
0x90: {  	[tilespmem:v17+s29+$0x0] =	vst.idx.add.f32.msk $0xffff, v9;
	v16 =	vadd.s32 v2, v60;
	v6 =	vand.u32 $0x7FFFFFFF, v6  }
0x91: {  	[tilespmem:v59+s28+$0x0] =	vst.idx.add.s32.msk $0xffff, v3;
	v63 =	vand.u32 $0x7FFFFFFF, v10;
	v62 =	vshrl.u32 v6, $0x15  }
0x92: {  	[tilespmem:v59+s29+$0x0] =	vst.idx.add.f32.msk $0xffff, v11;
	v10 =	vshrl.u32 v63, $0x15;
	v12 =	vadd.s32 v2, v62  }
0x93: {  	[tilespmem:s5+$0xFFFFFFE0] =	vst v6;
	v10 =	vadd.s32 v2, v10  }
0x94: {  	[tilespmem:s5+$0x20] =	vst v63  }
0x95: {  	s11 =	sshll.u32 s1, $0xF;
	s1 =	sadd.s32 $0x1, s1;
	[tilespmem:v16+s28+$0x0] =	vst.idx.add.s32.msk $0xffff, v3  }
0x96: {  	p0 =	seq.s32 s1, $0x8;
	[tilespmem:v16+s29+$0x0] =	vst.idx.add.f32.msk $0xffff, v14  }
.Ltmp3:
0x97: {  	[tilespmem:v12+s28+$0x0] =	vst.idx.add.s32.msk $0xffff, v3;
	(pc) =	sbr.rel @!p0 .LBB2_4-.Ltmp3, $4  }
0x98: {  	s5 =	sadd.s32 s4, s11;
	[tilespmem:v10+s28+$0x0] =	vst.idx.add.s32.msk $0xffff, v3  }
0x99: {  	s5 =	sshrl.u32 s5, $0x3;
	[tilespmem:v12+s29+$0x0] =	vst.idx.add.f32.msk $0xffff, v6  }
0x9a: {  	s12 =	sadd.s32 $0x1000, s12;
	s6 =	sadd.s32 $0x1000, s6;
	s5 =	sadd.s32 s3, s5;
	[tilespmem:v10+s29+$0x0] =	vst.idx.add.f32.msk $0xffff, v63  }
0x9b: {  	[hbm4b:s5+s24] =	stream.strided.scatter [tilespmem:s7], [sflag:$0x3], $0x1000, s25, s24, $0x38;
	[tilespmem:$0x18900] =	vst v63  }
0x9c: {  	s8 =	simm.s32 $0x12008  }
0x9d: {  	v5 =	vld [tilespmem:s8+$0x1C17]  }
0x9e: {  	s6 =	simm.s32 $0x16088;
	v4 =	vld [tilespmem:s8+$0x1415]  }
0x9f: {  	v6 =	vld [tilespmem:s6+$0xFFFFE008]  }
0xa0: {  	v7 =	vld [tilespmem:s6+$0xFFFFE409]  }
0xa1: {  	v8 =	vld [tilespmem:s8+$0xC13]  }
0xa2: {  	v9 =	vld [tilespmem:s6+$0xFFFFE80A]  }
0xa3: {  	v10 =	vld [tilespmem:s8+$0x411]  }
0xa4: {  	v11 =	vld [tilespmem:s6+$0xFFFFEC0B]  }
0xa5: {  	v12 =	vld [tilespmem:s8+$0xFFFFFC0F]  }
0xa6: {  	v13 =	vld [tilespmem:s6+$0xFFFFF00C]  }
0xa7: {  	v14 =	vld [tilespmem:s8+$0xFFFFF40D]  }
0xa8: {  	v15 =	vld [tilespmem:s6+$0xFFFFF40D]  }
0xa9: {  	v16 =	vld [tilespmem:s8+$0xFFFFEC0B]  }
0xaa: {  	v17 =	vld [tilespmem:s6+$0xFFFFF80E]  }
0xab: {  	v18 =	vld [tilespmem:s8+$0xFFFFE008]  }
0xac: {  	v19 =	vld [tilespmem:s6+$0xFFFFFC0F]  }
0xad: {  	v20 =	vld [tilespmem:s8+$0xFFFFE409]  }
0xae: {  	v21 =	vld [tilespmem:s6+$0x10]  }
0xaf: {  	v22 =	vld [tilespmem:s8+$0xFFFFE80A]  }
0xb0: {  	v23 =	vld [tilespmem:s6+$0x411]  }
0xb1: {  	v24 =	vld [tilespmem:s8+$0xFFFFF00C]  }
0xb2: {  	v25 =	vld [tilespmem:s6+$0x812]  }
0xb3: {  	v26 =	vld [tilespmem:s8+$0xFFFFF80E]  }
0xb4: {  	v27 =	vld [tilespmem:s6+$0xC13]  }
0xb5: {  	v28 =	vld [tilespmem:s8+$0x10]  }
0xb6: {  	v29 =	vld [tilespmem:s6+$0x1014]  }
0xb7: {  	v30 =	vld [tilespmem:s8+$0x812]  }
0xb8: {  	v31 =	vld [tilespmem:s6+$0x1415]  }
0xb9: {  	v32 =	vld [tilespmem:s8+$0x1014]  }
0xba: {  	v33 =	vld [tilespmem:s6+$0x1816]  }
0xbb: {  	v34 =	vld [tilespmem:s8+$0x1816]  }
0xbc: {  	v35 =	vld [tilespmem:s6+$0x1C17]  }
0xbd: {  	v36 =	vld [tilespmem:s6+$0xFFFFE3F9]  }
0xbe: {  	v6 =	vadd.f32 v7, v6;
	v7 =	vld [tilespmem:s6+$0xFFFFDFF8]  }
0xbf: {  	v37 =	vld [tilespmem:s6+$0xFFFFEBFB]  }
0xc0: {  	v6 =	vadd.f32 v9, v6;
	v9 =	vld [tilespmem:s6+$0xFFFFE7FA]  }
0xc1: {  	v38 =	vld [tilespmem:s6+$0xFFFFF3FD]  }
0xc2: {  	v46 =	vld [tilespmem:s6+$0xFFFFF7FE];
	v6 =	vadd.f32 v11, v6  }
0xc3: {  	v47 =	vld [tilespmem:s6+$0xFFFFFBFF];
	v7 =	vadd.f32 v36, v7  }
0xc4: {  	v11 =	vld [tilespmem:s6+$0xFFFFEFFC];
	v6 =	vadd.f32 v13, v6  }
0xc5: {  	v48 =	vld [tilespmem:s6+$0x0];
	v7 =	vadd.f32 v9, v7  }
0xc6: {  	v49 =	vld [tilespmem:s8+$0xFFFFDFF8];
	v6 =	vadd.f32 v15, v6  }
0xc7: {  	v50 =	vld [tilespmem:s8+$0xFFFFE7FA];
	v7 =	vadd.f32 v37, v7  }
0xc8: {  	v51 =	vld [tilespmem:s6+$0x401];
	v6 =	vadd.f32 v17, v6  }
0xc9: {  	v52 =	vld [tilespmem:s8+$0xFFFFEFFC];
	v7 =	vadd.f32 v11, v7  }
0xca: {  	v53 =	vld [tilespmem:s6+$0x802];
	v6 =	vadd.f32 v19, v6  }
0xcb: {  	v54 =	vld [tilespmem:s8+$0xFFFFF3FD];
	v18 =	vadd.s32 v18, v20;
	v7 =	vadd.f32 v38, v7  }
0xcc: {  	v18 =	vadd.s32 v22, v18;
	v9 =	vld [tilespmem:s8+$0xFFFFE3F9];
	v6 =	vadd.f32 v21, v6  }
0xcd: {  	v55 =	vld [tilespmem:s8+$0xFFFFF7FE];
	v16 =	vadd.s32 v16, v18;
	v7 =	vadd.f32 v46, v7  }
0xce: {  	v16 =	vadd.s32 v24, v16;
	v11 =	vld [tilespmem:s8+$0xFFFFEBFB];
	v6 =	vadd.f32 v23, v6  }
0xcf: {  	v56 =	vld [tilespmem:s6+$0xC03];
	v14 =	vadd.s32 v14, v16;
	v7 =	vadd.f32 v47, v7  }
0xd0: {  	v57 =	vld [tilespmem:s8+$0xFFFFFBFF];
	v14 =	vadd.s32 v26, v14;
	v6 =	vadd.f32 v25, v6  }
0xd1: {  	v58 =	vld [tilespmem:s8+$0x0];
	v12 =	vadd.s32 v12, v14;
	v9 =	vadd.s32 v49, v9;
	v7 =	vadd.f32 v48, v7  }
0xd2: {  	v59 =	vld [tilespmem:s6+$0x1004];
	v12 =	vadd.s32 v28, v12;
	v9 =	vadd.s32 v50, v9;
	v6 =	vadd.f32 v27, v6  }
0xd3: {  	v60 =	vld [tilespmem:s8+$0x802];
	v10 =	vadd.s32 v10, v12;
	v9 =	vadd.s32 v11, v9;
	v7 =	vadd.f32 v51, v7  }
0xd4: {  	v10 =	vadd.s32 v30, v10;
	v11 =	vld [tilespmem:s8+$0x401];
	v9 =	vadd.s32 v52, v9;
	v6 =	vadd.f32 v29, v6  }
0xd5: {  	v61 =	vld [tilespmem:s8+$0xC03];
	v8 =	vadd.s32 v8, v10;
	v9 =	vadd.s32 v54, v9;
	v7 =	vadd.f32 v53, v7  }
0xd6: {  	v10 =	vld [tilespmem:s6+$0x1405];
	v8 =	vadd.s32 v32, v8;
	v9 =	vadd.s32 v55, v9;
	v6 =	vadd.f32 v31, v6  }
0xd7: {  	v62 =	vld [tilespmem:s8+$0x1004];
	v4 =	vadd.s32 v4, v8;
	v8 =	vadd.s32 v57, v9;
	v7 =	vadd.f32 v56, v7  }
0xd8: {  	v9 =	vadd.s32 v34, v4;
	v4 =	vld [tilespmem:s6+$0x1806];
	v8 =	vadd.s32 v58, v8;
	v6 =	vadd.f32 v33, v6  }
0xd9: {  	v9 =	vadd.s32 v5, v9;
	v5 =	vld [tilespmem:s8+$0x1405];
	v8 =	vadd.s32 v11, v8;
	v63 =	vadd.f32 v59, v7  }
0xda: {  	s1 =	simm.s32 $0x18110;
	v8 =	vadd.s32 v60, v8;
	v11 =	vadd.f32 v35, v6;
	v6 =	vld [tilespmem:s8+$0x1806]  }
0xdb: {  	s5 =	simm.s32 $0x18510;
	[tilespmem:s1+$0x0] =	vst v9;
	v8 =	vadd.s32 v61, v8;
	v7 =	vld [tilespmem:s6+$0x1C07];
	v9 =	vadd.f32 v10, v63  }
0xdc: {  	s7 =	simm.s32 $0x0;
	v10 =	vadd.s32 v62, v8;
	v8 =	vld [tilespmem:s8+$0x1C07];
	s8 =	simm.s32 $0x12028;
	[tilespmem:s5+$0x0] =	vst v11  }
.LBB2_8:
0xdd: {  	v11 =	vld [tilespmem:s8+$0x1C17];
	v4 =	vadd.f32 v4, v9  }
0xde: {  	s6 =	sadd.s32 $0x20, s6;
	v9 =	vld [tilespmem:s8+$0x1415];
	v5 =	vadd.s32 v5, v10  }
0xdf: {  	v10 =	vld [tilespmem:s6+$0xFFFFE008];
	v5 =	vadd.s32 v6, v5  }
0xe0: {  	s7 =	sadd.s32 $0x20, s7;
	v6 =	vld [tilespmem:s6+$0xFFFFE409];
	v4 =	vadd.f32 v7, v4  }
0xe1: {  	p0 =	slt.u32 s7, $0x3E0;
	v7 =	vld [tilespmem:s8+$0xC13];
	v5 =	vadd.s32 v8, v5  }
0xe2: {  	v8 =	vld [tilespmem:s6+$0xFFFFE80A];
	[tilespmem:s1+$0xFFFFFFF0] =	vst v5  }
0xe3: {  	v5 =	vld [tilespmem:s8+$0x411];
	[tilespmem:s5+$0xFFFFFFF0] =	vst v4  }
0xe4: {  	v4 =	vld [tilespmem:s6+$0xFFFFEC0B]  }
0xe5: {  	v6 =	vadd.f32 v6, v10;
	v10 =	vld [tilespmem:s8+$0xFFFFFC0F]  }
0xe6: {  	v12 =	vld [tilespmem:s6+$0xFFFFF00C]  }
0xe7: {  	v6 =	vadd.f32 v8, v6;
	v8 =	vld [tilespmem:s8+$0xFFFFF40D]  }
0xe8: {  	v13 =	vld [tilespmem:s6+$0xFFFFF40D]  }
0xe9: {  	v14 =	vld [tilespmem:s8+$0xFFFFEC0B];
	v4 =	vadd.f32 v4, v6  }
0xea: {  	v6 =	vld [tilespmem:s6+$0xFFFFF80E]  }
0xeb: {  	v15 =	vld [tilespmem:s8+$0xFFFFE008];
	v4 =	vadd.f32 v12, v4  }
0xec: {  	v12 =	vld [tilespmem:s6+$0xFFFFFC0F]  }
0xed: {  	v16 =	vld [tilespmem:s8+$0xFFFFE409];
	v4 =	vadd.f32 v13, v4  }
0xee: {  	v13 =	vld [tilespmem:s6+$0x10]  }
0xef: {  	v17 =	vld [tilespmem:s8+$0xFFFFE80A];
	v4 =	vadd.f32 v6, v4  }
0xf0: {  	v6 =	vld [tilespmem:s6+$0x411]  }
0xf1: {  	v18 =	vld [tilespmem:s8+$0xFFFFF00C];
	v4 =	vadd.f32 v12, v4  }
0xf2: {  	v12 =	vld [tilespmem:s6+$0x812]  }
0xf3: {  	v15 =	vadd.s32 v15, v16;
	v16 =	vld [tilespmem:s8+$0xFFFFF80E];
	v4 =	vadd.f32 v13, v4  }
0xf4: {  	v13 =	vadd.s32 v17, v15;
	v15 =	vld [tilespmem:s6+$0xC13]  }
0xf5: {  	v13 =	vadd.s32 v14, v13;
	v14 =	vld [tilespmem:s8+$0x10];
	v4 =	vadd.f32 v6, v4  }
0xf6: {  	v6 =	vadd.s32 v18, v13;
	v13 =	vld [tilespmem:s6+$0x1014]  }
0xf7: {  	v6 =	vadd.s32 v8, v6;
	v8 =	vld [tilespmem:s8+$0x812];
	v4 =	vadd.f32 v12, v4  }
0xf8: {  	v6 =	vadd.s32 v16, v6;
	v12 =	vld [tilespmem:s6+$0x1415]  }
0xf9: {  	v6 =	vadd.s32 v10, v6;
	v4 =	vadd.f32 v15, v4;
	v10 =	vld [tilespmem:s8+$0x1014]  }
0xfa: {  	v6 =	vadd.s32 v14, v6;
	v14 =	vld [tilespmem:s6+$0x1816]  }
0xfb: {  	v5 =	vadd.s32 v5, v6;
	v4 =	vadd.f32 v13, v4;
	v6 =	vld [tilespmem:s8+$0x1816]  }
0xfc: {  	v5 =	vadd.s32 v8, v5;
	v8 =	vld [tilespmem:s6+$0x1C17]  }
0xfd: {  	v13 =	vld [tilespmem:s6+$0xFFFFDFF8];
	v5 =	vadd.s32 v7, v5;
	v4 =	vadd.f32 v12, v4  }
0xfe: {  	v7 =	vld [tilespmem:s6+$0xFFFFE3F9];
	v5 =	vadd.s32 v10, v5  }
0xff: {  	v10 =	vld [tilespmem:s6+$0xFFFFE7FA];
	v5 =	vadd.s32 v9, v5;
	v4 =	vadd.f32 v14, v4  }
0x100: {  	v9 =	vld [tilespmem:s6+$0xFFFFEBFB];
	v5 =	vadd.s32 v6, v5  }
0x101: {  	s1 =	sadd.s32 $0x20, s1;
	v6 =	vld [tilespmem:s6+$0xFFFFEFFC];
	v5 =	vadd.s32 v11, v5;
	v4 =	vadd.f32 v8, v4  }
0x102: {  	s5 =	sadd.s32 $0x20, s5;
	v8 =	vld [tilespmem:s6+$0xFFFFF3FD];
	[tilespmem:s1+$0x0] =	vst v5  }
0x103: {  	v5 =	vadd.f32 v7, v13;
	v7 =	vld [tilespmem:s6+$0xFFFFF7FE];
	[tilespmem:s5+$0x0] =	vst v4  }
0x104: {  	v4 =	vld [tilespmem:s6+$0xFFFFFBFF]  }
0x105: {  	v5 =	vadd.f32 v10, v5;
	v10 =	vld [tilespmem:s6+$0x0]  }
0x106: {  	v11 =	vld [tilespmem:s8+$0xFFFFE3F9]  }
0x107: {  	v12 =	vld [tilespmem:s8+$0xFFFFDFF8];
	v5 =	vadd.f32 v9, v5  }
0x108: {  	v9 =	vld [tilespmem:s8+$0xFFFFE7FA]  }
0x109: {  	v5 =	vadd.f32 v6, v5;
	v6 =	vld [tilespmem:s6+$0x401]  }
0x10a: {  	v13 =	vld [tilespmem:s8+$0xFFFFEBFB]  }
0x10b: {  	v14 =	vld [tilespmem:s8+$0xFFFFEFFC];
	v5 =	vadd.f32 v8, v5  }
0x10c: {  	v8 =	vadd.s32 v12, v11;
	v11 =	vld [tilespmem:s6+$0x802]  }
0x10d: {  	v8 =	vadd.s32 v9, v8;
	v9 =	vld [tilespmem:s8+$0xFFFFF3FD];
	v5 =	vadd.f32 v7, v5  }
0x10e: {  	v7 =	vld [tilespmem:s8+$0xFFFFF7FE]  }
0x10f: {  	v8 =	vadd.s32 v13, v8;
	v4 =	vadd.f32 v4, v5;
	v5 =	vld [tilespmem:s6+$0xC03]  }
0x110: {  	v8 =	vadd.s32 v14, v8;
	v12 =	vld [tilespmem:s8+$0xFFFFFBFF]  }
0x111: {  	v13 =	vld [tilespmem:s8+$0x0];
	v4 =	vadd.f32 v10, v4  }
0x112: {  	v8 =	vadd.s32 v9, v8;
	v9 =	vld [tilespmem:s6+$0x1004]  }
0x113: {  	v7 =	vadd.s32 v7, v8;
	v8 =	vld [tilespmem:s8+$0x401];
	v4 =	vadd.f32 v6, v4  }
0x114: {  	v6 =	vld [tilespmem:s8+$0x802]  }
0x115: {  	v7 =	vadd.s32 v12, v7;
	v4 =	vadd.f32 v11, v4;
	v10 =	vld [tilespmem:s6+$0x1405]  }
0x116: {  	v7 =	vadd.s32 v13, v7;
	v11 =	vld [tilespmem:s8+$0xC03]  }
0x117: {  	v5 =	vadd.f32 v5, v4;
	v12 =	vld [tilespmem:s8+$0x1004]  }
.Ltmp4:
0x118: {  	v7 =	vadd.s32 v8, v7;
	v4 =	vld [tilespmem:s6+$0x1806];
	(pc) =	sbr.rel @p0 .LBB2_8-.Ltmp4, $4  }
0x119: {  	v7 =	vadd.s32 v6, v7;
	v8 =	vadd.f32 v9, v5;
	v5 =	vld [tilespmem:s8+$0x1405]  }
0x11a: {  	v6 =	vld [tilespmem:s8+$0x1806]  }
0x11b: {  	v11 =	vadd.s32 v11, v7;
	v9 =	vadd.f32 v10, v8;
	v7 =	vld [tilespmem:s6+$0x1C07]  }
0x11c: {  	v10 =	vadd.s32 v12, v11;
	v8 =	vld [tilespmem:s8+$0x1C07];
	s8 =	sadd.s32 $0x20, s8  }
0x11d: {  	_ =	sdelay $0x1  }
0x11e: {  	v4 =	vadd.f32 v4, v9;
	v5 =	vadd.s32 v5, v10  }
0x11f: {  	v5 =	vadd.s32 v6, v5  }
0x120: {  	v4 =	vadd.f32 v7, v4;
	v5 =	vadd.s32 v8, v5  }
0x121: {  	[tilespmem:s1+$0xFFFFFFF0] =	vst v5  }
0x122: {  	[tilespmem:s5+$0xFFFFFFF0] =	vst v4  }
0x123: {  	_ =	swait.ge [sflag:s30], $0x1000  }
0x124: {  	[sflag:s30] =	ssyncset.done $0x0  }
0x125: {  	[sflag:s30] =	ssyncadd.s32 $0xFFFFF000  }
0x126: {  	_ =	swait.ge [sflag:s30], $0x1000  }
0x127: {  	[sflag:s30] =	ssyncset.done $0x0  }
0x128: {  	[sflag:s30] =	ssyncadd.s32 $0xFFFFF000  }
0x129: {  	_ =	swait.ge [sflag:s30], $0x1000  }
0x12a: {  	[sflag:s30] =	ssyncset.done $0x0  }
0x12b: {  	[sflag:s30] =	ssyncadd.s32 $0xFFFFF000  }
0x12c: {  	_ =	swait.ge [sflag:s30], $0x1000  }
0x12d: {  	[sflag:s30] =	ssyncset.done $0x0  }
0x12e: {  	[sflag:s30] =	ssyncadd.s32 $0xFFFFF000  }
0x12f: {  	_ =	swait.ge [sflag:s30], $0x1000  }
0x130: {  	[sflag:s30] =	ssyncset.done $0x0  }
0x131: {  	[sflag:s30] =	ssyncadd.s32 $0xFFFFF000  }
0x132: {  	_ =	swait.ge [sflag:s30], $0x1000  }
0x133: {  	[sflag:s30] =	ssyncset.done $0x0  }
0x134: {  	[sflag:s30] =	ssyncadd.s32 $0xFFFFF000  }
0x135: {  	_ =	swait.ge [sflag:s30], $0x1000  }
0x136: {  	[sflag:s30] =	ssyncset.done $0x0  }
0x137: {  	[sflag:s30] =	ssyncadd.s32 $0xFFFFF000  }
0x138: {  	_ =	swait.ge [sflag:s30], $0x1000  }
0x139: {  	[sflag:s30] =	ssyncset.done $0x0  }
0x13a: {  	s11 =	simm.s32 $0x18100;
	[sflag:s30] =	ssyncadd.s32 $0xFFFFF000  }
0x13b: {  	[hbm4b:s21+s24] =	stream.strided.scatter [tilespmem:s11], [sflag:$0x4], $0x400, s25, s24, $0x38;
	[tilespmem:$0x18900] =	vst v63  }
0x13c: {  	s31 =	sadd.s32 $0x1, s31;
	_ =	swait.ge [sflag:s0], $0x400  }
0x13d: {  	p0 =	sne.s32 s31, s23;
	[sflag:s0] =	ssyncset.done $0x0  }
.Ltmp5:
0x13e: {  	s12 =	simm.s32 $0x18500;
	[sflag:s0] =	ssyncadd.s32 $0xFFFFFC00;
	(pc) =	sbr.rel @p0 .LBB2_1-.Ltmp5, $4  }
0x13f: {  	[hbm4b:s22+s24] =	stream.strided.scatter [tilespmem:s12], [sflag:$0x4], $0x400, s25, s24, $0x38;
	[tilespmem:$0x18900] =	vst v63  }
0x140: {  	_ =	swait.ge [sflag:s0], $0x400  }
0x141: {  	[sflag:s0] =	ssyncset.done $0x0  }
0x142: {  	[sflag:s0] =	ssyncadd.s32 $0xFFFFFC00  }
0x143: {  	_ =	sfence.sel $0x180000  }
0x144: {  	[bflag:$0x0] =	sbarrier.arrive $0xFFFF  }
0x145: {  	_ =	strace $0x90000047  }
0x146: {  	s0 =	stileid.u32;
	[bflag:$0x2] =	sbarrier.arrive $0xFFFF  }
0x147: {  	p0 =	sne.s32 s0, $0x0;
	s0 =	rddreg [dreg:$0x3]  }
0x148: {  	s0 =	sadd.s32 @!p0 $0x100000, s0  }
0x149: {  	[sflag:s0] =	ssyncadd.tile.s32 @!p0 $0x1;
	_ =	shalt  }
.Lfunc_end2:
_tile_overlayer_lowered:
.L_overlay_start_2:
0x14a: {  	(tag) =	ssettag $0x2  }
0x14b: {  	s0 =	rddreg [dreg:$0x0];
	s2 =	stileid.u32  }
0x14c: {  	s1 =	rddreg [dreg:$0x1];
	p0 =	sne.s32 s2, $0x0  }
0x14d: {  	s3 =	rddreg [dreg:$0x2];
	[bflag:$0x3] =	sbarrier.arrive $0xFFFF;
	s2 =	simm.s32 @!p0 $0x1C04  }
0x14e: {  	[timem:s3], [sflag:s2] =	dma.local @!p0 [hbm:s0], s1  }
0x14f: {  	s0 =	simm.s32 @!p0 $0x4  }
0x150: {  	_ =	swait.ge @!p0 [sflag:s0], s1  }
0x151: {  	s1 =	ssub.s32 @!p0 $0x0, s1;
	[sflag:s0] =	ssyncset.done @!p0 $0x0  }
0x152: {  	[sflag:s0] =	ssyncadd.s32 @!p0 s1  }
0x153: {  	[bflag:$0x3] =	sbarrier.arrive $0xFFFF  }
0x154: {  	_ =	shalt  }

</sc_bundles>
